<compile_context>
chip_gen: v7x
topology: tpu7x:2x2x1
jax: 0.10.2.dev20260603
libtpu: 0.0.44.dev20260713+nightly
codegen_flags: <defaults>
</compile_context>

<pallas_src>
import jax
import jax.numpy as jnp
import numpy as np
from jax import lax
from jax.experimental import pallas as pl
from jax.experimental.pallas import tpu as pltpu
from jax.experimental.pallas import tpu_sc as plsc

NUM_LEVELS = 16
NUM_FEATS = 2
LOG2_T = 19
T = 2 ** LOG2_T
BASE_RES = 16.0
DESIRED_RES = 2048.0
N_POINTS = 262144

P1 = np.int32(np.int64(2654435761) - 2 ** 32)
P2 = np.int32(805459861)
HASH_MASK = T - 1

NC = 2
NS = 16
LANES = 16
NW = NC * NS
PTS_PER_WORKER = N_POINTS // NW
CHUNK = 512
N_CHUNKS = PTS_PER_WORKER // CHUNK
GROUPS = CHUNK // LANES
ENC_DIM = NUM_LEVELS * NUM_FEATS
NIDX = 8 * CHUNK
TBL_SIZE = NUM_LEVELS * T * NUM_FEATS

_growth = np.exp((np.log(DESIRED_RES) - np.log(BASE_RES)) / (NUM_LEVELS - 1))
RES_F32 = [np.float32(BASE_RES * _growth ** l) for l in range(NUM_LEVELS)]


PRE_CHUNK = 16384
PRE_PER_WORKER = TBL_SIZE // NW
PRE_ROUNDS = PRE_PER_WORKER // PRE_CHUNK


def _sc_pack_body(tbl_hbm, out_hbm, tin0, tin1, tout0, tout1,
                  semi0, semi1, semo0, semo1):
    wid = lax.axis_index("s") * NC + lax.axis_index("c")
    lane = lax.iota(jnp.int32, LANES)
    lane2 = lane + lane
    tin_b = (tin0, tin1)
    tout_b = (tout0, tout1)
    semi_b = (semi0, semi1)
    semo_b = (semo0, semo1)
    wbase = wid * PRE_PER_WORKER

    def fire_in(r):
        return pltpu.async_copy(
            tbl_hbm.at[pl.ds(wbase + r * PRE_CHUNK, PRE_CHUNK)],
            tin_b[r % 2], semi_b[r % 2])

    def fire_out(r):
        return pltpu.async_copy(
            tout_b[r % 2],
            out_hbm.at[pl.ds(wbase + r * PRE_CHUNK, PRE_CHUNK)],
            semo_b[r % 2])

    cin = {0: fire_in(0)}
    cout = {}
    for r in range(PRE_ROUNDS):
        tin = tin_b[r % 2]
        tout = tout_b[r % 2]
        if r + 1 < PRE_ROUNDS:
            cin[r + 1] = fire_in(r + 1)
        cin[r].wait()
        if r >= 2:
            cout[r - 2].wait()

        @plsc.parallel_loop(0, PRE_CHUNK // LANES, unroll=2)
        def grp(i):
            v = tin[pl.ds(i * LANES, LANES)]
            obase = ((i >> 4) << 8) + ((i & 7) << 5) + ((i >> 3) & 1)
            plsc.store_scatter(tout, [obase + lane2], v)

        cout[r] = fire_out(r)
    cout[PRE_ROUNDS - 2].wait()
    cout[PRE_ROUNDS - 1].wait()


@jax.jit
def _sc_pack(tbl):
    mesh = plsc.VectorSubcoreMesh(core_axis_name="c", subcore_axis_name="s")
    f = pl.kernel(
        _sc_pack_body,
        out_type=jax.ShapeDtypeStruct((TBL_SIZE,), jnp.float32),
        mesh=mesh,
        compiler_params=pltpu.CompilerParams(
            needs_layout_passes=False, use_tc_tiling_on_sc=False),
        scratch_types=[
            pltpu.VMEM((PRE_CHUNK,), jnp.float32),
            pltpu.VMEM((PRE_CHUNK,), jnp.float32),
            pltpu.VMEM((PRE_CHUNK,), jnp.float32),
            pltpu.VMEM((PRE_CHUNK,), jnp.float32),
            pltpu.SemaphoreType.DMA,
            pltpu.SemaphoreType.DMA,
            pltpu.SemaphoreType.DMA,
            pltpu.SemaphoreType.DMA,
        ],
    )
    return f(tbl)


def _sc_encode_body(x_hbm, y_hbm, z_hbm, tbl_hbm, enc_hbm,
                    xs, ys, zs, idx0, idx1, rem0, rem1, w0, w1, r0, r1,
                    enc_buf, sem0, sem1, semx0, semx1, semy0, semy1,
                    semz0, semz1):
    wid = lax.axis_index("s") * NC + lax.axis_index("c")
    lane = lax.iota(jnp.int32, LANES)
    idx_b = (idx0, idx1)
    rem_b = (rem0, rem1)
    w_b = (w0, w1)
    rows_b = (r0, r1)
    sems_b = ((sem0, semx0, semy0, semz0), (sem1, semx1, semy1, semz1))
    NSPLIT = 4
    PART = NIDX // NSPLIT

    def pass1(l, p):
        res = RES_F32[l]
        lofs4 = l * (T // 4)
        idx_ref = idx_b[p]
        rem_ref = rem_b[p]
        w_ref = w_b[p]

        @plsc.parallel_loop(0, GROUPS, unroll=2)
        def grp1(j):
            x = xs[pl.ds(j * LANES, LANES)]
            y = ys[pl.ds(j * LANES, LANES)]
            z = zs[pl.ds(j * LANES, LANES)]
            sx = x * res
            sy = y * res
            sz = z * res
            fx = sx.astype(jnp.int32)
            fy = sy.astype(jnp.int32)
            fz = sz.astype(jnp.int32)
            frx = sx - fx.astype(jnp.float32)
            fry = sy - fy.astype(jnp.float32)
            frz = sz - fz.astype(jnp.float32)
            a = (fx, fx + 1)
            b = (fy * P1, fy * P1 + P1)
            c = (fz * P2, fz * P2 + P2)
            wx = (1.0 - frx, frx)
            wy = (1.0 - fry, fry)
            wz = (1.0 - frz, frz)
            for corner in range(8):
                cx, cy, cz = corner & 1, (corner >> 1) & 1, (corner >> 2) & 1
                h = (a[cx] ^ b[cy] ^ c[cz]) & HASH_MASK
                pos = j * 8 * LANES + corner * LANES
                idx_ref[pl.ds(pos, LANES)] = (h >> 2) + lofs4
                rem_ref[pl.ds(pos, LANES)] = (h & 3) + (h & 3)
                w_ref[pl.ds(pos, LANES)] = (wx[cx] * wy[cy]) * wz[cz]

    def fire(p):
        for s in range(NSPLIT):
            pltpu.async_copy(tbl_hbm.at[idx_b[p].at[pl.ds(s * PART, PART)]],
                             rows_b[p].at[pl.ds(s * PART, PART)], sems_b[p][s])

    def pass2(l, p):
        w_ref = w_b[p]
        rem_ref = rem_b[p]
        rows = rows_b[p]

        @plsc.parallel_loop(0, GROUPS, unroll=2)
        def grp2(j):
            f0 = jnp.zeros((LANES,), jnp.float32)
            f1 = jnp.zeros((LANES,), jnp.float32)
            for corner in range(8):
                pos = j * 8 * LANES + corner * LANES
                wv = w_ref[pl.ds(pos, LANES)]
                remv = rem_ref[pl.ds(pos, LANES)]
                posv = lane + pos
                f0 = f0 + wv * plsc.load_gather(rows, [posv, remv])
                f1 = f1 + wv * plsc.load_gather(rows, [posv, remv + 1])
            prow = lane * ENC_DIM + (j * LANES * ENC_DIM + 2 * l)
            plsc.store_scatter(enc_buf, [prow], f0)
            plsc.store_scatter(enc_buf, [prow + 1], f1)

    def load_xyz(ci):
        base = wid * PTS_PER_WORKER + ci * CHUNK
        pltpu.sync_copy(x_hbm.at[pl.ds(base, CHUNK)], xs)
        pltpu.sync_copy(y_hbm.at[pl.ds(base, CHUNK)], ys)
        pltpu.sync_copy(z_hbm.at[pl.ds(base, CHUNK)], zs)

    def wait_gather(p):
        for s in range(NSPLIT):
            pltpu.make_async_copy(
                tbl_hbm.at[idx_b[p].at[pl.ds(s * PART, PART)]],
                rows_b[p].at[pl.ds(s * PART, PART)], sems_b[p][s]).wait()

    load_xyz(0)
    pass1(0, 0)
    fire(0)

    def chunk_body(ci, _):
        base = wid * PTS_PER_WORKER + ci * CHUNK
        for l in range(NUM_LEVELS):
            p = l % 2
            q = (l + 1) % 2
            if l + 1 < NUM_LEVELS:
                pass1(l + 1, q)
            else:
                cnext = jnp.minimum(ci + 1, N_CHUNKS - 1)
                load_xyz(cnext)
                pass1(0, q)
            wait_gather(p)
            fire(q)
            pass2(l, p)
        pltpu.sync_copy(enc_buf, enc_hbm.at[pl.ds(base * ENC_DIM, CHUNK * ENC_DIM)])
        return 0

    lax.fori_loop(0, N_CHUNKS, chunk_body, 0)
    wait_gather(0)


@jax.jit
def _sc_encode(x, y, z, tbl):
    mesh = plsc.VectorSubcoreMesh(core_axis_name="c", subcore_axis_name="s")
    f = pl.kernel(
        _sc_encode_body,
        out_type=jax.ShapeDtypeStruct((N_POINTS * ENC_DIM,), jnp.float32),
        mesh=mesh,
        compiler_params=pltpu.CompilerParams(
            needs_layout_passes=False, use_tc_tiling_on_sc=False),
        scratch_types=[
            pltpu.VMEM((CHUNK,), jnp.float32),
            pltpu.VMEM((CHUNK,), jnp.float32),
            pltpu.VMEM((CHUNK,), jnp.float32),
            pltpu.VMEM((NIDX,), jnp.int32),
            pltpu.VMEM((NIDX,), jnp.int32),
            pltpu.VMEM((NIDX,), jnp.int32),
            pltpu.VMEM((NIDX,), jnp.int32),
            pltpu.VMEM((NIDX,), jnp.float32),
            pltpu.VMEM((NIDX,), jnp.float32),
            pltpu.VMEM((NIDX, 8), jnp.float32),
            pltpu.VMEM((NIDX, 8), jnp.float32),
            pltpu.VMEM((CHUNK * ENC_DIM,), jnp.float32),
            pltpu.SemaphoreType.DMA,
            pltpu.SemaphoreType.DMA,
            pltpu.SemaphoreType.DMA,
            pltpu.SemaphoreType.DMA,
            pltpu.SemaphoreType.DMA,
            pltpu.SemaphoreType.DMA,
            pltpu.SemaphoreType.DMA,
            pltpu.SemaphoreType.DMA,
        ],
    )
    return f(x, y, z, tbl)


PTS_PER_ROW = 128 // ENC_DIM
MLP_ROWS = N_POINTS // PTS_PER_ROW


def _mlp_body(enc_ref, w1_ref, b1_ref, w2_ref, b2_ref, out_ref):
    h = jnp.dot(enc_ref[...], w1_ref[...], preferred_element_type=jnp.float32)
    h = jnp.maximum(h + b1_ref[...], 0.0)
    out_ref[...] = jnp.dot(h, w2_ref[...], preferred_element_type=jnp.float32) + b2_ref[...]


@jax.jit
def _mlp(enc4, W1b, b1b, W2b, b2b):
    BN = 2048
    grid = (MLP_ROWS // BN,)
    return pl.pallas_call(
        _mlp_body,
        grid=grid,
        in_specs=[
            pl.BlockSpec((BN, 128), lambda i: (i, 0)),
            pl.BlockSpec((128, 256), lambda i: (0, 0)),
            pl.BlockSpec((1, 256), lambda i: (0, 0)),
            pl.BlockSpec((256, PTS_PER_ROW * NUM_FEATS), lambda i: (0, 0)),
            pl.BlockSpec((1, PTS_PER_ROW * NUM_FEATS), lambda i: (0, 0)),
        ],
        out_specs=pl.BlockSpec((BN, PTS_PER_ROW * NUM_FEATS), lambda i: (i, 0)),
        out_shape=jax.ShapeDtypeStruct((MLP_ROWS, PTS_PER_ROW * NUM_FEATS), jnp.float32),
    )(enc4, W1b, b1b, W2b, b2b)


def _block_diag4(W):
    k, m = W.shape
    out = jnp.zeros((PTS_PER_ROW * k, PTS_PER_ROW * m), W.dtype)
    for i in range(PTS_PER_ROW):
        out = out.at[i * k:(i + 1) * k, i * m:(i + 1) * m].set(W)
    return out


def kernel(coords, tables, W1, b1, W2, b2):
    x = coords[:, 0]
    y = coords[:, 1]
    z = coords[:, 2]
    tbl = tables.reshape(NUM_LEVELS, T // 128, 128, NUM_FEATS)
    tbl = tbl.transpose(0, 1, 3, 2).reshape(TBL_SIZE)
    tbl_pairs = _sc_pack(tbl).reshape(TBL_SIZE // 8, 8)
    enc4 = _sc_encode(x, y, z, tbl_pairs).reshape(MLP_ROWS, 128)
    W1b = _block_diag4(W1)
    b1b = jnp.tile(b1, PTS_PER_ROW).reshape(1, 256)
    W2b = _block_diag4(W2)
    b2b = jnp.tile(b2, PTS_PER_ROW).reshape(1, PTS_PER_ROW * NUM_FEATS)
    out4 = _mlp(enc4, W1b, b1b, W2b, b2b)
    return out4.reshape(N_POINTS, NUM_FEATS)

# --- scband reference (transcript-rebuilt; emitter-appended) ---
"""Pipeline reference for scband-grid-mlp-44976897524567 (READ-ONLY COPY).

The authoritative reference and input builder live on the scoring server;
editing this copy changes nothing except your own understanding.
"""

import jax, jax.numpy as jnp
import numpy as np

NUM_LEVELS = 16
NUM_FEATS = 2
LOG2_HASHMAP_SIZE = 19
T = 2 ** LOG2_HASHMAP_SIZE
BASE_RESOLUTION = 16.0
DESIRED_RESOLUTION = 2048.0
N_POINTS = 262144
PRIMES = np.array([1, 2654435761, 805459861], dtype=np.uint32)


def _hash(ix):
    # instant-ngp spatial hash: xor of per-dim prime-multiplied coords, mod table size
    h = ix.astype(jnp.uint32) * jnp.asarray(PRIMES)
    h = h[..., 0] ^ h[..., 1] ^ h[..., 2]
    return (h % jnp.uint32(T)).astype(jnp.int32)


def _grid_encode(coords, tables):
    growth = np.exp((np.log(DESIRED_RESOLUTION) - np.log(BASE_RESOLUTION)) / (NUM_LEVELS - 1))
    outs = []
    for l in range(NUM_LEVELS):
        res = BASE_RESOLUTION * (growth ** l)
        sc = coords * res
        fl = jnp.floor(sc)
        frac = sc - fl
        fl_i = fl.astype(jnp.int32)
        feats = jnp.zeros((coords.shape[0], NUM_FEATS), dtype=coords.dtype)
        for corner in range(8):
            offs = jnp.array([(corner >> d) & 1 for d in range(3)], dtype=jnp.int32)
            idx = _hash(fl_i + offs[None, :])
            w = jnp.prod(jnp.where(offs[None, :] == 1, frac, 1.0 - frac), axis=-1)
            feats = feats + w[:, None] * jnp.take(tables[l], idx, axis=0)
        outs.append(feats)
    return jnp.concatenate(outs, axis=-1)


def setup_inputs(seed: int = 0) -> dict:
    key = jax.random.key(seed)
    k1, k2, k3, k4 = jax.random.split(key, 4)
    coords = jax.random.uniform(k1, (N_POINTS, 3), dtype=jnp.float32)
    tables = jax.random.uniform(k2, (NUM_LEVELS, T, NUM_FEATS), minval=-1e-4, maxval=1e-4, dtype=jnp.float32)
    W1 = jax.random.normal(k3, (NUM_LEVELS * NUM_FEATS, 64), dtype=jnp.float32) * (1.0 / np.sqrt(NUM_LEVELS * NUM_FEATS))
    b1 = jnp.zeros((64,), jnp.float32)
    W2 = jax.random.normal(k4, (64, NUM_FEATS), dtype=jnp.float32) * (1.0 / 8.0)
    b2 = jnp.zeros((NUM_FEATS,), jnp.float32)
    return {"coords": coords, "tables": tables, "W1": W1, "b1": b1, "W2": W2, "b2": b2}


def reference(coords, tables, W1, b1, W2, b2):
    enc = _grid_encode(coords, tables)  # [N, num_levels*num_feats]
    h = jax.nn.relu(enc @ W1 + b1)
    out = h @ W2 + b2
    return out

if __name__ == "__main__":
    import jax
    _d = setup_inputs()
    print(jax.jit(kernel)(*tuple(_d.values())))

</pallas_src>

<mosaic_0001>
#map = affine_map<(d0, d1) -> (0)>
module attributes {stable_mosaic.version = 14 : i64} {
  func.func @_sc_pack_body(%arg0: i32, %arg1: i32, %arg2: memref<16777216xf32, #tpu.memory_space<hbm>>, %arg3: memref<16777216xf32, #tpu.memory_space<hbm>>, %arg4: memref<16384xf32, #tpu.memory_space<vmem>>, %arg5: memref<16384xf32, #tpu.memory_space<vmem>>, %arg6: memref<16384xf32, #tpu.memory_space<vmem>>, %arg7: memref<16384xf32, #tpu.memory_space<vmem>>, %arg8: memref<!tpu.dma_semaphore, #tpu.memory_space<semaphore_mem>>, %arg9: memref<!tpu.dma_semaphore, #tpu.memory_space<semaphore_mem>>, %arg10: memref<!tpu.dma_semaphore, #tpu.memory_space<semaphore_mem>>, %arg11: memref<!tpu.dma_semaphore, #tpu.memory_space<semaphore_mem>>) attributes {dimension_semantics = [#tpu.dimension_semantics<core_parallel>, #tpu.dimension_semantics<subcore_parallel>], iteration_bounds = array<i64: 2, 16>, scalar_prefetch = 0 : i64, scratch_operands = 8 : i64, tpu.core_type = #tpu.core_type<sc_vector_subcore>, window_params = [{transform_indices = #map}, {transform_indices = #map}]} {
    %mul3A = arith.constant 2 : i32
    %mul3A_0 = arith.muli %arg1, %mul3A : i32
    %add3A = arith.addi %mul3A_0, %arg0 : i32
    %iota3A = tpu.iota {dimensions = array<i32: 0>} : vector<16xi32>
    %add3A_1 = arith.addi %iota3A, %iota3A : vector<16xi32>
    %mul3A_2 = arith.constant 524288 : i32
    %mul3A_3 = arith.muli %add3A, %mul3A_2 : i32
    %add3A_4 = arith.constant 0 : i32
    %add3A_5 = arith.addi %mul3A_3, %add3A_4 : i32
    %dma_start3A = tpu.memref_slice %arg2[%add3A_5] : memref<16777216xf32, #tpu.memory_space<hbm>> -> memref<16384xf32, #tpu.memory_space<hbm>>
    %dma_start3A_6 = tpu.memref_slice %arg2[%add3A_5] : memref<16777216xf32, #tpu.memory_space<hbm>> -> memref<16384xf32, #tpu.memory_space<hbm>>
    tpu.enqueue_dma source(%dma_start3A_6 : memref<16384xf32, #tpu.memory_space<hbm>>) target(%arg4 : memref<16384xf32, #tpu.memory_space<vmem>>) target_semaphore(%arg8 : memref<!tpu.dma_semaphore, #tpu.memory_space<semaphore_mem>>)
    %add3A_7 = arith.constant 16384 : i32
    %add3A_8 = arith.addi %mul3A_3, %add3A_7 : i32
    %dma_start3A_9 = tpu.memref_slice %arg2[%add3A_8] : memref<16777216xf32, #tpu.memory_space<hbm>> -> memref<16384xf32, #tpu.memory_space<hbm>>
    %dma_start3A_10 = tpu.memref_slice %arg2[%add3A_8] : memref<16777216xf32, #tpu.memory_space<hbm>> -> memref<16384xf32, #tpu.memory_space<hbm>>
    tpu.enqueue_dma source(%dma_start3A_10 : memref<16384xf32, #tpu.memory_space<hbm>>) target(%arg5 : memref<16384xf32, #tpu.memory_space<vmem>>) target_semaphore(%arg9 : memref<!tpu.dma_semaphore, #tpu.memory_space<semaphore_mem>>)
    %dma_wait3A = tpu.memref_slice %arg2[%add3A_5] : memref<16777216xf32, #tpu.memory_space<hbm>> -> memref<16384xf32, #tpu.memory_space<hbm>>
    %dma_wait3A_11 = tpu.memref_slice %arg2[%add3A_5] : memref<16777216xf32, #tpu.memory_space<hbm>> -> memref<16384xf32, #tpu.memory_space<hbm>>
    tpu.wait_dma2 semaphore(%arg8 : memref<!tpu.dma_semaphore, #tpu.memory_space<semaphore_mem>>) src(%dma_wait3A_11 : memref<16384xf32, #tpu.memory_space<hbm>>) dst(%arg4 : memref<16384xf32, #tpu.memory_space<vmem>>)
    %parallel_loop3A = arith.constant 0 : i32
    %parallel_loop3A_12 = arith.constant 1024 : i32
    %parallel_loop3A_13 = arith.constant 1 : i32
    scf.for %parallel_loop3A_481 = %parallel_loop3A to %parallel_loop3A_12 step %parallel_loop3A_13  : i32 {
      %parallel_loop3A_482 = arith.constant 16 : i32
      %parallel_loop3A_483 = arith.muli %parallel_loop3A_481, %parallel_loop3A_482 : i32
      %parallel_loop3A_484 = arith.index_cast %parallel_loop3A_483 : i32 to index
      %parallel_loop3A_485 = tpu.vector_load %arg4[%parallel_loop3A_484] {strides = array<i32>} : memref<16384xf32, #tpu.memory_space<vmem>>, vector<16xf32>,
      %parallel_loop3A_486 = arith.constant 4 : i32
      %parallel_loop3A_487 = arith.shrsi %parallel_loop3A_481, %parallel_loop3A_486 : i32
      %parallel_loop3A_488 = arith.constant 8 : i32
      %parallel_loop3A_489 = arith.shli %parallel_loop3A_487, %parallel_loop3A_488 : i32
      %parallel_loop3A_490 = arith.constant 7 : i32
      %parallel_loop3A_491 = arith.andi %parallel_loop3A_481, %parallel_loop3A_490 : i32
      %parallel_loop3A_492 = arith.constant 5 : i32
      %parallel_loop3A_493 = arith.shli %parallel_loop3A_491, %parallel_loop3A_492 : i32
      %parallel_loop3A_494 = arith.addi %parallel_loop3A_489, %parallel_loop3A_493 : i32
      %parallel_loop3A_495 = arith.constant 3 : i32
      %parallel_loop3A_496 = arith.shrsi %parallel_loop3A_481, %parallel_loop3A_495 : i32
      %parallel_loop3A_497 = arith.constant 1 : i32
      %parallel_loop3A_498 = arith.andi %parallel_loop3A_496, %parallel_loop3A_497 : i32
      %parallel_loop3A_499 = arith.addi %parallel_loop3A_494, %parallel_loop3A_498 : i32
      %parallel_loop3A_500 = vector.broadcast %parallel_loop3A_499 : i32 to vector<16xi32>
      %parallel_loop3A_501 = arith.addi %parallel_loop3A_500, %add3A_1 : vector<16xi32>
      tpu.vector_store_idx %arg6[%parallel_loop3A_501], %parallel_loop3A_485 : memref<16384xf32, #tpu.memory_space<vmem>>[vector<16xi32>], vector<16xf32>,
    } {sc.loop_unroll_factor = 2 : i64, sc.parallel_access}
    %add3A_14 = arith.constant 0 : i32
    %add3A_15 = arith.addi %mul3A_3, %add3A_14 : i32
    %dma_start3A_16 = tpu.memref_slice %arg3[%add3A_15] : memref<16777216xf32, #tpu.memory_space<hbm>> -> memref<16384xf32, #tpu.memory_space<hbm>>
    %dma_start3A_17 = tpu.memref_slice %arg3[%add3A_15] : memref<16777216xf32, #tpu.memory_space<hbm>> -> memref<16384xf32, #tpu.memory_space<hbm>>
    tpu.enqueue_dma source(%arg6 : memref<16384xf32, #tpu.memory_space<vmem>>) target(%dma_start3A_17 : memref<16384xf32, #tpu.memory_space<hbm>>) target_semaphore(%arg10 : memref<!tpu.dma_semaphore, #tpu.memory_space<semaphore_mem>>)
    %add3A_18 = arith.constant 32768 : i32
    %add3A_19 = arith.addi %mul3A_3, %add3A_18 : i32
    %dma_start3A_20 = tpu.memref_slice %arg2[%add3A_19] : memref<16777216xf32, #tpu.memory_space<hbm>> -> memref<16384xf32, #tpu.memory_space<hbm>>
    %dma_start3A_21 = tpu.memref_slice %arg2[%add3A_19] : memref<16777216xf32, #tpu.memory_space<hbm>> -> memref<16384xf32, #tpu.memory_space<hbm>>
    tpu.enqueue_dma source(%dma_start3A_21 : memref<16384xf32, #tpu.memory_space<hbm>>) target(%arg4 : memref<16384xf32, #tpu.memory_space<vmem>>) target_semaphore(%arg8 : memref<!tpu.dma_semaphore, #tpu.memory_space<semaphore_mem>>)
    %dma_wait3A_22 = tpu.memref_slice %arg2[%add3A_8] : memref<16777216xf32, #tpu.memory_space<hbm>> -> memref<16384xf32, #tpu.memory_space<hbm>>
    %dma_wait3A_23 = tpu.memref_slice %arg2[%add3A_8] : memref<16777216xf32, #tpu.memory_space<hbm>> -> memref<16384xf32, #tpu.memory_space<hbm>>
    tpu.wait_dma2 semaphore(%arg9 : memref<!tpu.dma_semaphore, #tpu.memory_space<semaphore_mem>>) src(%dma_wait3A_23 : memref<16384xf32, #tpu.memory_space<hbm>>) dst(%arg5 : memref<16384xf32, #tpu.memory_space<vmem>>)
    %parallel_loop3A_24 = arith.constant 0 : i32
    %parallel_loop3A_25 = arith.constant 1024 : i32
    %parallel_loop3A_26 = arith.constant 1 : i32
    scf.for %parallel_loop3A_481 = %parallel_loop3A_24 to %parallel_loop3A_25 step %parallel_loop3A_26  : i32 {
      %parallel_loop3A_482 = arith.constant 16 : i32
      %parallel_loop3A_483 = arith.muli %parallel_loop3A_481, %parallel_loop3A_482 : i32
      %parallel_loop3A_484 = arith.index_cast %parallel_loop3A_483 : i32 to index
      %parallel_loop3A_485 = tpu.vector_load %arg5[%parallel_loop3A_484] {strides = array<i32>} : memref<16384xf32, #tpu.memory_space<vmem>>, vector<16xf32>,
      %parallel_loop3A_486 = arith.constant 4 : i32
      %parallel_loop3A_487 = arith.shrsi %parallel_loop3A_481, %parallel_loop3A_486 : i32
      %parallel_loop3A_488 = arith.constant 8 : i32
      %parallel_loop3A_489 = arith.shli %parallel_loop3A_487, %parallel_loop3A_488 : i32
      %parallel_loop3A_490 = arith.constant 7 : i32
      %parallel_loop3A_491 = arith.andi %parallel_loop3A_481, %parallel_loop3A_490 : i32
      %parallel_loop3A_492 = arith.constant 5 : i32
      %parallel_loop3A_493 = arith.shli %parallel_loop3A_491, %parallel_loop3A_492 : i32
      %parallel_loop3A_494 = arith.addi %parallel_loop3A_489, %parallel_loop3A_493 : i32
      %parallel_loop3A_495 = arith.constant 3 : i32
      %parallel_loop3A_496 = arith.shrsi %parallel_loop3A_481, %parallel_loop3A_495 : i32
      %parallel_loop3A_497 = arith.constant 1 : i32
      %parallel_loop3A_498 = arith.andi %parallel_loop3A_496, %parallel_loop3A_497 : i32
      %parallel_loop3A_499 = arith.addi %parallel_loop3A_494, %parallel_loop3A_498 : i32
      %parallel_loop3A_500 = vector.broadcast %parallel_loop3A_499 : i32 to vector<16xi32>
      %parallel_loop3A_501 = arith.addi %parallel_loop3A_500, %add3A_1 : vector<16xi32>
      tpu.vector_store_idx %arg7[%parallel_loop3A_501], %parallel_loop3A_485 : memref<16384xf32, #tpu.memory_space<vmem>>[vector<16xi32>], vector<16xf32>,
    } {sc.loop_unroll_factor = 2 : i64, sc.parallel_access}
    %add3A_27 = arith.constant 16384 : i32
    %add3A_28 = arith.addi %mul3A_3, %add3A_27 : i32
    %dma_start3A_29 = tpu.memref_slice %arg3[%add3A_28] : memref<16777216xf32, #tpu.memory_space<hbm>> -> memref<16384xf32, #tpu.memory_space<hbm>>
    %dma_start3A_30 = tpu.memref_slice %arg3[%add3A_28] : memref<16777216xf32, #tpu.memory_space<hbm>> -> memref<16384xf32, #tpu.memory_space<hbm>>
    tpu.enqueue_dma source(%arg7 : memref<16384xf32, #tpu.memory_space<vmem>>) target(%dma_start3A_30 : memref<16384xf32, #tpu.memory_space<hbm>>) target_semaphore(%arg11 : memref<!tpu.dma_semaphore, #tpu.memory_space<semaphore_mem>>)
    %add3A_31 = arith.constant 49152 : i32
    %add3A_32 = arith.addi %mul3A_3, %add3A_31 : i32
    %dma_start3A_33 = tpu.memref_slice %arg2[%add3A_32] : memref<16777216xf32, #tpu.memory_space<hbm>> -> memref<16384xf32, #tpu.memory_space<hbm>>
    %dma_start3A_34 = tpu.memref_slice %arg2[%add3A_32] : memref<16777216xf32, #tpu.memory_space<hbm>> -> memref<16384xf32, #tpu.memory_space<hbm>>
    tpu.enqueue_dma source(%dma_start3A_34 : memref<16384xf32, #tpu.memory_space<hbm>>) target(%arg5 : memref<16384xf32, #tpu.memory_space<vmem>>) target_semaphore(%arg9 : memref<!tpu.dma_semaphore, #tpu.memory_space<semaphore_mem>>)
    %dma_wait3A_35 = tpu.memref_slice %arg2[%add3A_19] : memref<16777216xf32, #tpu.memory_space<hbm>> -> memref<16384xf32, #tpu.memory_space<hbm>>
    %dma_wait3A_36 = tpu.memref_slice %arg2[%add3A_19] : memref<16777216xf32, #tpu.memory_space<hbm>> -> memref<16384xf32, #tpu.memory_space<hbm>>
    tpu.wait_dma2 semaphore(%arg8 : memref<!tpu.dma_semaphore, #tpu.memory_space<semaphore_mem>>) src(%dma_wait3A_36 : memref<16384xf32, #tpu.memory_space<hbm>>) dst(%arg4 : memref<16384xf32, #tpu.memory_space<vmem>>)
    %dma_wait3A_37 = tpu.memref_slice %arg3[%add3A_15] : memref<16777216xf32, #tpu.memory_space<hbm>> -> memref<16384xf32, #tpu.memory_space<hbm>>
    %dma_wait3A_38 = tpu.memref_slice %arg3[%add3A_15] : memref<16777216xf32, #tpu.memory_space<hbm>> -> memref<16384xf32, #tpu.memory_space<hbm>>
    tpu.wait_dma2 semaphore(%arg10 : memref<!tpu.dma_semaphore, #tpu.memory_space<semaphore_mem>>) src(%arg6 : memref<16384xf32, #tpu.memory_space<vmem>>) dst(%dma_wait3A_38 : memref<16384xf32, #tpu.memory_space<hbm>>)
    %parallel_loop3A_39 = arith.constant 0 : i32
    %parallel_loop3A_40 = arith.constant 1024 : i32
    %parallel_loop3A_41 = arith.constant 1 : i32
    scf.for %parallel_loop3A_481 = %parallel_loop3A_39 to %parallel_loop3A_40 step %parallel_loop3A_41  : i32 {
      %parallel_loop3A_482 = arith.constant 16 : i32
      %parallel_loop3A_483 = arith.muli %parallel_loop3A_481, %parallel_loop3A_482 : i32
      %parallel_loop3A_484 = arith.index_cast %parallel_loop3A_483 : i32 to index
      %parallel_loop3A_485 = tpu.vector_load %arg4[%parallel_loop3A_484] {strides = array<i32>} : memref<16384xf32, #tpu.memory_space<vmem>>, vector<16xf32>,
      %parallel_loop3A_486 = arith.constant 4 : i32
      %parallel_loop3A_487 = arith.shrsi %parallel_loop3A_481, %parallel_loop3A_486 : i32
      %parallel_loop3A_488 = arith.constant 8 : i32
      %parallel_loop3A_489 = arith.shli %parallel_loop3A_487, %parallel_loop3A_488 : i32
      %parallel_loop3A_490 = arith.constant 7 : i32
      %parallel_loop3A_491 = arith.andi %parallel_loop3A_481, %parallel_loop3A_490 : i32
      %parallel_loop3A_492 = arith.constant 5 : i32
      %parallel_loop3A_493 = arith.shli %parallel_loop3A_491, %parallel_loop3A_492 : i32
      %parallel_loop3A_494 = arith.addi %parallel_loop3A_489, %parallel_loop3A_493 : i32
      %parallel_loop3A_495 = arith.constant 3 : i32
      %parallel_loop3A_496 = arith.shrsi %parallel_loop3A_481, %parallel_loop3A_495 : i32
      %parallel_loop3A_497 = arith.constant 1 : i32
      %parallel_loop3A_498 = arith.andi %parallel_loop3A_496, %parallel_loop3A_497 : i32
      %parallel_loop3A_499 = arith.addi %parallel_loop3A_494, %parallel_loop3A_498 : i32
      %parallel_loop3A_500 = vector.broadcast %parallel_loop3A_499 : i32 to vector<16xi32>
      %parallel_loop3A_501 = arith.addi %parallel_loop3A_500, %add3A_1 : vector<16xi32>
      tpu.vector_store_idx %arg6[%parallel_loop3A_501], %parallel_loop3A_485 : memref<16384xf32, #tpu.memory_space<vmem>>[vector<16xi32>], vector<16xf32>,
    } {sc.loop_unroll_factor = 2 : i64, sc.parallel_access}
    %add3A_42 = arith.constant 32768 : i32
    %add3A_43 = arith.addi %mul3A_3, %add3A_42 : i32
    %dma_start3A_44 = tpu.memref_slice %arg3[%add3A_43] : memref<16777216xf32, #tpu.memory_space<hbm>> -> memref<16384xf32, #tpu.memory_space<hbm>>
    %dma_start3A_45 = tpu.memref_slice %arg3[%add3A_43] : memref<16777216xf32, #tpu.memory_space<hbm>> -> memref<16384xf32, #tpu.memory_space<hbm>>
    tpu.enqueue_dma source(%arg6 : memref<16384xf32, #tpu.memory_space<vmem>>) target(%dma_start3A_45 : memref<16384xf32, #tpu.memory_space<hbm>>) target_semaphore(%arg10 : memref<!tpu.dma_semaphore, #tpu.memory_space<semaphore_mem>>)
    %add3A_46 = arith.constant 65536 : i32
    %add3A_47 = arith.addi %mul3A_3, %add3A_46 : i32
    %dma_start3A_48 = tpu.memref_slice %arg2[%add3A_47] : memref<16777216xf32, #tpu.memory_space<hbm>> -> memref<16384xf32, #tpu.memory_space<hbm>>
    %dma_start3A_49 = tpu.memref_slice %arg2[%add3A_47] : memref<16777216xf32, #tpu.memory_space<hbm>> -> memref<16384xf32, #tpu.memory_space<hbm>>
    tpu.enqueue_dma source(%dma_start3A_49 : memref<16384xf32, #tpu.memory_space<hbm>>) target(%arg4 : memref<16384xf32, #tpu.memory_space<vmem>>) target_semaphore(%arg8 : memref<!tpu.dma_semaphore, #tpu.memory_space<semaphore_mem>>)
    %dma_wait3A_50 = tpu.memref_slice %arg2[%add3A_32] : memref<16777216xf32, #tpu.memory_space<hbm>> -> memref<16384xf32, #tpu.memory_space<hbm>>
    %dma_wait3A_51 = tpu.memref_slice %arg2[%add3A_32] : memref<16777216xf32, #tpu.memory_space<hbm>> -> memref<16384xf32, #tpu.memory_space<hbm>>
    tpu.wait_dma2 semaphore(%arg9 : memref<!tpu.dma_semaphore, #tpu.memory_space<semaphore_mem>>) src(%dma_wait3A_51 : memref<16384xf32, #tpu.memory_space<hbm>>) dst(%arg5 : memref<16384xf32, #tpu.memory_space<vmem>>)
    %dma_wait3A_52 = tpu.memref_slice %arg3[%add3A_28] : memref<16777216xf32, #tpu.memory_space<hbm>> -> memref<16384xf32, #tpu.memory_space<hbm>>
    %dma_wait3A_53 = tpu.memref_slice %arg3[%add3A_28] : memref<16777216xf32, #tpu.memory_space<hbm>> -> memref<16384xf32, #tpu.memory_space<hbm>>
    tpu.wait_dma2 semaphore(%arg11 : memref<!tpu.dma_semaphore, #tpu.memory_space<semaphore_mem>>) src(%arg7 : memref<16384xf32, #tpu.memory_space<vmem>>) dst(%dma_wait3A_53 : memref<16384xf32, #tpu.memory_space<hbm>>)
    %parallel_loop3A_54 = arith.constant 0 : i32
    %parallel_loop3A_55 = arith.constant 1024 : i32
    %parallel_loop3A_56 = arith.constant 1 : i32
    scf.for %parallel_loop3A_481 = %parallel_loop3A_54 to %parallel_loop3A_55 step %parallel_loop3A_56  : i32 {
      %parallel_loop3A_482 = arith.constant 16 : i32
      %parallel_loop3A_483 = arith.muli %parallel_loop3A_481, %parallel_loop3A_482 : i32
      %parallel_loop3A_484 = arith.index_cast %parallel_loop3A_483 : i32 to index
      %parallel_loop3A_485 = tpu.vector_load %arg5[%parallel_loop3A_484] {strides = array<i32>} : memref<16384xf32, #tpu.memory_space<vmem>>, vector<16xf32>,
      %parallel_loop3A_486 = arith.constant 4 : i32
      %parallel_loop3A_487 = arith.shrsi %parallel_loop3A_481, %parallel_loop3A_486 : i32
      %parallel_loop3A_488 = arith.constant 8 : i32
      %parallel_loop3A_489 = arith.shli %parallel_loop3A_487, %parallel_loop3A_488 : i32
      %parallel_loop3A_490 = arith.constant 7 : i32
      %parallel_loop3A_491 = arith.andi %parallel_loop3A_481, %parallel_loop3A_490 : i32
      %parallel_loop3A_492 = arith.constant 5 : i32
      %parallel_loop3A_493 = arith.shli %parallel_loop3A_491, %parallel_loop3A_492 : i32
      %parallel_loop3A_494 = arith.addi %parallel_loop3A_489, %parallel_loop3A_493 : i32
      %parallel_loop3A_495 = arith.constant 3 : i32
      %parallel_loop3A_496 = arith.shrsi %parallel_loop3A_481, %parallel_loop3A_495 : i32
      %parallel_loop3A_497 = arith.constant 1 : i32
      %parallel_loop3A_498 = arith.andi %parallel_loop3A_496, %parallel_loop3A_497 : i32
      %parallel_loop3A_499 = arith.addi %parallel_loop3A_494, %parallel_loop3A_498 : i32
      %parallel_loop3A_500 = vector.broadcast %parallel_loop3A_499 : i32 to vector<16xi32>
      %parallel_loop3A_501 = arith.addi %parallel_loop3A_500, %add3A_1 : vector<16xi32>
      tpu.vector_store_idx %arg7[%parallel_loop3A_501], %parallel_loop3A_485 : memref<16384xf32, #tpu.memory_space<vmem>>[vector<16xi32>], vector<16xf32>,
    } {sc.loop_unroll_factor = 2 : i64, sc.parallel_access}
    %add3A_57 = arith.constant 49152 : i32
    %add3A_58 = arith.addi %mul3A_3, %add3A_57 : i32
    %dma_start3A_59 = tpu.memref_slice %arg3[%add3A_58] : memref<16777216xf32, #tpu.memory_space<hbm>> -> memref<16384xf32, #tpu.memory_space<hbm>>
    %dma_start3A_60 = tpu.memref_slice %arg3[%add3A_58] : memref<16777216xf32, #tpu.memory_space<hbm>> -> memref<16384xf32, #tpu.memory_space<hbm>>
    tpu.enqueue_dma source(%arg7 : memref<16384xf32, #tpu.memory_space<vmem>>) target(%dma_start3A_60 : memref<16384xf32, #tpu.memory_space<hbm>>) target_semaphore(%arg11 : memref<!tpu.dma_semaphore, #tpu.memory_space<semaphore_mem>>)
    %add3A_61 = arith.constant 81920 : i32
    %add3A_62 = arith.addi %mul3A_3, %add3A_61 : i32
    %dma_start3A_63 = tpu.memref_slice %arg2[%add3A_62] : memref<16777216xf32, #tpu.memory_space<hbm>> -> memref<16384xf32, #tpu.memory_space<hbm>>
    %dma_start3A_64 = tpu.memref_slice %arg2[%add3A_62] : memref<16777216xf32, #tpu.memory_space<hbm>> -> memref<16384xf32, #tpu.memory_space<hbm>>
    tpu.enqueue_dma source(%dma_start3A_64 : memref<16384xf32, #tpu.memory_space<hbm>>) target(%arg5 : memref<16384xf32, #tpu.memory_space<vmem>>) target_semaphore(%arg9 : memref<!tpu.dma_semaphore, #tpu.memory_space<semaphore_mem>>)
    %dma_wait3A_65 = tpu.memref_slice %arg2[%add3A_47] : memref<16777216xf32, #tpu.memory_space<hbm>> -> memref<16384xf32, #tpu.memory_space<hbm>>
    %dma_wait3A_66 = tpu.memref_slice %arg2[%add3A_47] : memref<16777216xf32, #tpu.memory_space<hbm>> -> memref<16384xf32, #tpu.memory_space<hbm>>
    tpu.wait_dma2 semaphore(%arg8 : memref<!tpu.dma_semaphore, #tpu.memory_space<semaphore_mem>>) src(%dma_wait3A_66 : memref<16384xf32, #tpu.memory_space<hbm>>) dst(%arg4 : memref<16384xf32, #tpu.memory_space<vmem>>)
    %dma_wait3A_67 = tpu.memref_slice %arg3[%add3A_43] : memref<16777216xf32, #tpu.memory_space<hbm>> -> memref<16384xf32, #tpu.memory_space<hbm>>
    %dma_wait3A_68 = tpu.memref_slice %arg3[%add3A_43] : memref<16777216xf32, #tpu.memory_space<hbm>> -> memref<16384xf32, #tpu.memory_space<hbm>>
    tpu.wait_dma2 semaphore(%arg10 : memref<!tpu.dma_semaphore, #tpu.memory_space<semaphore_mem>>) src(%arg6 : memref<16384xf32, #tpu.memory_space<vmem>>) dst(%dma_wait3A_68 : memref<16384xf32, #tpu.memory_space<hbm>>)
    %parallel_loop3A_69 = arith.constant 0 : i32
    %parallel_loop3A_70 = arith.constant 1024 : i32
    %parallel_loop3A_71 = arith.constant 1 : i32
    scf.for %parallel_loop3A_481 = %parallel_loop3A_69 to %parallel_loop3A_70 step %parallel_loop3A_71  : i32 {
      %parallel_loop3A_482 = arith.constant 16 : i32
      %parallel_loop3A_483 = arith.muli %parallel_loop3A_481, %parallel_loop3A_482 : i32
      %parallel_loop3A_484 = arith.index_cast %parallel_loop3A_483 : i32 to index
      %parallel_loop3A_485 = tpu.vector_load %arg4[%parallel_loop3A_484] {strides = array<i32>} : memref<16384xf32, #tpu.memory_space<vmem>>, vector<16xf32>,
      %parallel_loop3A_486 = arith.constant 4 : i32
      %parallel_loop3A_487 = arith.shrsi %parallel_loop3A_481, %parallel_loop3A_486 : i32
      %parallel_loop3A_488 = arith.constant 8 : i32
      %parallel_loop3A_489 = arith.shli %parallel_loop3A_487, %parallel_loop3A_488 : i32
      %parallel_loop3A_490 = arith.constant 7 : i32
      %parallel_loop3A_491 = arith.andi %parallel_loop3A_481, %parallel_loop3A_490 : i32
      %parallel_loop3A_492 = arith.constant 5 : i32
      %parallel_loop3A_493 = arith.shli %parallel_loop3A_491, %parallel_loop3A_492 : i32
      %parallel_loop3A_494 = arith.addi %parallel_loop3A_489, %parallel_loop3A_493 : i32
      %parallel_loop3A_495 = arith.constant 3 : i32
      %parallel_loop3A_496 = arith.shrsi %parallel_loop3A_481, %parallel_loop3A_495 : i32
      %parallel_loop3A_497 = arith.constant 1 : i32
      %parallel_loop3A_498 = arith.andi %parallel_loop3A_496, %parallel_loop3A_497 : i32
      %parallel_loop3A_499 = arith.addi %parallel_loop3A_494, %parallel_loop3A_498 : i32
      %parallel_loop3A_500 = vector.broadcast %parallel_loop3A_499 : i32 to vector<16xi32>
      %parallel_loop3A_501 = arith.addi %parallel_loop3A_500, %add3A_1 : vector<16xi32>
      tpu.vector_store_idx %arg6[%parallel_loop3A_501], %parallel_loop3A_485 : memref<16384xf32, #tpu.memory_space<vmem>>[vector<16xi32>], vector<16xf32>,
    } {sc.loop_unroll_factor = 2 : i64, sc.parallel_access}
    %add3A_72 = arith.constant 65536 : i32
    %add3A_73 = arith.addi %mul3A_3, %add3A_72 : i32
    %dma_start3A_74 = tpu.memref_slice %arg3[%add3A_73] : memref<16777216xf32, #tpu.memory_space<hbm>> -> memref<16384xf32, #tpu.memory_space<hbm>>
    %dma_start3A_75 = tpu.memref_slice %arg3[%add3A_73] : memref<16777216xf32, #tpu.memory_space<hbm>> -> memref<16384xf32, #tpu.memory_space<hbm>>
    tpu.enqueue_dma source(%arg6 : memref<16384xf32, #tpu.memory_space<vmem>>) target(%dma_start3A_75 : memref<16384xf32, #tpu.memory_space<hbm>>) target_semaphore(%arg10 : memref<!tpu.dma_semaphore, #tpu.memory_space<semaphore_mem>>)
    %add3A_76 = arith.constant 98304 : i32
    %add3A_77 = arith.addi %mul3A_3, %add3A_76 : i32
    %dma_start3A_78 = tpu.memref_slice %arg2[%add3A_77] : memref<16777216xf32, #tpu.memory_space<hbm>> -> memref<16384xf32, #tpu.memory_space<hbm>>
    %dma_start3A_79 = tpu.memref_slice %arg2[%add3A_77] : memref<16777216xf32, #tpu.memory_space<hbm>> -> memref<16384xf32, #tpu.memory_space<hbm>>
    tpu.enqueue_dma source(%dma_start3A_79 : memref<16384xf32, #tpu.memory_space<hbm>>) target(%arg4 : memref<16384xf32, #tpu.memory_space<vmem>>) target_semaphore(%arg8 : memref<!tpu.dma_semaphore, #tpu.memory_space<semaphore_mem>>)
    %dma_wait3A_80 = tpu.memref_slice %arg2[%add3A_62] : memref<16777216xf32, #tpu.memory_space<hbm>> -> memref<16384xf32, #tpu.memory_space<hbm>>
    %dma_wait3A_81 = tpu.memref_slice %arg2[%add3A_62] : memref<16777216xf32, #tpu.memory_space<hbm>> -> memref<16384xf32, #tpu.memory_space<hbm>>
    tpu.wait_dma2 semaphore(%arg9 : memref<!tpu.dma_semaphore, #tpu.memory_space<semaphore_mem>>) src(%dma_wait3A_81 : memref<16384xf32, #tpu.memory_space<hbm>>) dst(%arg5 : memref<16384xf32, #tpu.memory_space<vmem>>)
    %dma_wait3A_82 = tpu.memref_slice %arg3[%add3A_58] : memref<16777216xf32, #tpu.memory_space<hbm>> -> memref<16384xf32, #tpu.memory_space<hbm>>
    %dma_wait3A_83 = tpu.memref_slice %arg3[%add3A_58] : memref<16777216xf32, #tpu.memory_space<hbm>> -> memref<16384xf32, #tpu.memory_space<hbm>>
    tpu.wait_dma2 semaphore(%arg11 : memref<!tpu.dma_semaphore, #tpu.memory_space<semaphore_mem>>) src(%arg7 : memref<16384xf32, #tpu.memory_space<vmem>>) dst(%dma_wait3A_83 : memref<16384xf32, #tpu.memory_space<hbm>>)
    %parallel_loop3A_84 = arith.constant 0 : i32
    %parallel_loop3A_85 = arith.constant 1024 : i32
    %parallel_loop3A_86 = arith.constant 1 : i32
    scf.for %parallel_loop3A_481 = %parallel_loop3A_84 to %parallel_loop3A_85 step %parallel_loop3A_86  : i32 {
      %parallel_loop3A_482 = arith.constant 16 : i32
      %parallel_loop3A_483 = arith.muli %parallel_loop3A_481, %parallel_loop3A_482 : i32
      %parallel_loop3A_484 = arith.index_cast %parallel_loop3A_483 : i32 to index
      %parallel_loop3A_485 = tpu.vector_load %arg5[%parallel_loop3A_484] {strides = array<i32>} : memref<16384xf32, #tpu.memory_space<vmem>>, vector<16xf32>,
      %parallel_loop3A_486 = arith.constant 4 : i32
      %parallel_loop3A_487 = arith.shrsi %parallel_loop3A_481, %parallel_loop3A_486 : i32
      %parallel_loop3A_488 = arith.constant 8 : i32
      %parallel_loop3A_489 = arith.shli %parallel_loop3A_487, %parallel_loop3A_488 : i32
      %parallel_loop3A_490 = arith.constant 7 : i32
      %parallel_loop3A_491 = arith.andi %parallel_loop3A_481, %parallel_loop3A_490 : i32
      %parallel_loop3A_492 = arith.constant 5 : i32
      %parallel_loop3A_493 = arith.shli %parallel_loop3A_491, %parallel_loop3A_492 : i32
      %parallel_loop3A_494 = arith.addi %parallel_loop3A_489, %parallel_loop3A_493 : i32
      %parallel_loop3A_495 = arith.constant 3 : i32
      %parallel_loop3A_496 = arith.shrsi %parallel_loop3A_481, %parallel_loop3A_495 : i32
      %parallel_loop3A_497 = arith.constant 1 : i32
      %parallel_loop3A_498 = arith.andi %parallel_loop3A_496, %parallel_loop3A_497 : i32
      %parallel_loop3A_499 = arith.addi %parallel_loop3A_494, %parallel_loop3A_498 : i32
      %parallel_loop3A_500 = vector.broadcast %parallel_loop3A_499 : i32 to vector<16xi32>
      %parallel_loop3A_501 = arith.addi %parallel_loop3A_500, %add3A_1 : vector<16xi32>
      tpu.vector_store_idx %arg7[%parallel_loop3A_501], %parallel_loop3A_485 : memref<16384xf32, #tpu.memory_space<vmem>>[vector<16xi32>], vector<16xf32>,
    } {sc.loop_unroll_factor = 2 : i64, sc.parallel_access}
    %add3A_87 = arith.constant 81920 : i32
    %add3A_88 = arith.addi %mul3A_3, %add3A_87 : i32
    %dma_start3A_89 = tpu.memref_slice %arg3[%add3A_88] : memref<16777216xf32, #tpu.memory_space<hbm>> -> memref<16384xf32, #tpu.memory_space<hbm>>
    %dma_start3A_90 = tpu.memref_slice %arg3[%add3A_88] : memref<16777216xf32, #tpu.memory_space<hbm>> -> memref<16384xf32, #tpu.memory_space<hbm>>
    tpu.enqueue_dma source(%arg7 : memref<16384xf32, #tpu.memory_space<vmem>>) target(%dma_start3A_90 : memref<16384xf32, #tpu.memory_space<hbm>>) target_semaphore(%arg11 : memref<!tpu.dma_semaphore, #tpu.memory_space<semaphore_mem>>)
    %add3A_91 = arith.constant 114688 : i32
    %add3A_92 = arith.addi %mul3A_3, %add3A_91 : i32
    %dma_start3A_93 = tpu.memref_slice %arg2[%add3A_92] : memref<16777216xf32, #tpu.memory_space<hbm>> -> memref<16384xf32, #tpu.memory_space<hbm>>
    %dma_start3A_94 = tpu.memref_slice %arg2[%add3A_92] : memref<16777216xf32, #tpu.memory_space<hbm>> -> memref<16384xf32, #tpu.memory_space<hbm>>
    tpu.enqueue_dma source(%dma_start3A_94 : memref<16384xf32, #tpu.memory_space<hbm>>) target(%arg5 : memref<16384xf32, #tpu.memory_space<vmem>>) target_semaphore(%arg9 : memref<!tpu.dma_semaphore, #tpu.memory_space<semaphore_mem>>)
    %dma_wait3A_95 = tpu.memref_slice %arg2[%add3A_77] : memref<16777216xf32, #tpu.memory_space<hbm>> -> memref<16384xf32, #tpu.memory_space<hbm>>
    %dma_wait3A_96 = tpu.memref_slice %arg2[%add3A_77] : memref<16777216xf32, #tpu.memory_space<hbm>> -> memref<16384xf32, #tpu.memory_space<hbm>>
    tpu.wait_dma2 semaphore(%arg8 : memref<!tpu.dma_semaphore, #tpu.memory_space<semaphore_mem>>) src(%dma_wait3A_96 : memref<16384xf32, #tpu.memory_space<hbm>>) dst(%arg4 : memref<16384xf32, #tpu.memory_space<vmem>>)
    %dma_wait3A_97 = tpu.memref_slice %arg3[%add3A_73] : memref<16777216xf32, #tpu.memory_space<hbm>> -> memref<16384xf32, #tpu.memory_space<hbm>>
    %dma_wait3A_98 = tpu.memref_slice %arg3[%add3A_73] : memref<16777216xf32, #tpu.memory_space<hbm>> -> memref<16384xf32, #tpu.memory_space<hbm>>
    tpu.wait_dma2 semaphore(%arg10 : memref<!tpu.dma_semaphore, #tpu.memory_space<semaphore_mem>>) src(%arg6 : memref<16384xf32, #tpu.memory_space<vmem>>) dst(%dma_wait3A_98 : memref<16384xf32, #tpu.memory_space<hbm>>)
    %parallel_loop3A_99 = arith.constant 0 : i32
    %parallel_loop3A_100 = arith.constant 1024 : i32
    %parallel_loop3A_101 = arith.constant 1 : i32
    scf.for %parallel_loop3A_481 = %parallel_loop3A_99 to %parallel_loop3A_100 step %parallel_loop3A_101  : i32 {
      %parallel_loop3A_482 = arith.constant 16 : i32
      %parallel_loop3A_483 = arith.muli %parallel_loop3A_481, %parallel_loop3A_482 : i32
      %parallel_loop3A_484 = arith.index_cast %parallel_loop3A_483 : i32 to index
      %parallel_loop3A_485 = tpu.vector_load %arg4[%parallel_loop3A_484] {strides = array<i32>} : memref<16384xf32, #tpu.memory_space<vmem>>, vector<16xf32>,
      %parallel_loop3A_486 = arith.constant 4 : i32
      %parallel_loop3A_487 = arith.shrsi %parallel_loop3A_481, %parallel_loop3A_486 : i32
      %parallel_loop3A_488 = arith.constant 8 : i32
      %parallel_loop3A_489 = arith.shli %parallel_loop3A_487, %parallel_loop3A_488 : i32
      %parallel_loop3A_490 = arith.constant 7 : i32
      %parallel_loop3A_491 = arith.andi %parallel_loop3A_481, %parallel_loop3A_490 : i32
      %parallel_loop3A_492 = arith.constant 5 : i32
      %parallel_loop3A_493 = arith.shli %parallel_loop3A_491, %parallel_loop3A_492 : i32
      %parallel_loop3A_494 = arith.addi %parallel_loop3A_489, %parallel_loop3A_493 : i32
      %parallel_loop3A_495 = arith.constant 3 : i32
      %parallel_loop3A_496 = arith.shrsi %parallel_loop3A_481, %parallel_loop3A_495 : i32
      %parallel_loop3A_497 = arith.constant 1 : i32
      %parallel_loop3A_498 = arith.andi %parallel_loop3A_496, %parallel_loop3A_497 : i32
      %parallel_loop3A_499 = arith.addi %parallel_loop3A_494, %parallel_loop3A_498 : i32
      %parallel_loop3A_500 = vector.broadcast %parallel_loop3A_499 : i32 to vector<16xi32>
      %parallel_loop3A_501 = arith.addi %parallel_loop3A_500, %add3A_1 : vector<16xi32>
      tpu.vector_store_idx %arg6[%parallel_loop3A_501], %parallel_loop3A_485 : memref<16384xf32, #tpu.memory_space<vmem>>[vector<16xi32>], vector<16xf32>,
    } {sc.loop_unroll_factor = 2 : i64, sc.parallel_access}
    %add3A_102 = arith.constant 98304 : i32
    %add3A_103 = arith.addi %mul3A_3, %add3A_102 : i32
    %dma_start3A_104 = tpu.memref_slice %arg3[%add3A_103] : memref<16777216xf32, #tpu.memory_space<hbm>> -> memref<16384xf32, #tpu.memory_space<hbm>>
    %dma_start3A_105 = tpu.memref_slice %arg3[%add3A_103] : memref<16777216xf32, #tpu.memory_space<hbm>> -> memref<16384xf32, #tpu.memory_space<hbm>>
    tpu.enqueue_dma source(%arg6 : memref<16384xf32, #tpu.memory_space<vmem>>) target(%dma_start3A_105 : memref<16384xf32, #tpu.memory_space<hbm>>) target_semaphore(%arg10 : memref<!tpu.dma_semaphore, #tpu.memory_space<semaphore_mem>>)
    %add3A_106 = arith.constant 131072 : i32
    %add3A_107 = arith.addi %mul3A_3, %add3A_106 : i32
    %dma_start3A_108 = tpu.memref_slice %arg2[%add3A_107] : memref<16777216xf32, #tpu.memory_space<hbm>> -> memref<16384xf32, #tpu.memory_space<hbm>>
    %dma_start3A_109 = tpu.memref_slice %arg2[%add3A_107] : memref<16777216xf32, #tpu.memory_space<hbm>> -> memref<16384xf32, #tpu.memory_space<hbm>>
    tpu.enqueue_dma source(%dma_start3A_109 : memref<16384xf32, #tpu.memory_space<hbm>>) target(%arg4 : memref<16384xf32, #tpu.memory_space<vmem>>) target_semaphore(%arg8 : memref<!tpu.dma_semaphore, #tpu.memory_space<semaphore_mem>>)
    %dma_wait3A_110 = tpu.memref_slice %arg2[%add3A_92] : memref<16777216xf32, #tpu.memory_space<hbm>> -> memref<16384xf32, #tpu.memory_space<hbm>>
    %dma_wait3A_111 = tpu.memref_slice %arg2[%add3A_92] : memref<16777216xf32, #tpu.memory_space<hbm>> -> memref<16384xf32, #tpu.memory_space<hbm>>
    tpu.wait_dma2 semaphore(%arg9 : memref<!tpu.dma_semaphore, #tpu.memory_space<semaphore_mem>>) src(%dma_wait3A_111 : memref<16384xf32, #tpu.memory_space<hbm>>) dst(%arg5 : memref<16384xf32, #tpu.memory_space<vmem>>)
    %dma_wait3A_112 = tpu.memref_slice %arg3[%add3A_88] : memref<16777216xf32, #tpu.memory_space<hbm>> -> memref<16384xf32, #tpu.memory_space<hbm>>
    %dma_wait3A_113 = tpu.memref_slice %arg3[%add3A_88] : memref<16777216xf32, #tpu.memory_space<hbm>> -> memref<16384xf32, #tpu.memory_space<hbm>>
    tpu.wait_dma2 semaphore(%arg11 : memref<!tpu.dma_semaphore, #tpu.memory_space<semaphore_mem>>) src(%arg7 : memref<16384xf32, #tpu.memory_space<vmem>>) dst(%dma_wait3A_113 : memref<16384xf32, #tpu.memory_space<hbm>>)
    %parallel_loop3A_114 = arith.constant 0 : i32
    %parallel_loop3A_115 = arith.constant 1024 : i32
    %parallel_loop3A_116 = arith.constant 1 : i32
    scf.for %parallel_loop3A_481 = %parallel_loop3A_114 to %parallel_loop3A_115 step %parallel_loop3A_116  : i32 {
      %parallel_loop3A_482 = arith.constant 16 : i32
      %parallel_loop3A_483 = arith.muli %parallel_loop3A_481, %parallel_loop3A_482 : i32
      %parallel_loop3A_484 = arith.index_cast %parallel_loop3A_483 : i32 to index
      %parallel_loop3A_485 = tpu.vector_load %arg5[%parallel_loop3A_484] {strides = array<i32>} : memref<16384xf32, #tpu.memory_space<vmem>>, vector<16xf32>,
      %parallel_loop3A_486 = arith.constant 4 : i32
      %parallel_loop3A_487 = arith.shrsi %parallel_loop3A_481, %parallel_loop3A_486 : i32
      %parallel_loop3A_488 = arith.constant 8 : i32
      %parallel_loop3A_489 = arith.shli %parallel_loop3A_487, %parallel_loop3A_488 : i32
      %parallel_loop3A_490 = arith.constant 7 : i32
      %parallel_loop3A_491 = arith.andi %parallel_loop3A_481, %parallel_loop3A_490 : i32
      %parallel_loop3A_492 = arith.constant 5 : i32
      %parallel_loop3A_493 = arith.shli %parallel_loop3A_491, %parallel_loop3A_492 : i32
      %parallel_loop3A_494 = arith.addi %parallel_loop3A_489, %parallel_loop3A_493 : i32
      %parallel_loop3A_495 = arith.constant 3 : i32
      %parallel_loop3A_496 = arith.shrsi %parallel_loop3A_481, %parallel_loop3A_495 : i32
      %parallel_loop3A_497 = arith.constant 1 : i32
      %parallel_loop3A_498 = arith.andi %parallel_loop3A_496, %parallel_loop3A_497 : i32
      %parallel_loop3A_499 = arith.addi %parallel_loop3A_494, %parallel_loop3A_498 : i32
      %parallel_loop3A_500 = vector.broadcast %parallel_loop3A_499 : i32 to vector<16xi32>
      %parallel_loop3A_501 = arith.addi %parallel_loop3A_500, %add3A_1 : vector<16xi32>
      tpu.vector_store_idx %arg7[%parallel_loop3A_501], %parallel_loop3A_485 : memref<16384xf32, #tpu.memory_space<vmem>>[vector<16xi32>], vector<16xf32>,
    } {sc.loop_unroll_factor = 2 : i64, sc.parallel_access}
    %add3A_117 = arith.constant 114688 : i32
    %add3A_118 = arith.addi %mul3A_3, %add3A_117 : i32
    %dma_start3A_119 = tpu.memref_slice %arg3[%add3A_118] : memref<16777216xf32, #tpu.memory_space<hbm>> -> memref<16384xf32, #tpu.memory_space<hbm>>
    %dma_start3A_120 = tpu.memref_slice %arg3[%add3A_118] : memref<16777216xf32, #tpu.memory_space<hbm>> -> memref<16384xf32, #tpu.memory_space<hbm>>
    tpu.enqueue_dma source(%arg7 : memref<16384xf32, #tpu.memory_space<vmem>>) target(%dma_start3A_120 : memref<16384xf32, #tpu.memory_space<hbm>>) target_semaphore(%arg11 : memref<!tpu.dma_semaphore, #tpu.memory_space<semaphore_mem>>)
    %add3A_121 = arith.constant 147456 : i32
    %add3A_122 = arith.addi %mul3A_3, %add3A_121 : i32
    %dma_start3A_123 = tpu.memref_slice %arg2[%add3A_122] : memref<16777216xf32, #tpu.memory_space<hbm>> -> memref<16384xf32, #tpu.memory_space<hbm>>
    %dma_start3A_124 = tpu.memref_slice %arg2[%add3A_122] : memref<16777216xf32, #tpu.memory_space<hbm>> -> memref<16384xf32, #tpu.memory_space<hbm>>
    tpu.enqueue_dma source(%dma_start3A_124 : memref<16384xf32, #tpu.memory_space<hbm>>) target(%arg5 : memref<16384xf32, #tpu.memory_space<vmem>>) target_semaphore(%arg9 : memref<!tpu.dma_semaphore, #tpu.memory_space<semaphore_mem>>)
    %dma_wait3A_125 = tpu.memref_slice %arg2[%add3A_107] : memref<16777216xf32, #tpu.memory_space<hbm>> -> memref<16384xf32, #tpu.memory_space<hbm>>
    %dma_wait3A_126 = tpu.memref_slice %arg2[%add3A_107] : memref<16777216xf32, #tpu.memory_space<hbm>> -> memref<16384xf32, #tpu.memory_space<hbm>>
    tpu.wait_dma2 semaphore(%arg8 : memref<!tpu.dma_semaphore, #tpu.memory_space<semaphore_mem>>) src(%dma_wait3A_126 : memref<16384xf32, #tpu.memory_space<hbm>>) dst(%arg4 : memref<16384xf32, #tpu.memory_space<vmem>>)
    %dma_wait3A_127 = tpu.memref_slice %arg3[%add3A_103] : memref<16777216xf32, #tpu.memory_space<hbm>> -> memref<16384xf32, #tpu.memory_space<hbm>>
    %dma_wait3A_128 = tpu.memref_slice %arg3[%add3A_103] : memref<16777216xf32, #tpu.memory_space<hbm>> -> memref<16384xf32, #tpu.memory_space<hbm>>
    tpu.wait_dma2 semaphore(%arg10 : memref<!tpu.dma_semaphore, #tpu.memory_space<semaphore_mem>>) src(%arg6 : memref<16384xf32, #tpu.memory_space<vmem>>) dst(%dma_wait3A_128 : memref<16384xf32, #tpu.memory_space<hbm>>)
    %parallel_loop3A_129 = arith.constant 0 : i32
    %parallel_loop3A_130 = arith.constant 1024 : i32
    %parallel_loop3A_131 = arith.constant 1 : i32
    scf.for %parallel_loop3A_481 = %parallel_loop3A_129 to %parallel_loop3A_130 step %parallel_loop3A_131  : i32 {
      %parallel_loop3A_482 = arith.constant 16 : i32
      %parallel_loop3A_483 = arith.muli %parallel_loop3A_481, %parallel_loop3A_482 : i32
      %parallel_loop3A_484 = arith.index_cast %parallel_loop3A_483 : i32 to index
      %parallel_loop3A_485 = tpu.vector_load %arg4[%parallel_loop3A_484] {strides = array<i32>} : memref<16384xf32, #tpu.memory_space<vmem>>, vector<16xf32>,
      %parallel_loop3A_486 = arith.constant 4 : i32
      %parallel_loop3A_487 = arith.shrsi %parallel_loop3A_481, %parallel_loop3A_486 : i32
      %parallel_loop3A_488 = arith.constant 8 : i32
      %parallel_loop3A_489 = arith.shli %parallel_loop3A_487, %parallel_loop3A_488 : i32
      %parallel_loop3A_490 = arith.constant 7 : i32
      %parallel_loop3A_491 = arith.andi %parallel_loop3A_481, %parallel_loop3A_490 : i32
      %parallel_loop3A_492 = arith.constant 5 : i32
      %parallel_loop3A_493 = arith.shli %parallel_loop3A_491, %parallel_loop3A_492 : i32
      %parallel_loop3A_494 = arith.addi %parallel_loop3A_489, %parallel_loop3A_493 : i32
      %parallel_loop3A_495 = arith.constant 3 : i32
      %parallel_loop3A_496 = arith.shrsi %parallel_loop3A_481, %parallel_loop3A_495 : i32
      %parallel_loop3A_497 = arith.constant 1 : i32
      %parallel_loop3A_498 = arith.andi %parallel_loop3A_496, %parallel_loop3A_497 : i32
      %parallel_loop3A_499 = arith.addi %parallel_loop3A_494, %parallel_loop3A_498 : i32
      %parallel_loop3A_500 = vector.broadcast %parallel_loop3A_499 : i32 to vector<16xi32>
      %parallel_loop3A_501 = arith.addi %parallel_loop3A_500, %add3A_1 : vector<16xi32>
      tpu.vector_store_idx %arg6[%parallel_loop3A_501], %parallel_loop3A_485 : memref<16384xf32, #tpu.memory_space<vmem>>[vector<16xi32>], vector<16xf32>,
    } {sc.loop_unroll_factor = 2 : i64, sc.parallel_access}
    %add3A_132 = arith.constant 131072 : i32
    %add3A_133 = arith.addi %mul3A_3, %add3A_132 : i32
    %dma_start3A_134 = tpu.memref_slice %arg3[%add3A_133] : memref<16777216xf32, #tpu.memory_space<hbm>> -> memref<16384xf32, #tpu.memory_space<hbm>>
    %dma_start3A_135 = tpu.memref_slice %arg3[%add3A_133] : memref<16777216xf32, #tpu.memory_space<hbm>> -> memref<16384xf32, #tpu.memory_space<hbm>>
    tpu.enqueue_dma source(%arg6 : memref<16384xf32, #tpu.memory_space<vmem>>) target(%dma_start3A_135 : memref<16384xf32, #tpu.memory_space<hbm>>) target_semaphore(%arg10 : memref<!tpu.dma_semaphore, #tpu.memory_space<semaphore_mem>>)
    %add3A_136 = arith.constant 163840 : i32
    %add3A_137 = arith.addi %mul3A_3, %add3A_136 : i32
    %dma_start3A_138 = tpu.memref_slice %arg2[%add3A_137] : memref<16777216xf32, #tpu.memory_space<hbm>> -> memref<16384xf32, #tpu.memory_space<hbm>>
    %dma_start3A_139 = tpu.memref_slice %arg2[%add3A_137] : memref<16777216xf32, #tpu.memory_space<hbm>> -> memref<16384xf32, #tpu.memory_space<hbm>>
    tpu.enqueue_dma source(%dma_start3A_139 : memref<16384xf32, #tpu.memory_space<hbm>>) target(%arg4 : memref<16384xf32, #tpu.memory_space<vmem>>) target_semaphore(%arg8 : memref<!tpu.dma_semaphore, #tpu.memory_space<semaphore_mem>>)
    %dma_wait3A_140 = tpu.memref_slice %arg2[%add3A_122] : memref<16777216xf32, #tpu.memory_space<hbm>> -> memref<16384xf32, #tpu.memory_space<hbm>>
    %dma_wait3A_141 = tpu.memref_slice %arg2[%add3A_122] : memref<16777216xf32, #tpu.memory_space<hbm>> -> memref<16384xf32, #tpu.memory_space<hbm>>
    tpu.wait_dma2 semaphore(%arg9 : memref<!tpu.dma_semaphore, #tpu.memory_space<semaphore_mem>>) src(%dma_wait3A_141 : memref<16384xf32, #tpu.memory_space<hbm>>) dst(%arg5 : memref<16384xf32, #tpu.memory_space<vmem>>)
    %dma_wait3A_142 = tpu.memref_slice %arg3[%add3A_118] : memref<16777216xf32, #tpu.memory_space<hbm>> -> memref<16384xf32, #tpu.memory_space<hbm>>
    %dma_wait3A_143 = tpu.memref_slice %arg3[%add3A_118] : memref<16777216xf32, #tpu.memory_space<hbm>> -> memref<16384xf32, #tpu.memory_space<hbm>>
    tpu.wait_dma2 semaphore(%arg11 : memref<!tpu.dma_semaphore, #tpu.memory_space<semaphore_mem>>) src(%arg7 : memref<16384xf32, #tpu.memory_space<vmem>>) dst(%dma_wait3A_143 : memref<16384xf32, #tpu.memory_space<hbm>>)
    %parallel_loop3A_144 = arith.constant 0 : i32
    %parallel_loop3A_145 = arith.constant 1024 : i32
    %parallel_loop3A_146 = arith.constant 1 : i32
    scf.for %parallel_loop3A_481 = %parallel_loop3A_144 to %parallel_loop3A_145 step %parallel_loop3A_146  : i32 {
      %parallel_loop3A_482 = arith.constant 16 : i32
      %parallel_loop3A_483 = arith.muli %parallel_loop3A_481, %parallel_loop3A_482 : i32
      %parallel_loop3A_484 = arith.index_cast %parallel_loop3A_483 : i32 to index
      %parallel_loop3A_485 = tpu.vector_load %arg5[%parallel_loop3A_484] {strides = array<i32>} : memref<16384xf32, #tpu.memory_space<vmem>>, vector<16xf32>,
      %parallel_loop3A_486 = arith.constant 4 : i32
      %parallel_loop3A_487 = arith.shrsi %parallel_loop3A_481, %parallel_loop3A_486 : i32
      %parallel_loop3A_488 = arith.constant 8 : i32
      %parallel_loop3A_489 = arith.shli %parallel_loop3A_487, %parallel_loop3A_488 : i32
      %parallel_loop3A_490 = arith.constant 7 : i32
      %parallel_loop3A_491 = arith.andi %parallel_loop3A_481, %parallel_loop3A_490 : i32
      %parallel_loop3A_492 = arith.constant 5 : i32
      %parallel_loop3A_493 = arith.shli %parallel_loop3A_491, %parallel_loop3A_492 : i32
      %parallel_loop3A_494 = arith.addi %parallel_loop3A_489, %parallel_loop3A_493 : i32
      %parallel_loop3A_495 = arith.constant 3 : i32
      %parallel_loop3A_496 = arith.shrsi %parallel_loop3A_481, %parallel_loop3A_495 : i32
      %parallel_loop3A_497 = arith.constant 1 : i32
      %parallel_loop3A_498 = arith.andi %parallel_loop3A_496, %parallel_loop3A_497 : i32
      %parallel_loop3A_499 = arith.addi %parallel_loop3A_494, %parallel_loop3A_498 : i32
      %parallel_loop3A_500 = vector.broadcast %parallel_loop3A_499 : i32 to vector<16xi32>
      %parallel_loop3A_501 = arith.addi %parallel_loop3A_500, %add3A_1 : vector<16xi32>
      tpu.vector_store_idx %arg7[%parallel_loop3A_501], %parallel_loop3A_485 : memref<16384xf32, #tpu.memory_space<vmem>>[vector<16xi32>], vector<16xf32>,
    } {sc.loop_unroll_factor = 2 : i64, sc.parallel_access}
    %add3A_147 = arith.constant 147456 : i32
    %add3A_148 = arith.addi %mul3A_3, %add3A_147 : i32
    %dma_start3A_149 = tpu.memref_slice %arg3[%add3A_148] : memref<16777216xf32, #tpu.memory_space<hbm>> -> memref<16384xf32, #tpu.memory_space<hbm>>
    %dma_start3A_150 = tpu.memref_slice %arg3[%add3A_148] : memref<16777216xf32, #tpu.memory_space<hbm>> -> memref<16384xf32, #tpu.memory_space<hbm>>
    tpu.enqueue_dma source(%arg7 : memref<16384xf32, #tpu.memory_space<vmem>>) target(%dma_start3A_150 : memref<16384xf32, #tpu.memory_space<hbm>>) target_semaphore(%arg11 : memref<!tpu.dma_semaphore, #tpu.memory_space<semaphore_mem>>)
    %add3A_151 = arith.constant 180224 : i32
    %add3A_152 = arith.addi %mul3A_3, %add3A_151 : i32
    %dma_start3A_153 = tpu.memref_slice %arg2[%add3A_152] : memref<16777216xf32, #tpu.memory_space<hbm>> -> memref<16384xf32, #tpu.memory_space<hbm>>
    %dma_start3A_154 = tpu.memref_slice %arg2[%add3A_152] : memref<16777216xf32, #tpu.memory_space<hbm>> -> memref<16384xf32, #tpu.memory_space<hbm>>
    tpu.enqueue_dma source(%dma_start3A_154 : memref<16384xf32, #tpu.memory_space<hbm>>) target(%arg5 : memref<16384xf32, #tpu.memory_space<vmem>>) target_semaphore(%arg9 : memref<!tpu.dma_semaphore, #tpu.memory_space<semaphore_mem>>)
    %dma_wait3A_155 = tpu.memref_slice %arg2[%add3A_137] : memref<16777216xf32, #tpu.memory_space<hbm>> -> memref<16384xf32, #tpu.memory_space<hbm>>
    %dma_wait3A_156 = tpu.memref_slice %arg2[%add3A_137] : memref<16777216xf32, #tpu.memory_space<hbm>> -> memref<16384xf32, #tpu.memory_space<hbm>>
    tpu.wait_dma2 semaphore(%arg8 : memref<!tpu.dma_semaphore, #tpu.memory_space<semaphore_mem>>) src(%dma_wait3A_156 : memref<16384xf32, #tpu.memory_space<hbm>>) dst(%arg4 : memref<16384xf32, #tpu.memory_space<vmem>>)
    %dma_wait3A_157 = tpu.memref_slice %arg3[%add3A_133] : memref<16777216xf32, #tpu.memory_space<hbm>> -> memref<16384xf32, #tpu.memory_space<hbm>>
    %dma_wait3A_158 = tpu.memref_slice %arg3[%add3A_133] : memref<16777216xf32, #tpu.memory_space<hbm>> -> memref<16384xf32, #tpu.memory_space<hbm>>
    tpu.wait_dma2 semaphore(%arg10 : memref<!tpu.dma_semaphore, #tpu.memory_space<semaphore_mem>>) src(%arg6 : memref<16384xf32, #tpu.memory_space<vmem>>) dst(%dma_wait3A_158 : memref<16384xf32, #tpu.memory_space<hbm>>)
    %parallel_loop3A_159 = arith.constant 0 : i32
    %parallel_loop3A_160 = arith.constant 1024 : i32
    %parallel_loop3A_161 = arith.constant 1 : i32
    scf.for %parallel_loop3A_481 = %parallel_loop3A_159 to %parallel_loop3A_160 step %parallel_loop3A_161  : i32 {
      %parallel_loop3A_482 = arith.constant 16 : i32
      %parallel_loop3A_483 = arith.muli %parallel_loop3A_481, %parallel_loop3A_482 : i32
      %parallel_loop3A_484 = arith.index_cast %parallel_loop3A_483 : i32 to index
      %parallel_loop3A_485 = tpu.vector_load %arg4[%parallel_loop3A_484] {strides = array<i32>} : memref<16384xf32, #tpu.memory_space<vmem>>, vector<16xf32>,
      %parallel_loop3A_486 = arith.constant 4 : i32
      %parallel_loop3A_487 = arith.shrsi %parallel_loop3A_481, %parallel_loop3A_486 : i32
      %parallel_loop3A_488 = arith.constant 8 : i32
      %parallel_loop3A_489 = arith.shli %parallel_loop3A_487, %parallel_loop3A_488 : i32
      %parallel_loop3A_490 = arith.constant 7 : i32
      %parallel_loop3A_491 = arith.andi %parallel_loop3A_481, %parallel_loop3A_490 : i32
      %parallel_loop3A_492 = arith.constant 5 : i32
      %parallel_loop3A_493 = arith.shli %parallel_loop3A_491, %parallel_loop3A_492 : i32
      %parallel_loop3A_494 = arith.addi %parallel_loop3A_489, %parallel_loop3A_493 : i32
      %parallel_loop3A_495 = arith.constant 3 : i32
      %parallel_loop3A_496 = arith.shrsi %parallel_loop3A_481, %parallel_loop3A_495 : i32
      %parallel_loop3A_497 = arith.constant 1 : i32
      %parallel_loop3A_498 = arith.andi %parallel_loop3A_496, %parallel_loop3A_497 : i32
      %parallel_loop3A_499 = arith.addi %parallel_loop3A_494, %parallel_loop3A_498 : i32
      %parallel_loop3A_500 = vector.broadcast %parallel_loop3A_499 : i32 to vector<16xi32>
      %parallel_loop3A_501 = arith.addi %parallel_loop3A_500, %add3A_1 : vector<16xi32>
      tpu.vector_store_idx %arg6[%parallel_loop3A_501], %parallel_loop3A_485 : memref<16384xf32, #tpu.memory_space<vmem>>[vector<16xi32>], vector<16xf32>,
    } {sc.loop_unroll_factor = 2 : i64, sc.parallel_access}
    %add3A_162 = arith.constant 163840 : i32
    %add3A_163 = arith.addi %mul3A_3, %add3A_162 : i32
    %dma_start3A_164 = tpu.memref_slice %arg3[%add3A_163] : memref<16777216xf32, #tpu.memory_space<hbm>> -> memref<16384xf32, #tpu.memory_space<hbm>>
    %dma_start3A_165 = tpu.memref_slice %arg3[%add3A_163] : memref<16777216xf32, #tpu.memory_space<hbm>> -> memref<16384xf32, #tpu.memory_space<hbm>>
    tpu.enqueue_dma source(%arg6 : memref<16384xf32, #tpu.memory_space<vmem>>) target(%dma_start3A_165 : memref<16384xf32, #tpu.memory_space<hbm>>) target_semaphore(%arg10 : memref<!tpu.dma_semaphore, #tpu.memory_space<semaphore_mem>>)
    %add3A_166 = arith.constant 196608 : i32
    %add3A_167 = arith.addi %mul3A_3, %add3A_166 : i32
    %dma_start3A_168 = tpu.memref_slice %arg2[%add3A_167] : memref<16777216xf32, #tpu.memory_space<hbm>> -> memref<16384xf32, #tpu.memory_space<hbm>>
    %dma_start3A_169 = tpu.memref_slice %arg2[%add3A_167] : memref<16777216xf32, #tpu.memory_space<hbm>> -> memref<16384xf32, #tpu.memory_space<hbm>>
    tpu.enqueue_dma source(%dma_start3A_169 : memref<16384xf32, #tpu.memory_space<hbm>>) target(%arg4 : memref<16384xf32, #tpu.memory_space<vmem>>) target_semaphore(%arg8 : memref<!tpu.dma_semaphore, #tpu.memory_space<semaphore_mem>>)
    %dma_wait3A_170 = tpu.memref_slice %arg2[%add3A_152] : memref<16777216xf32, #tpu.memory_space<hbm>> -> memref<16384xf32, #tpu.memory_space<hbm>>
    %dma_wait3A_171 = tpu.memref_slice %arg2[%add3A_152] : memref<16777216xf32, #tpu.memory_space<hbm>> -> memref<16384xf32, #tpu.memory_space<hbm>>
    tpu.wait_dma2 semaphore(%arg9 : memref<!tpu.dma_semaphore, #tpu.memory_space<semaphore_mem>>) src(%dma_wait3A_171 : memref<16384xf32, #tpu.memory_space<hbm>>) dst(%arg5 : memref<16384xf32, #tpu.memory_space<vmem>>)
    %dma_wait3A_172 = tpu.memref_slice %arg3[%add3A_148] : memref<16777216xf32, #tpu.memory_space<hbm>> -> memref<16384xf32, #tpu.memory_space<hbm>>
    %dma_wait3A_173 = tpu.memref_slice %arg3[%add3A_148] : memref<16777216xf32, #tpu.memory_space<hbm>> -> memref<16384xf32, #tpu.memory_space<hbm>>
    tpu.wait_dma2 semaphore(%arg11 : memref<!tpu.dma_semaphore, #tpu.memory_space<semaphore_mem>>) src(%arg7 : memref<16384xf32, #tpu.memory_space<vmem>>) dst(%dma_wait3A_173 : memref<16384xf32, #tpu.memory_space<hbm>>)
    %parallel_loop3A_174 = arith.constant 0 : i32
    %parallel_loop3A_175 = arith.constant 1024 : i32
    %parallel_loop3A_176 = arith.constant 1 : i32
    scf.for %parallel_loop3A_481 = %parallel_loop3A_174 to %parallel_loop3A_175 step %parallel_loop3A_176  : i32 {
      %parallel_loop3A_482 = arith.constant 16 : i32
      %parallel_loop3A_483 = arith.muli %parallel_loop3A_481, %parallel_loop3A_482 : i32
      %parallel_loop3A_484 = arith.index_cast %parallel_loop3A_483 : i32 to index
      %parallel_loop3A_485 = tpu.vector_load %arg5[%parallel_loop3A_484] {strides = array<i32>} : memref<16384xf32, #tpu.memory_space<vmem>>, vector<16xf32>,
      %parallel_loop3A_486 = arith.constant 4 : i32
      %parallel_loop3A_487 = arith.shrsi %parallel_loop3A_481, %parallel_loop3A_486 : i32
      %parallel_loop3A_488 = arith.constant 8 : i32
      %parallel_loop3A_489 = arith.shli %parallel_loop3A_487, %parallel_loop3A_488 : i32
      %parallel_loop3A_490 = arith.constant 7 : i32
      %parallel_loop3A_491 = arith.andi %parallel_loop3A_481, %parallel_loop3A_490 : i32
      %parallel_loop3A_492 = arith.constant 5 : i32
      %parallel_loop3A_493 = arith.shli %parallel_loop3A_491, %parallel_loop3A_492 : i32
      %parallel_loop3A_494 = arith.addi %parallel_loop3A_489, %parallel_loop3A_493 : i32
      %parallel_loop3A_495 = arith.constant 3 : i32
      %parallel_loop3A_496 = arith.shrsi %parallel_loop3A_481, %parallel_loop3A_495 : i32
      %parallel_loop3A_497 = arith.constant 1 : i32
      %parallel_loop3A_498 = arith.andi %parallel_loop3A_496, %parallel_loop3A_497 : i32
      %parallel_loop3A_499 = arith.addi %parallel_loop3A_494, %parallel_loop3A_498 : i32
      %parallel_loop3A_500 = vector.broadcast %parallel_loop3A_499 : i32 to vector<16xi32>
      %parallel_loop3A_501 = arith.addi %parallel_loop3A_500, %add3A_1 : vector<16xi32>
      tpu.vector_store_idx %arg7[%parallel_loop3A_501], %parallel_loop3A_485 : memref<16384xf32, #tpu.memory_space<vmem>>[vector<16xi32>], vector<16xf32>,
    } {sc.loop_unroll_factor = 2 : i64, sc.parallel_access}
    %add3A_177 = arith.constant 180224 : i32
    %add3A_178 = arith.addi %mul3A_3, %add3A_177 : i32
    %dma_start3A_179 = tpu.memref_slice %arg3[%add3A_178] : memref<16777216xf32, #tpu.memory_space<hbm>> -> memref<16384xf32, #tpu.memory_space<hbm>>
    %dma_start3A_180 = tpu.memref_slice %arg3[%add3A_178] : memref<16777216xf32, #tpu.memory_space<hbm>> -> memref<16384xf32, #tpu.memory_space<hbm>>
    tpu.enqueue_dma source(%arg7 : memref<16384xf32, #tpu.memory_space<vmem>>) target(%dma_start3A_180 : memref<16384xf32, #tpu.memory_space<hbm>>) target_semaphore(%arg11 : memref<!tpu.dma_semaphore, #tpu.memory_space<semaphore_mem>>)
    %add3A_181 = arith.constant 212992 : i32
    %add3A_182 = arith.addi %mul3A_3, %add3A_181 : i32
    %dma_start3A_183 = tpu.memref_slice %arg2[%add3A_182] : memref<16777216xf32, #tpu.memory_space<hbm>> -> memref<16384xf32, #tpu.memory_space<hbm>>
    %dma_start3A_184 = tpu.memref_slice %arg2[%add3A_182] : memref<16777216xf32, #tpu.memory_space<hbm>> -> memref<16384xf32, #tpu.memory_space<hbm>>
    tpu.enqueue_dma source(%dma_start3A_184 : memref<16384xf32, #tpu.memory_space<hbm>>) target(%arg5 : memref<16384xf32, #tpu.memory_space<vmem>>) target_semaphore(%arg9 : memref<!tpu.dma_semaphore, #tpu.memory_space<semaphore_mem>>)
    %dma_wait3A_185 = tpu.memref_slice %arg2[%add3A_167] : memref<16777216xf32, #tpu.memory_space<hbm>> -> memref<16384xf32, #tpu.memory_space<hbm>>
    %dma_wait3A_186 = tpu.memref_slice %arg2[%add3A_167] : memref<16777216xf32, #tpu.memory_space<hbm>> -> memref<16384xf32, #tpu.memory_space<hbm>>
    tpu.wait_dma2 semaphore(%arg8 : memref<!tpu.dma_semaphore, #tpu.memory_space<semaphore_mem>>) src(%dma_wait3A_186 : memref<16384xf32, #tpu.memory_space<hbm>>) dst(%arg4 : memref<16384xf32, #tpu.memory_space<vmem>>)
    %dma_wait3A_187 = tpu.memref_slice %arg3[%add3A_163] : memref<16777216xf32, #tpu.memory_space<hbm>> -> memref<16384xf32, #tpu.memory_space<hbm>>
    %dma_wait3A_188 = tpu.memref_slice %arg3[%add3A_163] : memref<16777216xf32, #tpu.memory_space<hbm>> -> memref<16384xf32, #tpu.memory_space<hbm>>
    tpu.wait_dma2 semaphore(%arg10 : memref<!tpu.dma_semaphore, #tpu.memory_space<semaphore_mem>>) src(%arg6 : memref<16384xf32, #tpu.memory_space<vmem>>) dst(%dma_wait3A_188 : memref<16384xf32, #tpu.memory_space<hbm>>)
    %parallel_loop3A_189 = arith.constant 0 : i32
    %parallel_loop3A_190 = arith.constant 1024 : i32
    %parallel_loop3A_191 = arith.constant 1 : i32
    scf.for %parallel_loop3A_481 = %parallel_loop3A_189 to %parallel_loop3A_190 step %parallel_loop3A_191  : i32 {
      %parallel_loop3A_482 = arith.constant 16 : i32
      %parallel_loop3A_483 = arith.muli %parallel_loop3A_481, %parallel_loop3A_482 : i32
      %parallel_loop3A_484 = arith.index_cast %parallel_loop3A_483 : i32 to index
      %parallel_loop3A_485 = tpu.vector_load %arg4[%parallel_loop3A_484] {strides = array<i32>} : memref<16384xf32, #tpu.memory_space<vmem>>, vector<16xf32>,
      %parallel_loop3A_486 = arith.constant 4 : i32
      %parallel_loop3A_487 = arith.shrsi %parallel_loop3A_481, %parallel_loop3A_486 : i32
      %parallel_loop3A_488 = arith.constant 8 : i32
      %parallel_loop3A_489 = arith.shli %parallel_loop3A_487, %parallel_loop3A_488 : i32
      %parallel_loop3A_490 = arith.constant 7 : i32
      %parallel_loop3A_491 = arith.andi %parallel_loop3A_481, %parallel_loop3A_490 : i32
      %parallel_loop3A_492 = arith.constant 5 : i32
      %parallel_loop3A_493 = arith.shli %parallel_loop3A_491, %parallel_loop3A_492 : i32
      %parallel_loop3A_494 = arith.addi %parallel_loop3A_489, %parallel_loop3A_493 : i32
      %parallel_loop3A_495 = arith.constant 3 : i32
      %parallel_loop3A_496 = arith.shrsi %parallel_loop3A_481, %parallel_loop3A_495 : i32
      %parallel_loop3A_497 = arith.constant 1 : i32
      %parallel_loop3A_498 = arith.andi %parallel_loop3A_496, %parallel_loop3A_497 : i32
      %parallel_loop3A_499 = arith.addi %parallel_loop3A_494, %parallel_loop3A_498 : i32
      %parallel_loop3A_500 = vector.broadcast %parallel_loop3A_499 : i32 to vector<16xi32>
      %parallel_loop3A_501 = arith.addi %parallel_loop3A_500, %add3A_1 : vector<16xi32>
      tpu.vector_store_idx %arg6[%parallel_loop3A_501], %parallel_loop3A_485 : memref<16384xf32, #tpu.memory_space<vmem>>[vector<16xi32>], vector<16xf32>,
    } {sc.loop_unroll_factor = 2 : i64, sc.parallel_access}
    %add3A_192 = arith.constant 196608 : i32
    %add3A_193 = arith.addi %mul3A_3, %add3A_192 : i32
    %dma_start3A_194 = tpu.memref_slice %arg3[%add3A_193] : memref<16777216xf32, #tpu.memory_space<hbm>> -> memref<16384xf32, #tpu.memory_space<hbm>>
    %dma_start3A_195 = tpu.memref_slice %arg3[%add3A_193] : memref<16777216xf32, #tpu.memory_space<hbm>> -> memref<16384xf32, #tpu.memory_space<hbm>>
    tpu.enqueue_dma source(%arg6 : memref<16384xf32, #tpu.memory_space<vmem>>) target(%dma_start3A_195 : memref<16384xf32, #tpu.memory_space<hbm>>) target_semaphore(%arg10 : memref<!tpu.dma_semaphore, #tpu.memory_space<semaphore_mem>>)
    %add3A_196 = arith.constant 229376 : i32
    %add3A_197 = arith.addi %mul3A_3, %add3A_196 : i32
    %dma_start3A_198 = tpu.memref_slice %arg2[%add3A_197] : memref<16777216xf32, #tpu.memory_space<hbm>> -> memref<16384xf32, #tpu.memory_space<hbm>>
    %dma_start3A_199 = tpu.memref_slice %arg2[%add3A_197] : memref<16777216xf32, #tpu.memory_space<hbm>> -> memref<16384xf32, #tpu.memory_space<hbm>>
    tpu.enqueue_dma source(%dma_start3A_199 : memref<16384xf32, #tpu.memory_space<hbm>>) target(%arg4 : memref<16384xf32, #tpu.memory_space<vmem>>) target_semaphore(%arg8 : memref<!tpu.dma_semaphore, #tpu.memory_space<semaphore_mem>>)
    %dma_wait3A_200 = tpu.memref_slice %arg2[%add3A_182] : memref<16777216xf32, #tpu.memory_space<hbm>> -> memref<16384xf32, #tpu.memory_space<hbm>>
    %dma_wait3A_201 = tpu.memref_slice %arg2[%add3A_182] : memref<16777216xf32, #tpu.memory_space<hbm>> -> memref<16384xf32, #tpu.memory_space<hbm>>
    tpu.wait_dma2 semaphore(%arg9 : memref<!tpu.dma_semaphore, #tpu.memory_space<semaphore_mem>>) src(%dma_wait3A_201 : memref<16384xf32, #tpu.memory_space<hbm>>) dst(%arg5 : memref<16384xf32, #tpu.memory_space<vmem>>)
    %dma_wait3A_202 = tpu.memref_slice %arg3[%add3A_178] : memref<16777216xf32, #tpu.memory_space<hbm>> -> memref<16384xf32, #tpu.memory_space<hbm>>
    %dma_wait3A_203 = tpu.memref_slice %arg3[%add3A_178] : memref<16777216xf32, #tpu.memory_space<hbm>> -> memref<16384xf32, #tpu.memory_space<hbm>>
    tpu.wait_dma2 semaphore(%arg11 : memref<!tpu.dma_semaphore, #tpu.memory_space<semaphore_mem>>) src(%arg7 : memref<16384xf32, #tpu.memory_space<vmem>>) dst(%dma_wait3A_203 : memref<16384xf32, #tpu.memory_space<hbm>>)
    %parallel_loop3A_204 = arith.constant 0 : i32
    %parallel_loop3A_205 = arith.constant 1024 : i32
    %parallel_loop3A_206 = arith.constant 1 : i32
    scf.for %parallel_loop3A_481 = %parallel_loop3A_204 to %parallel_loop3A_205 step %parallel_loop3A_206  : i32 {
      %parallel_loop3A_482 = arith.constant 16 : i32
      %parallel_loop3A_483 = arith.muli %parallel_loop3A_481, %parallel_loop3A_482 : i32
      %parallel_loop3A_484 = arith.index_cast %parallel_loop3A_483 : i32 to index
      %parallel_loop3A_485 = tpu.vector_load %arg5[%parallel_loop3A_484] {strides = array<i32>} : memref<16384xf32, #tpu.memory_space<vmem>>, vector<16xf32>,
      %parallel_loop3A_486 = arith.constant 4 : i32
      %parallel_loop3A_487 = arith.shrsi %parallel_loop3A_481, %parallel_loop3A_486 : i32
      %parallel_loop3A_488 = arith.constant 8 : i32
      %parallel_loop3A_489 = arith.shli %parallel_loop3A_487, %parallel_loop3A_488 : i32
      %parallel_loop3A_490 = arith.constant 7 : i32
      %parallel_loop3A_491 = arith.andi %parallel_loop3A_481, %parallel_loop3A_490 : i32
      %parallel_loop3A_492 = arith.constant 5 : i32
      %parallel_loop3A_493 = arith.shli %parallel_loop3A_491, %parallel_loop3A_492 : i32
      %parallel_loop3A_494 = arith.addi %parallel_loop3A_489, %parallel_loop3A_493 : i32
      %parallel_loop3A_495 = arith.constant 3 : i32
      %parallel_loop3A_496 = arith.shrsi %parallel_loop3A_481, %parallel_loop3A_495 : i32
      %parallel_loop3A_497 = arith.constant 1 : i32
      %parallel_loop3A_498 = arith.andi %parallel_loop3A_496, %parallel_loop3A_497 : i32
      %parallel_loop3A_499 = arith.addi %parallel_loop3A_494, %parallel_loop3A_498 : i32
      %parallel_loop3A_500 = vector.broadcast %parallel_loop3A_499 : i32 to vector<16xi32>
      %parallel_loop3A_501 = arith.addi %parallel_loop3A_500, %add3A_1 : vector<16xi32>
      tpu.vector_store_idx %arg7[%parallel_loop3A_501], %parallel_loop3A_485 : memref<16384xf32, #tpu.memory_space<vmem>>[vector<16xi32>], vector<16xf32>,
    } {sc.loop_unroll_factor = 2 : i64, sc.parallel_access}
    %add3A_207 = arith.constant 212992 : i32
    %add3A_208 = arith.addi %mul3A_3, %add3A_207 : i32
    %dma_start3A_209 = tpu.memref_slice %arg3[%add3A_208] : memref<16777216xf32, #tpu.memory_space<hbm>> -> memref<16384xf32, #tpu.memory_space<hbm>>
    %dma_start3A_210 = tpu.memref_slice %arg3[%add3A_208] : memref<16777216xf32, #tpu.memory_space<hbm>> -> memref<16384xf32, #tpu.memory_space<hbm>>
    tpu.enqueue_dma source(%arg7 : memref<16384xf32, #tpu.memory_space<vmem>>) target(%dma_start3A_210 : memref<16384xf32, #tpu.memory_space<hbm>>) target_semaphore(%arg11 : memref<!tpu.dma_semaphore, #tpu.memory_space<semaphore_mem>>)
    %add3A_211 = arith.constant 245760 : i32
    %add3A_212 = arith.addi %mul3A_3, %add3A_211 : i32
    %dma_start3A_213 = tpu.memref_slice %arg2[%add3A_212] : memref<16777216xf32, #tpu.memory_space<hbm>> -> memref<16384xf32, #tpu.memory_space<hbm>>
    %dma_start3A_214 = tpu.memref_slice %arg2[%add3A_212] : memref<16777216xf32, #tpu.memory_space<hbm>> -> memref<16384xf32, #tpu.memory_space<hbm>>
    tpu.enqueue_dma source(%dma_start3A_214 : memref<16384xf32, #tpu.memory_space<hbm>>) target(%arg5 : memref<16384xf32, #tpu.memory_space<vmem>>) target_semaphore(%arg9 : memref<!tpu.dma_semaphore, #tpu.memory_space<semaphore_mem>>)
    %dma_wait3A_215 = tpu.memref_slice %arg2[%add3A_197] : memref<16777216xf32, #tpu.memory_space<hbm>> -> memref<16384xf32, #tpu.memory_space<hbm>>
    %dma_wait3A_216 = tpu.memref_slice %arg2[%add3A_197] : memref<16777216xf32, #tpu.memory_space<hbm>> -> memref<16384xf32, #tpu.memory_space<hbm>>
    tpu.wait_dma2 semaphore(%arg8 : memref<!tpu.dma_semaphore, #tpu.memory_space<semaphore_mem>>) src(%dma_wait3A_216 : memref<16384xf32, #tpu.memory_space<hbm>>) dst(%arg4 : memref<16384xf32, #tpu.memory_space<vmem>>)
    %dma_wait3A_217 = tpu.memref_slice %arg3[%add3A_193] : memref<16777216xf32, #tpu.memory_space<hbm>> -> memref<16384xf32, #tpu.memory_space<hbm>>
    %dma_wait3A_218 = tpu.memref_slice %arg3[%add3A_193] : memref<16777216xf32, #tpu.memory_space<hbm>> -> memref<16384xf32, #tpu.memory_space<hbm>>
    tpu.wait_dma2 semaphore(%arg10 : memref<!tpu.dma_semaphore, #tpu.memory_space<semaphore_mem>>) src(%arg6 : memref<16384xf32, #tpu.memory_space<vmem>>) dst(%dma_wait3A_218 : memref<16384xf32, #tpu.memory_space<hbm>>)
    %parallel_loop3A_219 = arith.constant 0 : i32
    %parallel_loop3A_220 = arith.constant 1024 : i32
    %parallel_loop3A_221 = arith.constant 1 : i32
    scf.for %parallel_loop3A_481 = %parallel_loop3A_219 to %parallel_loop3A_220 step %parallel_loop3A_221  : i32 {
      %parallel_loop3A_482 = arith.constant 16 : i32
      %parallel_loop3A_483 = arith.muli %parallel_loop3A_481, %parallel_loop3A_482 : i32
      %parallel_loop3A_484 = arith.index_cast %parallel_loop3A_483 : i32 to index
      %parallel_loop3A_485 = tpu.vector_load %arg4[%parallel_loop3A_484] {strides = array<i32>} : memref<16384xf32, #tpu.memory_space<vmem>>, vector<16xf32>,
      %parallel_loop3A_486 = arith.constant 4 : i32
      %parallel_loop3A_487 = arith.shrsi %parallel_loop3A_481, %parallel_loop3A_486 : i32
      %parallel_loop3A_488 = arith.constant 8 : i32
      %parallel_loop3A_489 = arith.shli %parallel_loop3A_487, %parallel_loop3A_488 : i32
      %parallel_loop3A_490 = arith.constant 7 : i32
      %parallel_loop3A_491 = arith.andi %parallel_loop3A_481, %parallel_loop3A_490 : i32
      %parallel_loop3A_492 = arith.constant 5 : i32
      %parallel_loop3A_493 = arith.shli %parallel_loop3A_491, %parallel_loop3A_492 : i32
      %parallel_loop3A_494 = arith.addi %parallel_loop3A_489, %parallel_loop3A_493 : i32
      %parallel_loop3A_495 = arith.constant 3 : i32
      %parallel_loop3A_496 = arith.shrsi %parallel_loop3A_481, %parallel_loop3A_495 : i32
      %parallel_loop3A_497 = arith.constant 1 : i32
      %parallel_loop3A_498 = arith.andi %parallel_loop3A_496, %parallel_loop3A_497 : i32
      %parallel_loop3A_499 = arith.addi %parallel_loop3A_494, %parallel_loop3A_498 : i32
      %parallel_loop3A_500 = vector.broadcast %parallel_loop3A_499 : i32 to vector<16xi32>
      %parallel_loop3A_501 = arith.addi %parallel_loop3A_500, %add3A_1 : vector<16xi32>
      tpu.vector_store_idx %arg6[%parallel_loop3A_501], %parallel_loop3A_485 : memref<16384xf32, #tpu.memory_space<vmem>>[vector<16xi32>], vector<16xf32>,
    } {sc.loop_unroll_factor = 2 : i64, sc.parallel_access}
    %add3A_222 = arith.constant 229376 : i32
    %add3A_223 = arith.addi %mul3A_3, %add3A_222 : i32
    %dma_start3A_224 = tpu.memref_slice %arg3[%add3A_223] : memref<16777216xf32, #tpu.memory_space<hbm>> -> memref<16384xf32, #tpu.memory_space<hbm>>
    %dma_start3A_225 = tpu.memref_slice %arg3[%add3A_223] : memref<16777216xf32, #tpu.memory_space<hbm>> -> memref<16384xf32, #tpu.memory_space<hbm>>
    tpu.enqueue_dma source(%arg6 : memref<16384xf32, #tpu.memory_space<vmem>>) target(%dma_start3A_225 : memref<16384xf32, #tpu.memory_space<hbm>>) target_semaphore(%arg10 : memref<!tpu.dma_semaphore, #tpu.memory_space<semaphore_mem>>)
    %add3A_226 = arith.constant 262144 : i32
    %add3A_227 = arith.addi %mul3A_3, %add3A_226 : i32
    %dma_start3A_228 = tpu.memref_slice %arg2[%add3A_227] : memref<16777216xf32, #tpu.memory_space<hbm>> -> memref<16384xf32, #tpu.memory_space<hbm>>
    %dma_start3A_229 = tpu.memref_slice %arg2[%add3A_227] : memref<16777216xf32, #tpu.memory_space<hbm>> -> memref<16384xf32, #tpu.memory_space<hbm>>
    tpu.enqueue_dma source(%dma_start3A_229 : memref<16384xf32, #tpu.memory_space<hbm>>) target(%arg4 : memref<16384xf32, #tpu.memory_space<vmem>>) target_semaphore(%arg8 : memref<!tpu.dma_semaphore, #tpu.memory_space<semaphore_mem>>)
    %dma_wait3A_230 = tpu.memref_slice %arg2[%add3A_212] : memref<16777216xf32, #tpu.memory_space<hbm>> -> memref<16384xf32, #tpu.memory_space<hbm>>
    %dma_wait3A_231 = tpu.memref_slice %arg2[%add3A_212] : memref<16777216xf32, #tpu.memory_space<hbm>> -> memref<16384xf32, #tpu.memory_space<hbm>>
    tpu.wait_dma2 semaphore(%arg9 : memref<!tpu.dma_semaphore, #tpu.memory_space<semaphore_mem>>) src(%dma_wait3A_231 : memref<16384xf32, #tpu.memory_space<hbm>>) dst(%arg5 : memref<16384xf32, #tpu.memory_space<vmem>>)
    %dma_wait3A_232 = tpu.memref_slice %arg3[%add3A_208] : memref<16777216xf32, #tpu.memory_space<hbm>> -> memref<16384xf32, #tpu.memory_space<hbm>>
    %dma_wait3A_233 = tpu.memref_slice %arg3[%add3A_208] : memref<16777216xf32, #tpu.memory_space<hbm>> -> memref<16384xf32, #tpu.memory_space<hbm>>
    tpu.wait_dma2 semaphore(%arg11 : memref<!tpu.dma_semaphore, #tpu.memory_space<semaphore_mem>>) src(%arg7 : memref<16384xf32, #tpu.memory_space<vmem>>) dst(%dma_wait3A_233 : memref<16384xf32, #tpu.memory_space<hbm>>)
    %parallel_loop3A_234 = arith.constant 0 : i32
    %parallel_loop3A_235 = arith.constant 1024 : i32
    %parallel_loop3A_236 = arith.constant 1 : i32
    scf.for %parallel_loop3A_481 = %parallel_loop3A_234 to %parallel_loop3A_235 step %parallel_loop3A_236  : i32 {
      %parallel_loop3A_482 = arith.constant 16 : i32
      %parallel_loop3A_483 = arith.muli %parallel_loop3A_481, %parallel_loop3A_482 : i32
      %parallel_loop3A_484 = arith.index_cast %parallel_loop3A_483 : i32 to index
      %parallel_loop3A_485 = tpu.vector_load %arg5[%parallel_loop3A_484] {strides = array<i32>} : memref<16384xf32, #tpu.memory_space<vmem>>, vector<16xf32>,
      %parallel_loop3A_486 = arith.constant 4 : i32
      %parallel_loop3A_487 = arith.shrsi %parallel_loop3A_481, %parallel_loop3A_486 : i32
      %parallel_loop3A_488 = arith.constant 8 : i32
      %parallel_loop3A_489 = arith.shli %parallel_loop3A_487, %parallel_loop3A_488 : i32
      %parallel_loop3A_490 = arith.constant 7 : i32
      %parallel_loop3A_491 = arith.andi %parallel_loop3A_481, %parallel_loop3A_490 : i32
      %parallel_loop3A_492 = arith.constant 5 : i32
      %parallel_loop3A_493 = arith.shli %parallel_loop3A_491, %parallel_loop3A_492 : i32
      %parallel_loop3A_494 = arith.addi %parallel_loop3A_489, %parallel_loop3A_493 : i32
      %parallel_loop3A_495 = arith.constant 3 : i32
      %parallel_loop3A_496 = arith.shrsi %parallel_loop3A_481, %parallel_loop3A_495 : i32
      %parallel_loop3A_497 = arith.constant 1 : i32
      %parallel_loop3A_498 = arith.andi %parallel_loop3A_496, %parallel_loop3A_497 : i32
      %parallel_loop3A_499 = arith.addi %parallel_loop3A_494, %parallel_loop3A_498 : i32
      %parallel_loop3A_500 = vector.broadcast %parallel_loop3A_499 : i32 to vector<16xi32>
      %parallel_loop3A_501 = arith.addi %parallel_loop3A_500, %add3A_1 : vector<16xi32>
      tpu.vector_store_idx %arg7[%parallel_loop3A_501], %parallel_loop3A_485 : memref<16384xf32, #tpu.memory_space<vmem>>[vector<16xi32>], vector<16xf32>,
    } {sc.loop_unroll_factor = 2 : i64, sc.parallel_access}
    %add3A_237 = arith.constant 245760 : i32
    %add3A_238 = arith.addi %mul3A_3, %add3A_237 : i32
    %dma_start3A_239 = tpu.memref_slice %arg3[%add3A_238] : memref<16777216xf32, #tpu.memory_space<hbm>> -> memref<16384xf32, #tpu.memory_space<hbm>>
    %dma_start3A_240 = tpu.memref_slice %arg3[%add3A_238] : memref<16777216xf32, #tpu.memory_space<hbm>> -> memref<16384xf32, #tpu.memory_space<hbm>>
    tpu.enqueue_dma source(%arg7 : memref<16384xf32, #tpu.memory_space<vmem>>) target(%dma_start3A_240 : memref<16384xf32, #tpu.memory_space<hbm>>) target_semaphore(%arg11 : memref<!tpu.dma_semaphore, #tpu.memory_space<semaphore_mem>>)
    %add3A_241 = arith.constant 278528 : i32
    %add3A_242 = arith.addi %mul3A_3, %add3A_241 : i32
    %dma_start3A_243 = tpu.memref_slice %arg2[%add3A_242] : memref<16777216xf32, #tpu.memory_space<hbm>> -> memref<16384xf32, #tpu.memory_space<hbm>>
    %dma_start3A_244 = tpu.memref_slice %arg2[%add3A_242] : memref<16777216xf32, #tpu.memory_space<hbm>> -> memref<16384xf32, #tpu.memory_space<hbm>>
    tpu.enqueue_dma source(%dma_start3A_244 : memref<16384xf32, #tpu.memory_space<hbm>>) target(%arg5 : memref<16384xf32, #tpu.memory_space<vmem>>) target_semaphore(%arg9 : memref<!tpu.dma_semaphore, #tpu.memory_space<semaphore_mem>>)
    %dma_wait3A_245 = tpu.memref_slice %arg2[%add3A_227] : memref<16777216xf32, #tpu.memory_space<hbm>> -> memref<16384xf32, #tpu.memory_space<hbm>>
    %dma_wait3A_246 = tpu.memref_slice %arg2[%add3A_227] : memref<16777216xf32, #tpu.memory_space<hbm>> -> memref<16384xf32, #tpu.memory_space<hbm>>
    tpu.wait_dma2 semaphore(%arg8 : memref<!tpu.dma_semaphore, #tpu.memory_space<semaphore_mem>>) src(%dma_wait3A_246 : memref<16384xf32, #tpu.memory_space<hbm>>) dst(%arg4 : memref<16384xf32, #tpu.memory_space<vmem>>)
    %dma_wait3A_247 = tpu.memref_slice %arg3[%add3A_223] : memref<16777216xf32, #tpu.memory_space<hbm>> -> memref<16384xf32, #tpu.memory_space<hbm>>
    %dma_wait3A_248 = tpu.memref_slice %arg3[%add3A_223] : memref<16777216xf32, #tpu.memory_space<hbm>> -> memref<16384xf32, #tpu.memory_space<hbm>>
    tpu.wait_dma2 semaphore(%arg10 : memref<!tpu.dma_semaphore, #tpu.memory_space<semaphore_mem>>) src(%arg6 : memref<16384xf32, #tpu.memory_space<vmem>>) dst(%dma_wait3A_248 : memref<16384xf32, #tpu.memory_space<hbm>>)
    %parallel_loop3A_249 = arith.constant 0 : i32
    %parallel_loop3A_250 = arith.constant 1024 : i32
    %parallel_loop3A_251 = arith.constant 1 : i32
    scf.for %parallel_loop3A_481 = %parallel_loop3A_249 to %parallel_loop3A_250 step %parallel_loop3A_251  : i32 {
      %parallel_loop3A_482 = arith.constant 16 : i32
      %parallel_loop3A_483 = arith.muli %parallel_loop3A_481, %parallel_loop3A_482 : i32
      %parallel_loop3A_484 = arith.index_cast %parallel_loop3A_483 : i32 to index
      %parallel_loop3A_485 = tpu.vector_load %arg4[%parallel_loop3A_484] {strides = array<i32>} : memref<16384xf32, #tpu.memory_space<vmem>>, vector<16xf32>,
      %parallel_loop3A_486 = arith.constant 4 : i32
      %parallel_loop3A_487 = arith.shrsi %parallel_loop3A_481, %parallel_loop3A_486 : i32
      %parallel_loop3A_488 = arith.constant 8 : i32
      %parallel_loop3A_489 = arith.shli %parallel_loop3A_487, %parallel_loop3A_488 : i32
      %parallel_loop3A_490 = arith.constant 7 : i32
      %parallel_loop3A_491 = arith.andi %parallel_loop3A_481, %parallel_loop3A_490 : i32
      %parallel_loop3A_492 = arith.constant 5 : i32
      %parallel_loop3A_493 = arith.shli %parallel_loop3A_491, %parallel_loop3A_492 : i32
      %parallel_loop3A_494 = arith.addi %parallel_loop3A_489, %parallel_loop3A_493 : i32
      %parallel_loop3A_495 = arith.constant 3 : i32
      %parallel_loop3A_496 = arith.shrsi %parallel_loop3A_481, %parallel_loop3A_495 : i32
      %parallel_loop3A_497 = arith.constant 1 : i32
      %parallel_loop3A_498 = arith.andi %parallel_loop3A_496, %parallel_loop3A_497 : i32
      %parallel_loop3A_499 = arith.addi %parallel_loop3A_494, %parallel_loop3A_498 : i32
      %parallel_loop3A_500 = vector.broadcast %parallel_loop3A_499 : i32 to vector<16xi32>
      %parallel_loop3A_501 = arith.addi %parallel_loop3A_500, %add3A_1 : vector<16xi32>
      tpu.vector_store_idx %arg6[%parallel_loop3A_501], %parallel_loop3A_485 : memref<16384xf32, #tpu.memory_space<vmem>>[vector<16xi32>], vector<16xf32>,
    } {sc.loop_unroll_factor = 2 : i64, sc.parallel_access}
    %add3A_252 = arith.constant 262144 : i32
    %add3A_253 = arith.addi %mul3A_3, %add3A_252 : i32
    %dma_start3A_254 = tpu.memref_slice %arg3[%add3A_253] : memref<16777216xf32, #tpu.memory_space<hbm>> -> memref<16384xf32, #tpu.memory_space<hbm>>
    %dma_start3A_255 = tpu.memref_slice %arg3[%add3A_253] : memref<16777216xf32, #tpu.memory_space<hbm>> -> memref<16384xf32, #tpu.memory_space<hbm>>
    tpu.enqueue_dma source(%arg6 : memref<16384xf32, #tpu.memory_space<vmem>>) target(%dma_start3A_255 : memref<16384xf32, #tpu.memory_space<hbm>>) target_semaphore(%arg10 : memref<!tpu.dma_semaphore, #tpu.memory_space<semaphore_mem>>)
    %add3A_256 = arith.constant 294912 : i32
    %add3A_257 = arith.addi %mul3A_3, %add3A_256 : i32
    %dma_start3A_258 = tpu.memref_slice %arg2[%add3A_257] : memref<16777216xf32, #tpu.memory_space<hbm>> -> memref<16384xf32, #tpu.memory_space<hbm>>
    %dma_start3A_259 = tpu.memref_slice %arg2[%add3A_257] : memref<16777216xf32, #tpu.memory_space<hbm>> -> memref<16384xf32, #tpu.memory_space<hbm>>
    tpu.enqueue_dma source(%dma_start3A_259 : memref<16384xf32, #tpu.memory_space<hbm>>) target(%arg4 : memref<16384xf32, #tpu.memory_space<vmem>>) target_semaphore(%arg8 : memref<!tpu.dma_semaphore, #tpu.memory_space<semaphore_mem>>)
    %dma_wait3A_260 = tpu.memref_slice %arg2[%add3A_242] : memref<16777216xf32, #tpu.memory_space<hbm>> -> memref<16384xf32, #tpu.memory_space<hbm>>
    %dma_wait3A_261 = tpu.memref_slice %arg2[%add3A_242] : memref<16777216xf32, #tpu.memory_space<hbm>> -> memref<16384xf32, #tpu.memory_space<hbm>>
    tpu.wait_dma2 semaphore(%arg9 : memref<!tpu.dma_semaphore, #tpu.memory_space<semaphore_mem>>) src(%dma_wait3A_261 : memref<16384xf32, #tpu.memory_space<hbm>>) dst(%arg5 : memref<16384xf32, #tpu.memory_space<vmem>>)
    %dma_wait3A_262 = tpu.memref_slice %arg3[%add3A_238] : memref<16777216xf32, #tpu.memory_space<hbm>> -> memref<16384xf32, #tpu.memory_space<hbm>>
    %dma_wait3A_263 = tpu.memref_slice %arg3[%add3A_238] : memref<16777216xf32, #tpu.memory_space<hbm>> -> memref<16384xf32, #tpu.memory_space<hbm>>
    tpu.wait_dma2 semaphore(%arg11 : memref<!tpu.dma_semaphore, #tpu.memory_space<semaphore_mem>>) src(%arg7 : memref<16384xf32, #tpu.memory_space<vmem>>) dst(%dma_wait3A_263 : memref<16384xf32, #tpu.memory_space<hbm>>)
    %parallel_loop3A_264 = arith.constant 0 : i32
    %parallel_loop3A_265 = arith.constant 1024 : i32
    %parallel_loop3A_266 = arith.constant 1 : i32
    scf.for %parallel_loop3A_481 = %parallel_loop3A_264 to %parallel_loop3A_265 step %parallel_loop3A_266  : i32 {
      %parallel_loop3A_482 = arith.constant 16 : i32
      %parallel_loop3A_483 = arith.muli %parallel_loop3A_481, %parallel_loop3A_482 : i32
      %parallel_loop3A_484 = arith.index_cast %parallel_loop3A_483 : i32 to index
      %parallel_loop3A_485 = tpu.vector_load %arg5[%parallel_loop3A_484] {strides = array<i32>} : memref<16384xf32, #tpu.memory_space<vmem>>, vector<16xf32>,
      %parallel_loop3A_486 = arith.constant 4 : i32
      %parallel_loop3A_487 = arith.shrsi %parallel_loop3A_481, %parallel_loop3A_486 : i32
      %parallel_loop3A_488 = arith.constant 8 : i32
      %parallel_loop3A_489 = arith.shli %parallel_loop3A_487, %parallel_loop3A_488 : i32
      %parallel_loop3A_490 = arith.constant 7 : i32
      %parallel_loop3A_491 = arith.andi %parallel_loop3A_481, %parallel_loop3A_490 : i32
      %parallel_loop3A_492 = arith.constant 5 : i32
      %parallel_loop3A_493 = arith.shli %parallel_loop3A_491, %parallel_loop3A_492 : i32
      %parallel_loop3A_494 = arith.addi %parallel_loop3A_489, %parallel_loop3A_493 : i32
      %parallel_loop3A_495 = arith.constant 3 : i32
      %parallel_loop3A_496 = arith.shrsi %parallel_loop3A_481, %parallel_loop3A_495 : i32
      %parallel_loop3A_497 = arith.constant 1 : i32
      %parallel_loop3A_498 = arith.andi %parallel_loop3A_496, %parallel_loop3A_497 : i32
      %parallel_loop3A_499 = arith.addi %parallel_loop3A_494, %parallel_loop3A_498 : i32
      %parallel_loop3A_500 = vector.broadcast %parallel_loop3A_499 : i32 to vector<16xi32>
      %parallel_loop3A_501 = arith.addi %parallel_loop3A_500, %add3A_1 : vector<16xi32>
      tpu.vector_store_idx %arg7[%parallel_loop3A_501], %parallel_loop3A_485 : memref<16384xf32, #tpu.memory_space<vmem>>[vector<16xi32>], vector<16xf32>,
    } {sc.loop_unroll_factor = 2 : i64, sc.parallel_access}
    %add3A_267 = arith.constant 278528 : i32
    %add3A_268 = arith.addi %mul3A_3, %add3A_267 : i32
    %dma_start3A_269 = tpu.memref_slice %arg3[%add3A_268] : memref<16777216xf32, #tpu.memory_space<hbm>> -> memref<16384xf32, #tpu.memory_space<hbm>>
    %dma_start3A_270 = tpu.memref_slice %arg3[%add3A_268] : memref<16777216xf32, #tpu.memory_space<hbm>> -> memref<16384xf32, #tpu.memory_space<hbm>>
    tpu.enqueue_dma source(%arg7 : memref<16384xf32, #tpu.memory_space<vmem>>) target(%dma_start3A_270 : memref<16384xf32, #tpu.memory_space<hbm>>) target_semaphore(%arg11 : memref<!tpu.dma_semaphore, #tpu.memory_space<semaphore_mem>>)
    %add3A_271 = arith.constant 311296 : i32
    %add3A_272 = arith.addi %mul3A_3, %add3A_271 : i32
    %dma_start3A_273 = tpu.memref_slice %arg2[%add3A_272] : memref<16777216xf32, #tpu.memory_space<hbm>> -> memref<16384xf32, #tpu.memory_space<hbm>>
    %dma_start3A_274 = tpu.memref_slice %arg2[%add3A_272] : memref<16777216xf32, #tpu.memory_space<hbm>> -> memref<16384xf32, #tpu.memory_space<hbm>>
    tpu.enqueue_dma source(%dma_start3A_274 : memref<16384xf32, #tpu.memory_space<hbm>>) target(%arg5 : memref<16384xf32, #tpu.memory_space<vmem>>) target_semaphore(%arg9 : memref<!tpu.dma_semaphore, #tpu.memory_space<semaphore_mem>>)
    %dma_wait3A_275 = tpu.memref_slice %arg2[%add3A_257] : memref<16777216xf32, #tpu.memory_space<hbm>> -> memref<16384xf32, #tpu.memory_space<hbm>>
    %dma_wait3A_276 = tpu.memref_slice %arg2[%add3A_257] : memref<16777216xf32, #tpu.memory_space<hbm>> -> memref<16384xf32, #tpu.memory_space<hbm>>
    tpu.wait_dma2 semaphore(%arg8 : memref<!tpu.dma_semaphore, #tpu.memory_space<semaphore_mem>>) src(%dma_wait3A_276 : memref<16384xf32, #tpu.memory_space<hbm>>) dst(%arg4 : memref<16384xf32, #tpu.memory_space<vmem>>)
    %dma_wait3A_277 = tpu.memref_slice %arg3[%add3A_253] : memref<16777216xf32, #tpu.memory_space<hbm>> -> memref<16384xf32, #tpu.memory_space<hbm>>
    %dma_wait3A_278 = tpu.memref_slice %arg3[%add3A_253] : memref<16777216xf32, #tpu.memory_space<hbm>> -> memref<16384xf32, #tpu.memory_space<hbm>>
    tpu.wait_dma2 semaphore(%arg10 : memref<!tpu.dma_semaphore, #tpu.memory_space<semaphore_mem>>) src(%arg6 : memref<16384xf32, #tpu.memory_space<vmem>>) dst(%dma_wait3A_278 : memref<16384xf32, #tpu.memory_space<hbm>>)
    %parallel_loop3A_279 = arith.constant 0 : i32
    %parallel_loop3A_280 = arith.constant 1024 : i32
    %parallel_loop3A_281 = arith.constant 1 : i32
    scf.for %parallel_loop3A_481 = %parallel_loop3A_279 to %parallel_loop3A_280 step %parallel_loop3A_281  : i32 {
      %parallel_loop3A_482 = arith.constant 16 : i32
      %parallel_loop3A_483 = arith.muli %parallel_loop3A_481, %parallel_loop3A_482 : i32
      %parallel_loop3A_484 = arith.index_cast %parallel_loop3A_483 : i32 to index
      %parallel_loop3A_485 = tpu.vector_load %arg4[%parallel_loop3A_484] {strides = array<i32>} : memref<16384xf32, #tpu.memory_space<vmem>>, vector<16xf32>,
      %parallel_loop3A_486 = arith.constant 4 : i32
      %parallel_loop3A_487 = arith.shrsi %parallel_loop3A_481, %parallel_loop3A_486 : i32
      %parallel_loop3A_488 = arith.constant 8 : i32
      %parallel_loop3A_489 = arith.shli %parallel_loop3A_487, %parallel_loop3A_488 : i32
      %parallel_loop3A_490 = arith.constant 7 : i32
      %parallel_loop3A_491 = arith.andi %parallel_loop3A_481, %parallel_loop3A_490 : i32
      %parallel_loop3A_492 = arith.constant 5 : i32
      %parallel_loop3A_493 = arith.shli %parallel_loop3A_491, %parallel_loop3A_492 : i32
      %parallel_loop3A_494 = arith.addi %parallel_loop3A_489, %parallel_loop3A_493 : i32
      %parallel_loop3A_495 = arith.constant 3 : i32
      %parallel_loop3A_496 = arith.shrsi %parallel_loop3A_481, %parallel_loop3A_495 : i32
      %parallel_loop3A_497 = arith.constant 1 : i32
      %parallel_loop3A_498 = arith.andi %parallel_loop3A_496, %parallel_loop3A_497 : i32
      %parallel_loop3A_499 = arith.addi %parallel_loop3A_494, %parallel_loop3A_498 : i32
      %parallel_loop3A_500 = vector.broadcast %parallel_loop3A_499 : i32 to vector<16xi32>
      %parallel_loop3A_501 = arith.addi %parallel_loop3A_500, %add3A_1 : vector<16xi32>
      tpu.vector_store_idx %arg6[%parallel_loop3A_501], %parallel_loop3A_485 : memref<16384xf32, #tpu.memory_space<vmem>>[vector<16xi32>], vector<16xf32>,
    } {sc.loop_unroll_factor = 2 : i64, sc.parallel_access}
    %add3A_282 = arith.constant 294912 : i32
    %add3A_283 = arith.addi %mul3A_3, %add3A_282 : i32
    %dma_start3A_284 = tpu.memref_slice %arg3[%add3A_283] : memref<16777216xf32, #tpu.memory_space<hbm>> -> memref<16384xf32, #tpu.memory_space<hbm>>
    %dma_start3A_285 = tpu.memref_slice %arg3[%add3A_283] : memref<16777216xf32, #tpu.memory_space<hbm>> -> memref<16384xf32, #tpu.memory_space<hbm>>
    tpu.enqueue_dma source(%arg6 : memref<16384xf32, #tpu.memory_space<vmem>>) target(%dma_start3A_285 : memref<16384xf32, #tpu.memory_space<hbm>>) target_semaphore(%arg10 : memref<!tpu.dma_semaphore, #tpu.memory_space<semaphore_mem>>)
    %add3A_286 = arith.constant 327680 : i32
    %add3A_287 = arith.addi %mul3A_3, %add3A_286 : i32
    %dma_start3A_288 = tpu.memref_slice %arg2[%add3A_287] : memref<16777216xf32, #tpu.memory_space<hbm>> -> memref<16384xf32, #tpu.memory_space<hbm>>
    %dma_start3A_289 = tpu.memref_slice %arg2[%add3A_287] : memref<16777216xf32, #tpu.memory_space<hbm>> -> memref<16384xf32, #tpu.memory_space<hbm>>
    tpu.enqueue_dma source(%dma_start3A_289 : memref<16384xf32, #tpu.memory_space<hbm>>) target(%arg4 : memref<16384xf32, #tpu.memory_space<vmem>>) target_semaphore(%arg8 : memref<!tpu.dma_semaphore, #tpu.memory_space<semaphore_mem>>)
    %dma_wait3A_290 = tpu.memref_slice %arg2[%add3A_272] : memref<16777216xf32, #tpu.memory_space<hbm>> -> memref<16384xf32, #tpu.memory_space<hbm>>
    %dma_wait3A_291 = tpu.memref_slice %arg2[%add3A_272] : memref<16777216xf32, #tpu.memory_space<hbm>> -> memref<16384xf32, #tpu.memory_space<hbm>>
    tpu.wait_dma2 semaphore(%arg9 : memref<!tpu.dma_semaphore, #tpu.memory_space<semaphore_mem>>) src(%dma_wait3A_291 : memref<16384xf32, #tpu.memory_space<hbm>>) dst(%arg5 : memref<16384xf32, #tpu.memory_space<vmem>>)
    %dma_wait3A_292 = tpu.memref_slice %arg3[%add3A_268] : memref<16777216xf32, #tpu.memory_space<hbm>> -> memref<16384xf32, #tpu.memory_space<hbm>>
    %dma_wait3A_293 = tpu.memref_slice %arg3[%add3A_268] : memref<16777216xf32, #tpu.memory_space<hbm>> -> memref<16384xf32, #tpu.memory_space<hbm>>
    tpu.wait_dma2 semaphore(%arg11 : memref<!tpu.dma_semaphore, #tpu.memory_space<semaphore_mem>>) src(%arg7 : memref<16384xf32, #tpu.memory_space<vmem>>) dst(%dma_wait3A_293 : memref<16384xf32, #tpu.memory_space<hbm>>)
    %parallel_loop3A_294 = arith.constant 0 : i32
    %parallel_loop3A_295 = arith.constant 1024 : i32
    %parallel_loop3A_296 = arith.constant 1 : i32
    scf.for %parallel_loop3A_481 = %parallel_loop3A_294 to %parallel_loop3A_295 step %parallel_loop3A_296  : i32 {
      %parallel_loop3A_482 = arith.constant 16 : i32
      %parallel_loop3A_483 = arith.muli %parallel_loop3A_481, %parallel_loop3A_482 : i32
      %parallel_loop3A_484 = arith.index_cast %parallel_loop3A_483 : i32 to index
      %parallel_loop3A_485 = tpu.vector_load %arg5[%parallel_loop3A_484] {strides = array<i32>} : memref<16384xf32, #tpu.memory_space<vmem>>, vector<16xf32>,
      %parallel_loop3A_486 = arith.constant 4 : i32
      %parallel_loop3A_487 = arith.shrsi %parallel_loop3A_481, %parallel_loop3A_486 : i32
      %parallel_loop3A_488 = arith.constant 8 : i32
      %parallel_loop3A_489 = arith.shli %parallel_loop3A_487, %parallel_loop3A_488 : i32
      %parallel_loop3A_490 = arith.constant 7 : i32
      %parallel_loop3A_491 = arith.andi %parallel_loop3A_481, %parallel_loop3A_490 : i32
      %parallel_loop3A_492 = arith.constant 5 : i32
      %parallel_loop3A_493 = arith.shli %parallel_loop3A_491, %parallel_loop3A_492 : i32
      %parallel_loop3A_494 = arith.addi %parallel_loop3A_489, %parallel_loop3A_493 : i32
      %parallel_loop3A_495 = arith.constant 3 : i32
      %parallel_loop3A_496 = arith.shrsi %parallel_loop3A_481, %parallel_loop3A_495 : i32
      %parallel_loop3A_497 = arith.constant 1 : i32
      %parallel_loop3A_498 = arith.andi %parallel_loop3A_496, %parallel_loop3A_497 : i32
      %parallel_loop3A_499 = arith.addi %parallel_loop3A_494, %parallel_loop3A_498 : i32
      %parallel_loop3A_500 = vector.broadcast %parallel_loop3A_499 : i32 to vector<16xi32>
      %parallel_loop3A_501 = arith.addi %parallel_loop3A_500, %add3A_1 : vector<16xi32>
      tpu.vector_store_idx %arg7[%parallel_loop3A_501], %parallel_loop3A_485 : memref<16384xf32, #tpu.memory_space<vmem>>[vector<16xi32>], vector<16xf32>,
    } {sc.loop_unroll_factor = 2 : i64, sc.parallel_access}
    %add3A_297 = arith.constant 311296 : i32
    %add3A_298 = arith.addi %mul3A_3, %add3A_297 : i32
    %dma_start3A_299 = tpu.memref_slice %arg3[%add3A_298] : memref<16777216xf32, #tpu.memory_space<hbm>> -> memref<16384xf32, #tpu.memory_space<hbm>>
    %dma_start3A_300 = tpu.memref_slice %arg3[%add3A_298] : memref<16777216xf32, #tpu.memory_space<hbm>> -> memref<16384xf32, #tpu.memory_space<hbm>>
    tpu.enqueue_dma source(%arg7 : memref<16384xf32, #tpu.memory_space<vmem>>) target(%dma_start3A_300 : memref<16384xf32, #tpu.memory_space<hbm>>) target_semaphore(%arg11 : memref<!tpu.dma_semaphore, #tpu.memory_space<semaphore_mem>>)
    %add3A_301 = arith.constant 344064 : i32
    %add3A_302 = arith.addi %mul3A_3, %add3A_301 : i32
    %dma_start3A_303 = tpu.memref_slice %arg2[%add3A_302] : memref<16777216xf32, #tpu.memory_space<hbm>> -> memref<16384xf32, #tpu.memory_space<hbm>>
    %dma_start3A_304 = tpu.memref_slice %arg2[%add3A_302] : memref<16777216xf32, #tpu.memory_space<hbm>> -> memref<16384xf32, #tpu.memory_space<hbm>>
    tpu.enqueue_dma source(%dma_start3A_304 : memref<16384xf32, #tpu.memory_space<hbm>>) target(%arg5 : memref<16384xf32, #tpu.memory_space<vmem>>) target_semaphore(%arg9 : memref<!tpu.dma_semaphore, #tpu.memory_space<semaphore_mem>>)
    %dma_wait3A_305 = tpu.memref_slice %arg2[%add3A_287] : memref<16777216xf32, #tpu.memory_space<hbm>> -> memref<16384xf32, #tpu.memory_space<hbm>>
    %dma_wait3A_306 = tpu.memref_slice %arg2[%add3A_287] : memref<16777216xf32, #tpu.memory_space<hbm>> -> memref<16384xf32, #tpu.memory_space<hbm>>
    tpu.wait_dma2 semaphore(%arg8 : memref<!tpu.dma_semaphore, #tpu.memory_space<semaphore_mem>>) src(%dma_wait3A_306 : memref<16384xf32, #tpu.memory_space<hbm>>) dst(%arg4 : memref<16384xf32, #tpu.memory_space<vmem>>)
    %dma_wait3A_307 = tpu.memref_slice %arg3[%add3A_283] : memref<16777216xf32, #tpu.memory_space<hbm>> -> memref<16384xf32, #tpu.memory_space<hbm>>
    %dma_wait3A_308 = tpu.memref_slice %arg3[%add3A_283] : memref<16777216xf32, #tpu.memory_space<hbm>> -> memref<16384xf32, #tpu.memory_space<hbm>>
    tpu.wait_dma2 semaphore(%arg10 : memref<!tpu.dma_semaphore, #tpu.memory_space<semaphore_mem>>) src(%arg6 : memref<16384xf32, #tpu.memory_space<vmem>>) dst(%dma_wait3A_308 : memref<16384xf32, #tpu.memory_space<hbm>>)
    %parallel_loop3A_309 = arith.constant 0 : i32
    %parallel_loop3A_310 = arith.constant 1024 : i32
    %parallel_loop3A_311 = arith.constant 1 : i32
    scf.for %parallel_loop3A_481 = %parallel_loop3A_309 to %parallel_loop3A_310 step %parallel_loop3A_311  : i32 {
      %parallel_loop3A_482 = arith.constant 16 : i32
      %parallel_loop3A_483 = arith.muli %parallel_loop3A_481, %parallel_loop3A_482 : i32
      %parallel_loop3A_484 = arith.index_cast %parallel_loop3A_483 : i32 to index
      %parallel_loop3A_485 = tpu.vector_load %arg4[%parallel_loop3A_484] {strides = array<i32>} : memref<16384xf32, #tpu.memory_space<vmem>>, vector<16xf32>,
      %parallel_loop3A_486 = arith.constant 4 : i32
      %parallel_loop3A_487 = arith.shrsi %parallel_loop3A_481, %parallel_loop3A_486 : i32
      %parallel_loop3A_488 = arith.constant 8 : i32
      %parallel_loop3A_489 = arith.shli %parallel_loop3A_487, %parallel_loop3A_488 : i32
      %parallel_loop3A_490 = arith.constant 7 : i32
      %parallel_loop3A_491 = arith.andi %parallel_loop3A_481, %parallel_loop3A_490 : i32
      %parallel_loop3A_492 = arith.constant 5 : i32
      %parallel_loop3A_493 = arith.shli %parallel_loop3A_491, %parallel_loop3A_492 : i32
      %parallel_loop3A_494 = arith.addi %parallel_loop3A_489, %parallel_loop3A_493 : i32
      %parallel_loop3A_495 = arith.constant 3 : i32
      %parallel_loop3A_496 = arith.shrsi %parallel_loop3A_481, %parallel_loop3A_495 : i32
      %parallel_loop3A_497 = arith.constant 1 : i32
      %parallel_loop3A_498 = arith.andi %parallel_loop3A_496, %parallel_loop3A_497 : i32
      %parallel_loop3A_499 = arith.addi %parallel_loop3A_494, %parallel_loop3A_498 : i32
      %parallel_loop3A_500 = vector.broadcast %parallel_loop3A_499 : i32 to vector<16xi32>
      %parallel_loop3A_501 = arith.addi %parallel_loop3A_500, %add3A_1 : vector<16xi32>
      tpu.vector_store_idx %arg6[%parallel_loop3A_501], %parallel_loop3A_485 : memref<16384xf32, #tpu.memory_space<vmem>>[vector<16xi32>], vector<16xf32>,
    } {sc.loop_unroll_factor = 2 : i64, sc.parallel_access}
    %add3A_312 = arith.constant 327680 : i32
    %add3A_313 = arith.addi %mul3A_3, %add3A_312 : i32
    %dma_start3A_314 = tpu.memref_slice %arg3[%add3A_313] : memref<16777216xf32, #tpu.memory_space<hbm>> -> memref<16384xf32, #tpu.memory_space<hbm>>
    %dma_start3A_315 = tpu.memref_slice %arg3[%add3A_313] : memref<16777216xf32, #tpu.memory_space<hbm>> -> memref<16384xf32, #tpu.memory_space<hbm>>
    tpu.enqueue_dma source(%arg6 : memref<16384xf32, #tpu.memory_space<vmem>>) target(%dma_start3A_315 : memref<16384xf32, #tpu.memory_space<hbm>>) target_semaphore(%arg10 : memref<!tpu.dma_semaphore, #tpu.memory_space<semaphore_mem>>)
    %add3A_316 = arith.constant 360448 : i32
    %add3A_317 = arith.addi %mul3A_3, %add3A_316 : i32
    %dma_start3A_318 = tpu.memref_slice %arg2[%add3A_317] : memref<16777216xf32, #tpu.memory_space<hbm>> -> memref<16384xf32, #tpu.memory_space<hbm>>
    %dma_start3A_319 = tpu.memref_slice %arg2[%add3A_317] : memref<16777216xf32, #tpu.memory_space<hbm>> -> memref<16384xf32, #tpu.memory_space<hbm>>
    tpu.enqueue_dma source(%dma_start3A_319 : memref<16384xf32, #tpu.memory_space<hbm>>) target(%arg4 : memref<16384xf32, #tpu.memory_space<vmem>>) target_semaphore(%arg8 : memref<!tpu.dma_semaphore, #tpu.memory_space<semaphore_mem>>)
    %dma_wait3A_320 = tpu.memref_slice %arg2[%add3A_302] : memref<16777216xf32, #tpu.memory_space<hbm>> -> memref<16384xf32, #tpu.memory_space<hbm>>
    %dma_wait3A_321 = tpu.memref_slice %arg2[%add3A_302] : memref<16777216xf32, #tpu.memory_space<hbm>> -> memref<16384xf32, #tpu.memory_space<hbm>>
    tpu.wait_dma2 semaphore(%arg9 : memref<!tpu.dma_semaphore, #tpu.memory_space<semaphore_mem>>) src(%dma_wait3A_321 : memref<16384xf32, #tpu.memory_space<hbm>>) dst(%arg5 : memref<16384xf32, #tpu.memory_space<vmem>>)
    %dma_wait3A_322 = tpu.memref_slice %arg3[%add3A_298] : memref<16777216xf32, #tpu.memory_space<hbm>> -> memref<16384xf32, #tpu.memory_space<hbm>>
    %dma_wait3A_323 = tpu.memref_slice %arg3[%add3A_298] : memref<16777216xf32, #tpu.memory_space<hbm>> -> memref<16384xf32, #tpu.memory_space<hbm>>
    tpu.wait_dma2 semaphore(%arg11 : memref<!tpu.dma_semaphore, #tpu.memory_space<semaphore_mem>>) src(%arg7 : memref<16384xf32, #tpu.memory_space<vmem>>) dst(%dma_wait3A_323 : memref<16384xf32, #tpu.memory_space<hbm>>)
    %parallel_loop3A_324 = arith.constant 0 : i32
    %parallel_loop3A_325 = arith.constant 1024 : i32
    %parallel_loop3A_326 = arith.constant 1 : i32
    scf.for %parallel_loop3A_481 = %parallel_loop3A_324 to %parallel_loop3A_325 step %parallel_loop3A_326  : i32 {
      %parallel_loop3A_482 = arith.constant 16 : i32
      %parallel_loop3A_483 = arith.muli %parallel_loop3A_481, %parallel_loop3A_482 : i32
      %parallel_loop3A_484 = arith.index_cast %parallel_loop3A_483 : i32 to index
      %parallel_loop3A_485 = tpu.vector_load %arg5[%parallel_loop3A_484] {strides = array<i32>} : memref<16384xf32, #tpu.memory_space<vmem>>, vector<16xf32>,
      %parallel_loop3A_486 = arith.constant 4 : i32
      %parallel_loop3A_487 = arith.shrsi %parallel_loop3A_481, %parallel_loop3A_486 : i32
      %parallel_loop3A_488 = arith.constant 8 : i32
      %parallel_loop3A_489 = arith.shli %parallel_loop3A_487, %parallel_loop3A_488 : i32
      %parallel_loop3A_490 = arith.constant 7 : i32
      %parallel_loop3A_491 = arith.andi %parallel_loop3A_481, %parallel_loop3A_490 : i32
      %parallel_loop3A_492 = arith.constant 5 : i32
      %parallel_loop3A_493 = arith.shli %parallel_loop3A_491, %parallel_loop3A_492 : i32
      %parallel_loop3A_494 = arith.addi %parallel_loop3A_489, %parallel_loop3A_493 : i32
      %parallel_loop3A_495 = arith.constant 3 : i32
      %parallel_loop3A_496 = arith.shrsi %parallel_loop3A_481, %parallel_loop3A_495 : i32
      %parallel_loop3A_497 = arith.constant 1 : i32
      %parallel_loop3A_498 = arith.andi %parallel_loop3A_496, %parallel_loop3A_497 : i32
      %parallel_loop3A_499 = arith.addi %parallel_loop3A_494, %parallel_loop3A_498 : i32
      %parallel_loop3A_500 = vector.broadcast %parallel_loop3A_499 : i32 to vector<16xi32>
      %parallel_loop3A_501 = arith.addi %parallel_loop3A_500, %add3A_1 : vector<16xi32>
      tpu.vector_store_idx %arg7[%parallel_loop3A_501], %parallel_loop3A_485 : memref<16384xf32, #tpu.memory_space<vmem>>[vector<16xi32>], vector<16xf32>,
    } {sc.loop_unroll_factor = 2 : i64, sc.parallel_access}
    %add3A_327 = arith.constant 344064 : i32
    %add3A_328 = arith.addi %mul3A_3, %add3A_327 : i32
    %dma_start3A_329 = tpu.memref_slice %arg3[%add3A_328] : memref<16777216xf32, #tpu.memory_space<hbm>> -> memref<16384xf32, #tpu.memory_space<hbm>>
    %dma_start3A_330 = tpu.memref_slice %arg3[%add3A_328] : memref<16777216xf32, #tpu.memory_space<hbm>> -> memref<16384xf32, #tpu.memory_space<hbm>>
    tpu.enqueue_dma source(%arg7 : memref<16384xf32, #tpu.memory_space<vmem>>) target(%dma_start3A_330 : memref<16384xf32, #tpu.memory_space<hbm>>) target_semaphore(%arg11 : memref<!tpu.dma_semaphore, #tpu.memory_space<semaphore_mem>>)
    %add3A_331 = arith.constant 376832 : i32
    %add3A_332 = arith.addi %mul3A_3, %add3A_331 : i32
    %dma_start3A_333 = tpu.memref_slice %arg2[%add3A_332] : memref<16777216xf32, #tpu.memory_space<hbm>> -> memref<16384xf32, #tpu.memory_space<hbm>>
    %dma_start3A_334 = tpu.memref_slice %arg2[%add3A_332] : memref<16777216xf32, #tpu.memory_space<hbm>> -> memref<16384xf32, #tpu.memory_space<hbm>>
    tpu.enqueue_dma source(%dma_start3A_334 : memref<16384xf32, #tpu.memory_space<hbm>>) target(%arg5 : memref<16384xf32, #tpu.memory_space<vmem>>) target_semaphore(%arg9 : memref<!tpu.dma_semaphore, #tpu.memory_space<semaphore_mem>>)
    %dma_wait3A_335 = tpu.memref_slice %arg2[%add3A_317] : memref<16777216xf32, #tpu.memory_space<hbm>> -> memref<16384xf32, #tpu.memory_space<hbm>>
    %dma_wait3A_336 = tpu.memref_slice %arg2[%add3A_317] : memref<16777216xf32, #tpu.memory_space<hbm>> -> memref<16384xf32, #tpu.memory_space<hbm>>
    tpu.wait_dma2 semaphore(%arg8 : memref<!tpu.dma_semaphore, #tpu.memory_space<semaphore_mem>>) src(%dma_wait3A_336 : memref<16384xf32, #tpu.memory_space<hbm>>) dst(%arg4 : memref<16384xf32, #tpu.memory_space<vmem>>)
    %dma_wait3A_337 = tpu.memref_slice %arg3[%add3A_313] : memref<16777216xf32, #tpu.memory_space<hbm>> -> memref<16384xf32, #tpu.memory_space<hbm>>
    %dma_wait3A_338 = tpu.memref_slice %arg3[%add3A_313] : memref<16777216xf32, #tpu.memory_space<hbm>> -> memref<16384xf32, #tpu.memory_space<hbm>>
    tpu.wait_dma2 semaphore(%arg10 : memref<!tpu.dma_semaphore, #tpu.memory_space<semaphore_mem>>) src(%arg6 : memref<16384xf32, #tpu.memory_space<vmem>>) dst(%dma_wait3A_338 : memref<16384xf32, #tpu.memory_space<hbm>>)
    %parallel_loop3A_339 = arith.constant 0 : i32
    %parallel_loop3A_340 = arith.constant 1024 : i32
    %parallel_loop3A_341 = arith.constant 1 : i32
    scf.for %parallel_loop3A_481 = %parallel_loop3A_339 to %parallel_loop3A_340 step %parallel_loop3A_341  : i32 {
      %parallel_loop3A_482 = arith.constant 16 : i32
      %parallel_loop3A_483 = arith.muli %parallel_loop3A_481, %parallel_loop3A_482 : i32
      %parallel_loop3A_484 = arith.index_cast %parallel_loop3A_483 : i32 to index
      %parallel_loop3A_485 = tpu.vector_load %arg4[%parallel_loop3A_484] {strides = array<i32>} : memref<16384xf32, #tpu.memory_space<vmem>>, vector<16xf32>,
      %parallel_loop3A_486 = arith.constant 4 : i32
      %parallel_loop3A_487 = arith.shrsi %parallel_loop3A_481, %parallel_loop3A_486 : i32
      %parallel_loop3A_488 = arith.constant 8 : i32
      %parallel_loop3A_489 = arith.shli %parallel_loop3A_487, %parallel_loop3A_488 : i32
      %parallel_loop3A_490 = arith.constant 7 : i32
      %parallel_loop3A_491 = arith.andi %parallel_loop3A_481, %parallel_loop3A_490 : i32
      %parallel_loop3A_492 = arith.constant 5 : i32
      %parallel_loop3A_493 = arith.shli %parallel_loop3A_491, %parallel_loop3A_492 : i32
      %parallel_loop3A_494 = arith.addi %parallel_loop3A_489, %parallel_loop3A_493 : i32
      %parallel_loop3A_495 = arith.constant 3 : i32
      %parallel_loop3A_496 = arith.shrsi %parallel_loop3A_481, %parallel_loop3A_495 : i32
      %parallel_loop3A_497 = arith.constant 1 : i32
      %parallel_loop3A_498 = arith.andi %parallel_loop3A_496, %parallel_loop3A_497 : i32
      %parallel_loop3A_499 = arith.addi %parallel_loop3A_494, %parallel_loop3A_498 : i32
      %parallel_loop3A_500 = vector.broadcast %parallel_loop3A_499 : i32 to vector<16xi32>
      %parallel_loop3A_501 = arith.addi %parallel_loop3A_500, %add3A_1 : vector<16xi32>
      tpu.vector_store_idx %arg6[%parallel_loop3A_501], %parallel_loop3A_485 : memref<16384xf32, #tpu.memory_space<vmem>>[vector<16xi32>], vector<16xf32>,
    } {sc.loop_unroll_factor = 2 : i64, sc.parallel_access}
    %add3A_342 = arith.constant 360448 : i32
    %add3A_343 = arith.addi %mul3A_3, %add3A_342 : i32
    %dma_start3A_344 = tpu.memref_slice %arg3[%add3A_343] : memref<16777216xf32, #tpu.memory_space<hbm>> -> memref<16384xf32, #tpu.memory_space<hbm>>
    %dma_start3A_345 = tpu.memref_slice %arg3[%add3A_343] : memref<16777216xf32, #tpu.memory_space<hbm>> -> memref<16384xf32, #tpu.memory_space<hbm>>
    tpu.enqueue_dma source(%arg6 : memref<16384xf32, #tpu.memory_space<vmem>>) target(%dma_start3A_345 : memref<16384xf32, #tpu.memory_space<hbm>>) target_semaphore(%arg10 : memref<!tpu.dma_semaphore, #tpu.memory_space<semaphore_mem>>)
    %add3A_346 = arith.constant 393216 : i32
    %add3A_347 = arith.addi %mul3A_3, %add3A_346 : i32
    %dma_start3A_348 = tpu.memref_slice %arg2[%add3A_347] : memref<16777216xf32, #tpu.memory_space<hbm>> -> memref<16384xf32, #tpu.memory_space<hbm>>
    %dma_start3A_349 = tpu.memref_slice %arg2[%add3A_347] : memref<16777216xf32, #tpu.memory_space<hbm>> -> memref<16384xf32, #tpu.memory_space<hbm>>
    tpu.enqueue_dma source(%dma_start3A_349 : memref<16384xf32, #tpu.memory_space<hbm>>) target(%arg4 : memref<16384xf32, #tpu.memory_space<vmem>>) target_semaphore(%arg8 : memref<!tpu.dma_semaphore, #tpu.memory_space<semaphore_mem>>)
    %dma_wait3A_350 = tpu.memref_slice %arg2[%add3A_332] : memref<16777216xf32, #tpu.memory_space<hbm>> -> memref<16384xf32, #tpu.memory_space<hbm>>
    %dma_wait3A_351 = tpu.memref_slice %arg2[%add3A_332] : memref<16777216xf32, #tpu.memory_space<hbm>> -> memref<16384xf32, #tpu.memory_space<hbm>>
    tpu.wait_dma2 semaphore(%arg9 : memref<!tpu.dma_semaphore, #tpu.memory_space<semaphore_mem>>) src(%dma_wait3A_351 : memref<16384xf32, #tpu.memory_space<hbm>>) dst(%arg5 : memref<16384xf32, #tpu.memory_space<vmem>>)
    %dma_wait3A_352 = tpu.memref_slice %arg3[%add3A_328] : memref<16777216xf32, #tpu.memory_space<hbm>> -> memref<16384xf32, #tpu.memory_space<hbm>>
    %dma_wait3A_353 = tpu.memref_slice %arg3[%add3A_328] : memref<16777216xf32, #tpu.memory_space<hbm>> -> memref<16384xf32, #tpu.memory_space<hbm>>
    tpu.wait_dma2 semaphore(%arg11 : memref<!tpu.dma_semaphore, #tpu.memory_space<semaphore_mem>>) src(%arg7 : memref<16384xf32, #tpu.memory_space<vmem>>) dst(%dma_wait3A_353 : memref<16384xf32, #tpu.memory_space<hbm>>)
    %parallel_loop3A_354 = arith.constant 0 : i32
    %parallel_loop3A_355 = arith.constant 1024 : i32
    %parallel_loop3A_356 = arith.constant 1 : i32
    scf.for %parallel_loop3A_481 = %parallel_loop3A_354 to %parallel_loop3A_355 step %parallel_loop3A_356  : i32 {
      %parallel_loop3A_482 = arith.constant 16 : i32
      %parallel_loop3A_483 = arith.muli %parallel_loop3A_481, %parallel_loop3A_482 : i32
      %parallel_loop3A_484 = arith.index_cast %parallel_loop3A_483 : i32 to index
      %parallel_loop3A_485 = tpu.vector_load %arg5[%parallel_loop3A_484] {strides = array<i32>} : memref<16384xf32, #tpu.memory_space<vmem>>, vector<16xf32>,
      %parallel_loop3A_486 = arith.constant 4 : i32
      %parallel_loop3A_487 = arith.shrsi %parallel_loop3A_481, %parallel_loop3A_486 : i32
      %parallel_loop3A_488 = arith.constant 8 : i32
      %parallel_loop3A_489 = arith.shli %parallel_loop3A_487, %parallel_loop3A_488 : i32
      %parallel_loop3A_490 = arith.constant 7 : i32
      %parallel_loop3A_491 = arith.andi %parallel_loop3A_481, %parallel_loop3A_490 : i32
      %parallel_loop3A_492 = arith.constant 5 : i32
      %parallel_loop3A_493 = arith.shli %parallel_loop3A_491, %parallel_loop3A_492 : i32
      %parallel_loop3A_494 = arith.addi %parallel_loop3A_489, %parallel_loop3A_493 : i32
      %parallel_loop3A_495 = arith.constant 3 : i32
      %parallel_loop3A_496 = arith.shrsi %parallel_loop3A_481, %parallel_loop3A_495 : i32
      %parallel_loop3A_497 = arith.constant 1 : i32
      %parallel_loop3A_498 = arith.andi %parallel_loop3A_496, %parallel_loop3A_497 : i32
      %parallel_loop3A_499 = arith.addi %parallel_loop3A_494, %parallel_loop3A_498 : i32
      %parallel_loop3A_500 = vector.broadcast %parallel_loop3A_499 : i32 to vector<16xi32>
      %parallel_loop3A_501 = arith.addi %parallel_loop3A_500, %add3A_1 : vector<16xi32>
      tpu.vector_store_idx %arg7[%parallel_loop3A_501], %parallel_loop3A_485 : memref<16384xf32, #tpu.memory_space<vmem>>[vector<16xi32>], vector<16xf32>,
    } {sc.loop_unroll_factor = 2 : i64, sc.parallel_access}
    %add3A_357 = arith.constant 376832 : i32
    %add3A_358 = arith.addi %mul3A_3, %add3A_357 : i32
    %dma_start3A_359 = tpu.memref_slice %arg3[%add3A_358] : memref<16777216xf32, #tpu.memory_space<hbm>> -> memref<16384xf32, #tpu.memory_space<hbm>>
    %dma_start3A_360 = tpu.memref_slice %arg3[%add3A_358] : memref<16777216xf32, #tpu.memory_space<hbm>> -> memref<16384xf32, #tpu.memory_space<hbm>>
    tpu.enqueue_dma source(%arg7 : memref<16384xf32, #tpu.memory_space<vmem>>) target(%dma_start3A_360 : memref<16384xf32, #tpu.memory_space<hbm>>) target_semaphore(%arg11 : memref<!tpu.dma_semaphore, #tpu.memory_space<semaphore_mem>>)
    %add3A_361 = arith.constant 409600 : i32
    %add3A_362 = arith.addi %mul3A_3, %add3A_361 : i32
    %dma_start3A_363 = tpu.memref_slice %arg2[%add3A_362] : memref<16777216xf32, #tpu.memory_space<hbm>> -> memref<16384xf32, #tpu.memory_space<hbm>>
    %dma_start3A_364 = tpu.memref_slice %arg2[%add3A_362] : memref<16777216xf32, #tpu.memory_space<hbm>> -> memref<16384xf32, #tpu.memory_space<hbm>>
    tpu.enqueue_dma source(%dma_start3A_364 : memref<16384xf32, #tpu.memory_space<hbm>>) target(%arg5 : memref<16384xf32, #tpu.memory_space<vmem>>) target_semaphore(%arg9 : memref<!tpu.dma_semaphore, #tpu.memory_space<semaphore_mem>>)
    %dma_wait3A_365 = tpu.memref_slice %arg2[%add3A_347] : memref<16777216xf32, #tpu.memory_space<hbm>> -> memref<16384xf32, #tpu.memory_space<hbm>>
    %dma_wait3A_366 = tpu.memref_slice %arg2[%add3A_347] : memref<16777216xf32, #tpu.memory_space<hbm>> -> memref<16384xf32, #tpu.memory_space<hbm>>
    tpu.wait_dma2 semaphore(%arg8 : memref<!tpu.dma_semaphore, #tpu.memory_space<semaphore_mem>>) src(%dma_wait3A_366 : memref<16384xf32, #tpu.memory_space<hbm>>) dst(%arg4 : memref<16384xf32, #tpu.memory_space<vmem>>)
    %dma_wait3A_367 = tpu.memref_slice %arg3[%add3A_343] : memref<16777216xf32, #tpu.memory_space<hbm>> -> memref<16384xf32, #tpu.memory_space<hbm>>
    %dma_wait3A_368 = tpu.memref_slice %arg3[%add3A_343] : memref<16777216xf32, #tpu.memory_space<hbm>> -> memref<16384xf32, #tpu.memory_space<hbm>>
    tpu.wait_dma2 semaphore(%arg10 : memref<!tpu.dma_semaphore, #tpu.memory_space<semaphore_mem>>) src(%arg6 : memref<16384xf32, #tpu.memory_space<vmem>>) dst(%dma_wait3A_368 : memref<16384xf32, #tpu.memory_space<hbm>>)
    %parallel_loop3A_369 = arith.constant 0 : i32
    %parallel_loop3A_370 = arith.constant 1024 : i32
    %parallel_loop3A_371 = arith.constant 1 : i32
    scf.for %parallel_loop3A_481 = %parallel_loop3A_369 to %parallel_loop3A_370 step %parallel_loop3A_371  : i32 {
      %parallel_loop3A_482 = arith.constant 16 : i32
      %parallel_loop3A_483 = arith.muli %parallel_loop3A_481, %parallel_loop3A_482 : i32
      %parallel_loop3A_484 = arith.index_cast %parallel_loop3A_483 : i32 to index
      %parallel_loop3A_485 = tpu.vector_load %arg4[%parallel_loop3A_484] {strides = array<i32>} : memref<16384xf32, #tpu.memory_space<vmem>>, vector<16xf32>,
      %parallel_loop3A_486 = arith.constant 4 : i32
      %parallel_loop3A_487 = arith.shrsi %parallel_loop3A_481, %parallel_loop3A_486 : i32
      %parallel_loop3A_488 = arith.constant 8 : i32
      %parallel_loop3A_489 = arith.shli %parallel_loop3A_487, %parallel_loop3A_488 : i32
      %parallel_loop3A_490 = arith.constant 7 : i32
      %parallel_loop3A_491 = arith.andi %parallel_loop3A_481, %parallel_loop3A_490 : i32
      %parallel_loop3A_492 = arith.constant 5 : i32
      %parallel_loop3A_493 = arith.shli %parallel_loop3A_491, %parallel_loop3A_492 : i32
      %parallel_loop3A_494 = arith.addi %parallel_loop3A_489, %parallel_loop3A_493 : i32
      %parallel_loop3A_495 = arith.constant 3 : i32
      %parallel_loop3A_496 = arith.shrsi %parallel_loop3A_481, %parallel_loop3A_495 : i32
      %parallel_loop3A_497 = arith.constant 1 : i32
      %parallel_loop3A_498 = arith.andi %parallel_loop3A_496, %parallel_loop3A_497 : i32
      %parallel_loop3A_499 = arith.addi %parallel_loop3A_494, %parallel_loop3A_498 : i32
      %parallel_loop3A_500 = vector.broadcast %parallel_loop3A_499 : i32 to vector<16xi32>
      %parallel_loop3A_501 = arith.addi %parallel_loop3A_500, %add3A_1 : vector<16xi32>
      tpu.vector_store_idx %arg6[%parallel_loop3A_501], %parallel_loop3A_485 : memref<16384xf32, #tpu.memory_space<vmem>>[vector<16xi32>], vector<16xf32>,
    } {sc.loop_unroll_factor = 2 : i64, sc.parallel_access}
    %add3A_372 = arith.constant 393216 : i32
    %add3A_373 = arith.addi %mul3A_3, %add3A_372 : i32
    %dma_start3A_374 = tpu.memref_slice %arg3[%add3A_373] : memref<16777216xf32, #tpu.memory_space<hbm>> -> memref<16384xf32, #tpu.memory_space<hbm>>
    %dma_start3A_375 = tpu.memref_slice %arg3[%add3A_373] : memref<16777216xf32, #tpu.memory_space<hbm>> -> memref<16384xf32, #tpu.memory_space<hbm>>
    tpu.enqueue_dma source(%arg6 : memref<16384xf32, #tpu.memory_space<vmem>>) target(%dma_start3A_375 : memref<16384xf32, #tpu.memory_space<hbm>>) target_semaphore(%arg10 : memref<!tpu.dma_semaphore, #tpu.memory_space<semaphore_mem>>)
    %add3A_376 = arith.constant 425984 : i32
    %add3A_377 = arith.addi %mul3A_3, %add3A_376 : i32
    %dma_start3A_378 = tpu.memref_slice %arg2[%add3A_377] : memref<16777216xf32, #tpu.memory_space<hbm>> -> memref<16384xf32, #tpu.memory_space<hbm>>
    %dma_start3A_379 = tpu.memref_slice %arg2[%add3A_377] : memref<16777216xf32, #tpu.memory_space<hbm>> -> memref<16384xf32, #tpu.memory_space<hbm>>
    tpu.enqueue_dma source(%dma_start3A_379 : memref<16384xf32, #tpu.memory_space<hbm>>) target(%arg4 : memref<16384xf32, #tpu.memory_space<vmem>>) target_semaphore(%arg8 : memref<!tpu.dma_semaphore, #tpu.memory_space<semaphore_mem>>)
    %dma_wait3A_380 = tpu.memref_slice %arg2[%add3A_362] : memref<16777216xf32, #tpu.memory_space<hbm>> -> memref<16384xf32, #tpu.memory_space<hbm>>
    %dma_wait3A_381 = tpu.memref_slice %arg2[%add3A_362] : memref<16777216xf32, #tpu.memory_space<hbm>> -> memref<16384xf32, #tpu.memory_space<hbm>>
    tpu.wait_dma2 semaphore(%arg9 : memref<!tpu.dma_semaphore, #tpu.memory_space<semaphore_mem>>) src(%dma_wait3A_381 : memref<16384xf32, #tpu.memory_space<hbm>>) dst(%arg5 : memref<16384xf32, #tpu.memory_space<vmem>>)
    %dma_wait3A_382 = tpu.memref_slice %arg3[%add3A_358] : memref<16777216xf32, #tpu.memory_space<hbm>> -> memref<16384xf32, #tpu.memory_space<hbm>>
    %dma_wait3A_383 = tpu.memref_slice %arg3[%add3A_358] : memref<16777216xf32, #tpu.memory_space<hbm>> -> memref<16384xf32, #tpu.memory_space<hbm>>
    tpu.wait_dma2 semaphore(%arg11 : memref<!tpu.dma_semaphore, #tpu.memory_space<semaphore_mem>>) src(%arg7 : memref<16384xf32, #tpu.memory_space<vmem>>) dst(%dma_wait3A_383 : memref<16384xf32, #tpu.memory_space<hbm>>)
    %parallel_loop3A_384 = arith.constant 0 : i32
    %parallel_loop3A_385 = arith.constant 1024 : i32
    %parallel_loop3A_386 = arith.constant 1 : i32
    scf.for %parallel_loop3A_481 = %parallel_loop3A_384 to %parallel_loop3A_385 step %parallel_loop3A_386  : i32 {
      %parallel_loop3A_482 = arith.constant 16 : i32
      %parallel_loop3A_483 = arith.muli %parallel_loop3A_481, %parallel_loop3A_482 : i32
      %parallel_loop3A_484 = arith.index_cast %parallel_loop3A_483 : i32 to index
      %parallel_loop3A_485 = tpu.vector_load %arg5[%parallel_loop3A_484] {strides = array<i32>} : memref<16384xf32, #tpu.memory_space<vmem>>, vector<16xf32>,
      %parallel_loop3A_486 = arith.constant 4 : i32
      %parallel_loop3A_487 = arith.shrsi %parallel_loop3A_481, %parallel_loop3A_486 : i32
      %parallel_loop3A_488 = arith.constant 8 : i32
      %parallel_loop3A_489 = arith.shli %parallel_loop3A_487, %parallel_loop3A_488 : i32
      %parallel_loop3A_490 = arith.constant 7 : i32
      %parallel_loop3A_491 = arith.andi %parallel_loop3A_481, %parallel_loop3A_490 : i32
      %parallel_loop3A_492 = arith.constant 5 : i32
      %parallel_loop3A_493 = arith.shli %parallel_loop3A_491, %parallel_loop3A_492 : i32
      %parallel_loop3A_494 = arith.addi %parallel_loop3A_489, %parallel_loop3A_493 : i32
      %parallel_loop3A_495 = arith.constant 3 : i32
      %parallel_loop3A_496 = arith.shrsi %parallel_loop3A_481, %parallel_loop3A_495 : i32
      %parallel_loop3A_497 = arith.constant 1 : i32
      %parallel_loop3A_498 = arith.andi %parallel_loop3A_496, %parallel_loop3A_497 : i32
      %parallel_loop3A_499 = arith.addi %parallel_loop3A_494, %parallel_loop3A_498 : i32
      %parallel_loop3A_500 = vector.broadcast %parallel_loop3A_499 : i32 to vector<16xi32>
      %parallel_loop3A_501 = arith.addi %parallel_loop3A_500, %add3A_1 : vector<16xi32>
      tpu.vector_store_idx %arg7[%parallel_loop3A_501], %parallel_loop3A_485 : memref<16384xf32, #tpu.memory_space<vmem>>[vector<16xi32>], vector<16xf32>,
    } {sc.loop_unroll_factor = 2 : i64, sc.parallel_access}
    %add3A_387 = arith.constant 409600 : i32
    %add3A_388 = arith.addi %mul3A_3, %add3A_387 : i32
    %dma_start3A_389 = tpu.memref_slice %arg3[%add3A_388] : memref<16777216xf32, #tpu.memory_space<hbm>> -> memref<16384xf32, #tpu.memory_space<hbm>>
    %dma_start3A_390 = tpu.memref_slice %arg3[%add3A_388] : memref<16777216xf32, #tpu.memory_space<hbm>> -> memref<16384xf32, #tpu.memory_space<hbm>>
    tpu.enqueue_dma source(%arg7 : memref<16384xf32, #tpu.memory_space<vmem>>) target(%dma_start3A_390 : memref<16384xf32, #tpu.memory_space<hbm>>) target_semaphore(%arg11 : memref<!tpu.dma_semaphore, #tpu.memory_space<semaphore_mem>>)
    %add3A_391 = arith.constant 442368 : i32
    %add3A_392 = arith.addi %mul3A_3, %add3A_391 : i32
    %dma_start3A_393 = tpu.memref_slice %arg2[%add3A_392] : memref<16777216xf32, #tpu.memory_space<hbm>> -> memref<16384xf32, #tpu.memory_space<hbm>>
    %dma_start3A_394 = tpu.memref_slice %arg2[%add3A_392] : memref<16777216xf32, #tpu.memory_space<hbm>> -> memref<16384xf32, #tpu.memory_space<hbm>>
    tpu.enqueue_dma source(%dma_start3A_394 : memref<16384xf32, #tpu.memory_space<hbm>>) target(%arg5 : memref<16384xf32, #tpu.memory_space<vmem>>) target_semaphore(%arg9 : memref<!tpu.dma_semaphore, #tpu.memory_space<semaphore_mem>>)
    %dma_wait3A_395 = tpu.memref_slice %arg2[%add3A_377] : memref<16777216xf32, #tpu.memory_space<hbm>> -> memref<16384xf32, #tpu.memory_space<hbm>>
    %dma_wait3A_396 = tpu.memref_slice %arg2[%add3A_377] : memref<16777216xf32, #tpu.memory_space<hbm>> -> memref<16384xf32, #tpu.memory_space<hbm>>
    tpu.wait_dma2 semaphore(%arg8 : memref<!tpu.dma_semaphore, #tpu.memory_space<semaphore_mem>>) src(%dma_wait3A_396 : memref<16384xf32, #tpu.memory_space<hbm>>) dst(%arg4 : memref<16384xf32, #tpu.memory_space<vmem>>)
    %dma_wait3A_397 = tpu.memref_slice %arg3[%add3A_373] : memref<16777216xf32, #tpu.memory_space<hbm>> -> memref<16384xf32, #tpu.memory_space<hbm>>
    %dma_wait3A_398 = tpu.memref_slice %arg3[%add3A_373] : memref<16777216xf32, #tpu.memory_space<hbm>> -> memref<16384xf32, #tpu.memory_space<hbm>>
    tpu.wait_dma2 semaphore(%arg10 : memref<!tpu.dma_semaphore, #tpu.memory_space<semaphore_mem>>) src(%arg6 : memref<16384xf32, #tpu.memory_space<vmem>>) dst(%dma_wait3A_398 : memref<16384xf32, #tpu.memory_space<hbm>>)
    %parallel_loop3A_399 = arith.constant 0 : i32
    %parallel_loop3A_400 = arith.constant 1024 : i32
    %parallel_loop3A_401 = arith.constant 1 : i32
    scf.for %parallel_loop3A_481 = %parallel_loop3A_399 to %parallel_loop3A_400 step %parallel_loop3A_401  : i32 {
      %parallel_loop3A_482 = arith.constant 16 : i32
      %parallel_loop3A_483 = arith.muli %parallel_loop3A_481, %parallel_loop3A_482 : i32
      %parallel_loop3A_484 = arith.index_cast %parallel_loop3A_483 : i32 to index
      %parallel_loop3A_485 = tpu.vector_load %arg4[%parallel_loop3A_484] {strides = array<i32>} : memref<16384xf32, #tpu.memory_space<vmem>>, vector<16xf32>,
      %parallel_loop3A_486 = arith.constant 4 : i32
      %parallel_loop3A_487 = arith.shrsi %parallel_loop3A_481, %parallel_loop3A_486 : i32
      %parallel_loop3A_488 = arith.constant 8 : i32
      %parallel_loop3A_489 = arith.shli %parallel_loop3A_487, %parallel_loop3A_488 : i32
      %parallel_loop3A_490 = arith.constant 7 : i32
      %parallel_loop3A_491 = arith.andi %parallel_loop3A_481, %parallel_loop3A_490 : i32
      %parallel_loop3A_492 = arith.constant 5 : i32
      %parallel_loop3A_493 = arith.shli %parallel_loop3A_491, %parallel_loop3A_492 : i32
      %parallel_loop3A_494 = arith.addi %parallel_loop3A_489, %parallel_loop3A_493 : i32
      %parallel_loop3A_495 = arith.constant 3 : i32
      %parallel_loop3A_496 = arith.shrsi %parallel_loop3A_481, %parallel_loop3A_495 : i32
      %parallel_loop3A_497 = arith.constant 1 : i32
      %parallel_loop3A_498 = arith.andi %parallel_loop3A_496, %parallel_loop3A_497 : i32
      %parallel_loop3A_499 = arith.addi %parallel_loop3A_494, %parallel_loop3A_498 : i32
      %parallel_loop3A_500 = vector.broadcast %parallel_loop3A_499 : i32 to vector<16xi32>
      %parallel_loop3A_501 = arith.addi %parallel_loop3A_500, %add3A_1 : vector<16xi32>
      tpu.vector_store_idx %arg6[%parallel_loop3A_501], %parallel_loop3A_485 : memref<16384xf32, #tpu.memory_space<vmem>>[vector<16xi32>], vector<16xf32>,
    } {sc.loop_unroll_factor = 2 : i64, sc.parallel_access}
    %add3A_402 = arith.constant 425984 : i32
    %add3A_403 = arith.addi %mul3A_3, %add3A_402 : i32
    %dma_start3A_404 = tpu.memref_slice %arg3[%add3A_403] : memref<16777216xf32, #tpu.memory_space<hbm>> -> memref<16384xf32, #tpu.memory_space<hbm>>
    %dma_start3A_405 = tpu.memref_slice %arg3[%add3A_403] : memref<16777216xf32, #tpu.memory_space<hbm>> -> memref<16384xf32, #tpu.memory_space<hbm>>
    tpu.enqueue_dma source(%arg6 : memref<16384xf32, #tpu.memory_space<vmem>>) target(%dma_start3A_405 : memref<16384xf32, #tpu.memory_space<hbm>>) target_semaphore(%arg10 : memref<!tpu.dma_semaphore, #tpu.memory_space<semaphore_mem>>)
    %add3A_406 = arith.constant 458752 : i32
    %add3A_407 = arith.addi %mul3A_3, %add3A_406 : i32
    %dma_start3A_408 = tpu.memref_slice %arg2[%add3A_407] : memref<16777216xf32, #tpu.memory_space<hbm>> -> memref<16384xf32, #tpu.memory_space<hbm>>
    %dma_start3A_409 = tpu.memref_slice %arg2[%add3A_407] : memref<16777216xf32, #tpu.memory_space<hbm>> -> memref<16384xf32, #tpu.memory_space<hbm>>
    tpu.enqueue_dma source(%dma_start3A_409 : memref<16384xf32, #tpu.memory_space<hbm>>) target(%arg4 : memref<16384xf32, #tpu.memory_space<vmem>>) target_semaphore(%arg8 : memref<!tpu.dma_semaphore, #tpu.memory_space<semaphore_mem>>)
    %dma_wait3A_410 = tpu.memref_slice %arg2[%add3A_392] : memref<16777216xf32, #tpu.memory_space<hbm>> -> memref<16384xf32, #tpu.memory_space<hbm>>
    %dma_wait3A_411 = tpu.memref_slice %arg2[%add3A_392] : memref<16777216xf32, #tpu.memory_space<hbm>> -> memref<16384xf32, #tpu.memory_space<hbm>>
    tpu.wait_dma2 semaphore(%arg9 : memref<!tpu.dma_semaphore, #tpu.memory_space<semaphore_mem>>) src(%dma_wait3A_411 : memref<16384xf32, #tpu.memory_space<hbm>>) dst(%arg5 : memref<16384xf32, #tpu.memory_space<vmem>>)
    %dma_wait3A_412 = tpu.memref_slice %arg3[%add3A_388] : memref<16777216xf32, #tpu.memory_space<hbm>> -> memref<16384xf32, #tpu.memory_space<hbm>>
    %dma_wait3A_413 = tpu.memref_slice %arg3[%add3A_388] : memref<16777216xf32, #tpu.memory_space<hbm>> -> memref<16384xf32, #tpu.memory_space<hbm>>
    tpu.wait_dma2 semaphore(%arg11 : memref<!tpu.dma_semaphore, #tpu.memory_space<semaphore_mem>>) src(%arg7 : memref<16384xf32, #tpu.memory_space<vmem>>) dst(%dma_wait3A_413 : memref<16384xf32, #tpu.memory_space<hbm>>)
    %parallel_loop3A_414 = arith.constant 0 : i32
    %parallel_loop3A_415 = arith.constant 1024 : i32
    %parallel_loop3A_416 = arith.constant 1 : i32
    scf.for %parallel_loop3A_481 = %parallel_loop3A_414 to %parallel_loop3A_415 step %parallel_loop3A_416  : i32 {
      %parallel_loop3A_482 = arith.constant 16 : i32
      %parallel_loop3A_483 = arith.muli %parallel_loop3A_481, %parallel_loop3A_482 : i32
      %parallel_loop3A_484 = arith.index_cast %parallel_loop3A_483 : i32 to index
      %parallel_loop3A_485 = tpu.vector_load %arg5[%parallel_loop3A_484] {strides = array<i32>} : memref<16384xf32, #tpu.memory_space<vmem>>, vector<16xf32>,
      %parallel_loop3A_486 = arith.constant 4 : i32
      %parallel_loop3A_487 = arith.shrsi %parallel_loop3A_481, %parallel_loop3A_486 : i32
      %parallel_loop3A_488 = arith.constant 8 : i32
      %parallel_loop3A_489 = arith.shli %parallel_loop3A_487, %parallel_loop3A_488 : i32
      %parallel_loop3A_490 = arith.constant 7 : i32
      %parallel_loop3A_491 = arith.andi %parallel_loop3A_481, %parallel_loop3A_490 : i32
      %parallel_loop3A_492 = arith.constant 5 : i32
      %parallel_loop3A_493 = arith.shli %parallel_loop3A_491, %parallel_loop3A_492 : i32
      %parallel_loop3A_494 = arith.addi %parallel_loop3A_489, %parallel_loop3A_493 : i32
      %parallel_loop3A_495 = arith.constant 3 : i32
      %parallel_loop3A_496 = arith.shrsi %parallel_loop3A_481, %parallel_loop3A_495 : i32
      %parallel_loop3A_497 = arith.constant 1 : i32
      %parallel_loop3A_498 = arith.andi %parallel_loop3A_496, %parallel_loop3A_497 : i32
      %parallel_loop3A_499 = arith.addi %parallel_loop3A_494, %parallel_loop3A_498 : i32
      %parallel_loop3A_500 = vector.broadcast %parallel_loop3A_499 : i32 to vector<16xi32>
      %parallel_loop3A_501 = arith.addi %parallel_loop3A_500, %add3A_1 : vector<16xi32>
      tpu.vector_store_idx %arg7[%parallel_loop3A_501], %parallel_loop3A_485 : memref<16384xf32, #tpu.memory_space<vmem>>[vector<16xi32>], vector<16xf32>,
    } {sc.loop_unroll_factor = 2 : i64, sc.parallel_access}
    %add3A_417 = arith.constant 442368 : i32
    %add3A_418 = arith.addi %mul3A_3, %add3A_417 : i32
    %dma_start3A_419 = tpu.memref_slice %arg3[%add3A_418] : memref<16777216xf32, #tpu.memory_space<hbm>> -> memref<16384xf32, #tpu.memory_space<hbm>>
    %dma_start3A_420 = tpu.memref_slice %arg3[%add3A_418] : memref<16777216xf32, #tpu.memory_space<hbm>> -> memref<16384xf32, #tpu.memory_space<hbm>>
    tpu.enqueue_dma source(%arg7 : memref<16384xf32, #tpu.memory_space<vmem>>) target(%dma_start3A_420 : memref<16384xf32, #tpu.memory_space<hbm>>) target_semaphore(%arg11 : memref<!tpu.dma_semaphore, #tpu.memory_space<semaphore_mem>>)
    %add3A_421 = arith.constant 475136 : i32
    %add3A_422 = arith.addi %mul3A_3, %add3A_421 : i32
    %dma_start3A_423 = tpu.memref_slice %arg2[%add3A_422] : memref<16777216xf32, #tpu.memory_space<hbm>> -> memref<16384xf32, #tpu.memory_space<hbm>>
    %dma_start3A_424 = tpu.memref_slice %arg2[%add3A_422] : memref<16777216xf32, #tpu.memory_space<hbm>> -> memref<16384xf32, #tpu.memory_space<hbm>>
    tpu.enqueue_dma source(%dma_start3A_424 : memref<16384xf32, #tpu.memory_space<hbm>>) target(%arg5 : memref<16384xf32, #tpu.memory_space<vmem>>) target_semaphore(%arg9 : memref<!tpu.dma_semaphore, #tpu.memory_space<semaphore_mem>>)
    %dma_wait3A_425 = tpu.memref_slice %arg2[%add3A_407] : memref<16777216xf32, #tpu.memory_space<hbm>> -> memref<16384xf32, #tpu.memory_space<hbm>>
    %dma_wait3A_426 = tpu.memref_slice %arg2[%add3A_407] : memref<16777216xf32, #tpu.memory_space<hbm>> -> memref<16384xf32, #tpu.memory_space<hbm>>
    tpu.wait_dma2 semaphore(%arg8 : memref<!tpu.dma_semaphore, #tpu.memory_space<semaphore_mem>>) src(%dma_wait3A_426 : memref<16384xf32, #tpu.memory_space<hbm>>) dst(%arg4 : memref<16384xf32, #tpu.memory_space<vmem>>)
    %dma_wait3A_427 = tpu.memref_slice %arg3[%add3A_403] : memref<16777216xf32, #tpu.memory_space<hbm>> -> memref<16384xf32, #tpu.memory_space<hbm>>
    %dma_wait3A_428 = tpu.memref_slice %arg3[%add3A_403] : memref<16777216xf32, #tpu.memory_space<hbm>> -> memref<16384xf32, #tpu.memory_space<hbm>>
    tpu.wait_dma2 semaphore(%arg10 : memref<!tpu.dma_semaphore, #tpu.memory_space<semaphore_mem>>) src(%arg6 : memref<16384xf32, #tpu.memory_space<vmem>>) dst(%dma_wait3A_428 : memref<16384xf32, #tpu.memory_space<hbm>>)
    %parallel_loop3A_429 = arith.constant 0 : i32
    %parallel_loop3A_430 = arith.constant 1024 : i32
    %parallel_loop3A_431 = arith.constant 1 : i32
    scf.for %parallel_loop3A_481 = %parallel_loop3A_429 to %parallel_loop3A_430 step %parallel_loop3A_431  : i32 {
      %parallel_loop3A_482 = arith.constant 16 : i32
      %parallel_loop3A_483 = arith.muli %parallel_loop3A_481, %parallel_loop3A_482 : i32
      %parallel_loop3A_484 = arith.index_cast %parallel_loop3A_483 : i32 to index
      %parallel_loop3A_485 = tpu.vector_load %arg4[%parallel_loop3A_484] {strides = array<i32>} : memref<16384xf32, #tpu.memory_space<vmem>>, vector<16xf32>,
      %parallel_loop3A_486 = arith.constant 4 : i32
      %parallel_loop3A_487 = arith.shrsi %parallel_loop3A_481, %parallel_loop3A_486 : i32
      %parallel_loop3A_488 = arith.constant 8 : i32
      %parallel_loop3A_489 = arith.shli %parallel_loop3A_487, %parallel_loop3A_488 : i32
      %parallel_loop3A_490 = arith.constant 7 : i32
      %parallel_loop3A_491 = arith.andi %parallel_loop3A_481, %parallel_loop3A_490 : i32
      %parallel_loop3A_492 = arith.constant 5 : i32
      %parallel_loop3A_493 = arith.shli %parallel_loop3A_491, %parallel_loop3A_492 : i32
      %parallel_loop3A_494 = arith.addi %parallel_loop3A_489, %parallel_loop3A_493 : i32
      %parallel_loop3A_495 = arith.constant 3 : i32
      %parallel_loop3A_496 = arith.shrsi %parallel_loop3A_481, %parallel_loop3A_495 : i32
      %parallel_loop3A_497 = arith.constant 1 : i32
      %parallel_loop3A_498 = arith.andi %parallel_loop3A_496, %parallel_loop3A_497 : i32
      %parallel_loop3A_499 = arith.addi %parallel_loop3A_494, %parallel_loop3A_498 : i32
      %parallel_loop3A_500 = vector.broadcast %parallel_loop3A_499 : i32 to vector<16xi32>
      %parallel_loop3A_501 = arith.addi %parallel_loop3A_500, %add3A_1 : vector<16xi32>
      tpu.vector_store_idx %arg6[%parallel_loop3A_501], %parallel_loop3A_485 : memref<16384xf32, #tpu.memory_space<vmem>>[vector<16xi32>], vector<16xf32>,
    } {sc.loop_unroll_factor = 2 : i64, sc.parallel_access}
    %add3A_432 = arith.constant 458752 : i32
    %add3A_433 = arith.addi %mul3A_3, %add3A_432 : i32
    %dma_start3A_434 = tpu.memref_slice %arg3[%add3A_433] : memref<16777216xf32, #tpu.memory_space<hbm>> -> memref<16384xf32, #tpu.memory_space<hbm>>
    %dma_start3A_435 = tpu.memref_slice %arg3[%add3A_433] : memref<16777216xf32, #tpu.memory_space<hbm>> -> memref<16384xf32, #tpu.memory_space<hbm>>
    tpu.enqueue_dma source(%arg6 : memref<16384xf32, #tpu.memory_space<vmem>>) target(%dma_start3A_435 : memref<16384xf32, #tpu.memory_space<hbm>>) target_semaphore(%arg10 : memref<!tpu.dma_semaphore, #tpu.memory_space<semaphore_mem>>)
    %add3A_436 = arith.constant 491520 : i32
    %add3A_437 = arith.addi %mul3A_3, %add3A_436 : i32
    %dma_start3A_438 = tpu.memref_slice %arg2[%add3A_437] : memref<16777216xf32, #tpu.memory_space<hbm>> -> memref<16384xf32, #tpu.memory_space<hbm>>
    %dma_start3A_439 = tpu.memref_slice %arg2[%add3A_437] : memref<16777216xf32, #tpu.memory_space<hbm>> -> memref<16384xf32, #tpu.memory_space<hbm>>
    tpu.enqueue_dma source(%dma_start3A_439 : memref<16384xf32, #tpu.memory_space<hbm>>) target(%arg4 : memref<16384xf32, #tpu.memory_space<vmem>>) target_semaphore(%arg8 : memref<!tpu.dma_semaphore, #tpu.memory_space<semaphore_mem>>)
    %dma_wait3A_440 = tpu.memref_slice %arg2[%add3A_422] : memref<16777216xf32, #tpu.memory_space<hbm>> -> memref<16384xf32, #tpu.memory_space<hbm>>
    %dma_wait3A_441 = tpu.memref_slice %arg2[%add3A_422] : memref<16777216xf32, #tpu.memory_space<hbm>> -> memref<16384xf32, #tpu.memory_space<hbm>>
    tpu.wait_dma2 semaphore(%arg9 : memref<!tpu.dma_semaphore, #tpu.memory_space<semaphore_mem>>) src(%dma_wait3A_441 : memref<16384xf32, #tpu.memory_space<hbm>>) dst(%arg5 : memref<16384xf32, #tpu.memory_space<vmem>>)
    %dma_wait3A_442 = tpu.memref_slice %arg3[%add3A_418] : memref<16777216xf32, #tpu.memory_space<hbm>> -> memref<16384xf32, #tpu.memory_space<hbm>>
    %dma_wait3A_443 = tpu.memref_slice %arg3[%add3A_418] : memref<16777216xf32, #tpu.memory_space<hbm>> -> memref<16384xf32, #tpu.memory_space<hbm>>
    tpu.wait_dma2 semaphore(%arg11 : memref<!tpu.dma_semaphore, #tpu.memory_space<semaphore_mem>>) src(%arg7 : memref<16384xf32, #tpu.memory_space<vmem>>) dst(%dma_wait3A_443 : memref<16384xf32, #tpu.memory_space<hbm>>)
    %parallel_loop3A_444 = arith.constant 0 : i32
    %parallel_loop3A_445 = arith.constant 1024 : i32
    %parallel_loop3A_446 = arith.constant 1 : i32
    scf.for %parallel_loop3A_481 = %parallel_loop3A_444 to %parallel_loop3A_445 step %parallel_loop3A_446  : i32 {
      %parallel_loop3A_482 = arith.constant 16 : i32
      %parallel_loop3A_483 = arith.muli %parallel_loop3A_481, %parallel_loop3A_482 : i32
      %parallel_loop3A_484 = arith.index_cast %parallel_loop3A_483 : i32 to index
      %parallel_loop3A_485 = tpu.vector_load %arg5[%parallel_loop3A_484] {strides = array<i32>} : memref<16384xf32, #tpu.memory_space<vmem>>, vector<16xf32>,
      %parallel_loop3A_486 = arith.constant 4 : i32
      %parallel_loop3A_487 = arith.shrsi %parallel_loop3A_481, %parallel_loop3A_486 : i32
      %parallel_loop3A_488 = arith.constant 8 : i32
      %parallel_loop3A_489 = arith.shli %parallel_loop3A_487, %parallel_loop3A_488 : i32
      %parallel_loop3A_490 = arith.constant 7 : i32
      %parallel_loop3A_491 = arith.andi %parallel_loop3A_481, %parallel_loop3A_490 : i32
      %parallel_loop3A_492 = arith.constant 5 : i32
      %parallel_loop3A_493 = arith.shli %parallel_loop3A_491, %parallel_loop3A_492 : i32
      %parallel_loop3A_494 = arith.addi %parallel_loop3A_489, %parallel_loop3A_493 : i32
      %parallel_loop3A_495 = arith.constant 3 : i32
      %parallel_loop3A_496 = arith.shrsi %parallel_loop3A_481, %parallel_loop3A_495 : i32
      %parallel_loop3A_497 = arith.constant 1 : i32
      %parallel_loop3A_498 = arith.andi %parallel_loop3A_496, %parallel_loop3A_497 : i32
      %parallel_loop3A_499 = arith.addi %parallel_loop3A_494, %parallel_loop3A_498 : i32
      %parallel_loop3A_500 = vector.broadcast %parallel_loop3A_499 : i32 to vector<16xi32>
      %parallel_loop3A_501 = arith.addi %parallel_loop3A_500, %add3A_1 : vector<16xi32>
      tpu.vector_store_idx %arg7[%parallel_loop3A_501], %parallel_loop3A_485 : memref<16384xf32, #tpu.memory_space<vmem>>[vector<16xi32>], vector<16xf32>,
    } {sc.loop_unroll_factor = 2 : i64, sc.parallel_access}
    %add3A_447 = arith.constant 475136 : i32
    %add3A_448 = arith.addi %mul3A_3, %add3A_447 : i32
    %dma_start3A_449 = tpu.memref_slice %arg3[%add3A_448] : memref<16777216xf32, #tpu.memory_space<hbm>> -> memref<16384xf32, #tpu.memory_space<hbm>>
    %dma_start3A_450 = tpu.memref_slice %arg3[%add3A_448] : memref<16777216xf32, #tpu.memory_space<hbm>> -> memref<16384xf32, #tpu.memory_space<hbm>>
    tpu.enqueue_dma source(%arg7 : memref<16384xf32, #tpu.memory_space<vmem>>) target(%dma_start3A_450 : memref<16384xf32, #tpu.memory_space<hbm>>) target_semaphore(%arg11 : memref<!tpu.dma_semaphore, #tpu.memory_space<semaphore_mem>>)
    %add3A_451 = arith.constant 507904 : i32
    %add3A_452 = arith.addi %mul3A_3, %add3A_451 : i32
    %dma_start3A_453 = tpu.memref_slice %arg2[%add3A_452] : memref<16777216xf32, #tpu.memory_space<hbm>> -> memref<16384xf32, #tpu.memory_space<hbm>>
    %dma_start3A_454 = tpu.memref_slice %arg2[%add3A_452] : memref<16777216xf32, #tpu.memory_space<hbm>> -> memref<16384xf32, #tpu.memory_space<hbm>>
    tpu.enqueue_dma source(%dma_start3A_454 : memref<16384xf32, #tpu.memory_space<hbm>>) target(%arg5 : memref<16384xf32, #tpu.memory_space<vmem>>) target_semaphore(%arg9 : memref<!tpu.dma_semaphore, #tpu.memory_space<semaphore_mem>>)
    %dma_wait3A_455 = tpu.memref_slice %arg2[%add3A_437] : memref<16777216xf32, #tpu.memory_space<hbm>> -> memref<16384xf32, #tpu.memory_space<hbm>>
    %dma_wait3A_456 = tpu.memref_slice %arg2[%add3A_437] : memref<16777216xf32, #tpu.memory_space<hbm>> -> memref<16384xf32, #tpu.memory_space<hbm>>
    tpu.wait_dma2 semaphore(%arg8 : memref<!tpu.dma_semaphore, #tpu.memory_space<semaphore_mem>>) src(%dma_wait3A_456 : memref<16384xf32, #tpu.memory_space<hbm>>) dst(%arg4 : memref<16384xf32, #tpu.memory_space<vmem>>)
    %dma_wait3A_457 = tpu.memref_slice %arg3[%add3A_433] : memref<16777216xf32, #tpu.memory_space<hbm>> -> memref<16384xf32, #tpu.memory_space<hbm>>
    %dma_wait3A_458 = tpu.memref_slice %arg3[%add3A_433] : memref<16777216xf32, #tpu.memory_space<hbm>> -> memref<16384xf32, #tpu.memory_space<hbm>>
    tpu.wait_dma2 semaphore(%arg10 : memref<!tpu.dma_semaphore, #tpu.memory_space<semaphore_mem>>) src(%arg6 : memref<16384xf32, #tpu.memory_space<vmem>>) dst(%dma_wait3A_458 : memref<16384xf32, #tpu.memory_space<hbm>>)
    %parallel_loop3A_459 = arith.constant 0 : i32
    %parallel_loop3A_460 = arith.constant 1024 : i32
    %parallel_loop3A_461 = arith.constant 1 : i32
    scf.for %parallel_loop3A_481 = %parallel_loop3A_459 to %parallel_loop3A_460 step %parallel_loop3A_461  : i32 {
      %parallel_loop3A_482 = arith.constant 16 : i32
      %parallel_loop3A_483 = arith.muli %parallel_loop3A_481, %parallel_loop3A_482 : i32
      %parallel_loop3A_484 = arith.index_cast %parallel_loop3A_483 : i32 to index
      %parallel_loop3A_485 = tpu.vector_load %arg4[%parallel_loop3A_484] {strides = array<i32>} : memref<16384xf32, #tpu.memory_space<vmem>>, vector<16xf32>,
      %parallel_loop3A_486 = arith.constant 4 : i32
      %parallel_loop3A_487 = arith.shrsi %parallel_loop3A_481, %parallel_loop3A_486 : i32
      %parallel_loop3A_488 = arith.constant 8 : i32
      %parallel_loop3A_489 = arith.shli %parallel_loop3A_487, %parallel_loop3A_488 : i32
      %parallel_loop3A_490 = arith.constant 7 : i32
      %parallel_loop3A_491 = arith.andi %parallel_loop3A_481, %parallel_loop3A_490 : i32
      %parallel_loop3A_492 = arith.constant 5 : i32
      %parallel_loop3A_493 = arith.shli %parallel_loop3A_491, %parallel_loop3A_492 : i32
      %parallel_loop3A_494 = arith.addi %parallel_loop3A_489, %parallel_loop3A_493 : i32
      %parallel_loop3A_495 = arith.constant 3 : i32
      %parallel_loop3A_496 = arith.shrsi %parallel_loop3A_481, %parallel_loop3A_495 : i32
      %parallel_loop3A_497 = arith.constant 1 : i32
      %parallel_loop3A_498 = arith.andi %parallel_loop3A_496, %parallel_loop3A_497 : i32
      %parallel_loop3A_499 = arith.addi %parallel_loop3A_494, %parallel_loop3A_498 : i32
      %parallel_loop3A_500 = vector.broadcast %parallel_loop3A_499 : i32 to vector<16xi32>
      %parallel_loop3A_501 = arith.addi %parallel_loop3A_500, %add3A_1 : vector<16xi32>
      tpu.vector_store_idx %arg6[%parallel_loop3A_501], %parallel_loop3A_485 : memref<16384xf32, #tpu.memory_space<vmem>>[vector<16xi32>], vector<16xf32>,
    } {sc.loop_unroll_factor = 2 : i64, sc.parallel_access}
    %add3A_462 = arith.constant 491520 : i32
    %add3A_463 = arith.addi %mul3A_3, %add3A_462 : i32
    %dma_start3A_464 = tpu.memref_slice %arg3[%add3A_463] : memref<16777216xf32, #tpu.memory_space<hbm>> -> memref<16384xf32, #tpu.memory_space<hbm>>
    %dma_start3A_465 = tpu.memref_slice %arg3[%add3A_463] : memref<16777216xf32, #tpu.memory_space<hbm>> -> memref<16384xf32, #tpu.memory_space<hbm>>
    tpu.enqueue_dma source(%arg6 : memref<16384xf32, #tpu.memory_space<vmem>>) target(%dma_start3A_465 : memref<16384xf32, #tpu.memory_space<hbm>>) target_semaphore(%arg10 : memref<!tpu.dma_semaphore, #tpu.memory_space<semaphore_mem>>)
    %dma_wait3A_466 = tpu.memref_slice %arg2[%add3A_452] : memref<16777216xf32, #tpu.memory_space<hbm>> -> memref<16384xf32, #tpu.memory_space<hbm>>
    %dma_wait3A_467 = tpu.memref_slice %arg2[%add3A_452] : memref<16777216xf32, #tpu.memory_space<hbm>> -> memref<16384xf32, #tpu.memory_space<hbm>>
    tpu.wait_dma2 semaphore(%arg9 : memref<!tpu.dma_semaphore, #tpu.memory_space<semaphore_mem>>) src(%dma_wait3A_467 : memref<16384xf32, #tpu.memory_space<hbm>>) dst(%arg5 : memref<16384xf32, #tpu.memory_space<vmem>>)
    %dma_wait3A_468 = tpu.memref_slice %arg3[%add3A_448] : memref<16777216xf32, #tpu.memory_space<hbm>> -> memref<16384xf32, #tpu.memory_space<hbm>>
    %dma_wait3A_469 = tpu.memref_slice %arg3[%add3A_448] : memref<16777216xf32, #tpu.memory_space<hbm>> -> memref<16384xf32, #tpu.memory_space<hbm>>
    tpu.wait_dma2 semaphore(%arg11 : memref<!tpu.dma_semaphore, #tpu.memory_space<semaphore_mem>>) src(%arg7 : memref<16384xf32, #tpu.memory_space<vmem>>) dst(%dma_wait3A_469 : memref<16384xf32, #tpu.memory_space<hbm>>)
    %parallel_loop3A_470 = arith.constant 0 : i32
    %parallel_loop3A_471 = arith.constant 1024 : i32
    %parallel_loop3A_472 = arith.constant 1 : i32
    scf.for %parallel_loop3A_481 = %parallel_loop3A_470 to %parallel_loop3A_471 step %parallel_loop3A_472  : i32 {
      %parallel_loop3A_482 = arith.constant 16 : i32
      %parallel_loop3A_483 = arith.muli %parallel_loop3A_481, %parallel_loop3A_482 : i32
      %parallel_loop3A_484 = arith.index_cast %parallel_loop3A_483 : i32 to index
      %parallel_loop3A_485 = tpu.vector_load %arg5[%parallel_loop3A_484] {strides = array<i32>} : memref<16384xf32, #tpu.memory_space<vmem>>, vector<16xf32>,
      %parallel_loop3A_486 = arith.constant 4 : i32
      %parallel_loop3A_487 = arith.shrsi %parallel_loop3A_481, %parallel_loop3A_486 : i32
      %parallel_loop3A_488 = arith.constant 8 : i32
      %parallel_loop3A_489 = arith.shli %parallel_loop3A_487, %parallel_loop3A_488 : i32
      %parallel_loop3A_490 = arith.constant 7 : i32
      %parallel_loop3A_491 = arith.andi %parallel_loop3A_481, %parallel_loop3A_490 : i32
      %parallel_loop3A_492 = arith.constant 5 : i32
      %parallel_loop3A_493 = arith.shli %parallel_loop3A_491, %parallel_loop3A_492 : i32
      %parallel_loop3A_494 = arith.addi %parallel_loop3A_489, %parallel_loop3A_493 : i32
      %parallel_loop3A_495 = arith.constant 3 : i32
      %parallel_loop3A_496 = arith.shrsi %parallel_loop3A_481, %parallel_loop3A_495 : i32
      %parallel_loop3A_497 = arith.constant 1 : i32
      %parallel_loop3A_498 = arith.andi %parallel_loop3A_496, %parallel_loop3A_497 : i32
      %parallel_loop3A_499 = arith.addi %parallel_loop3A_494, %parallel_loop3A_498 : i32
      %parallel_loop3A_500 = vector.broadcast %parallel_loop3A_499 : i32 to vector<16xi32>
      %parallel_loop3A_501 = arith.addi %parallel_loop3A_500, %add3A_1 : vector<16xi32>
      tpu.vector_store_idx %arg7[%parallel_loop3A_501], %parallel_loop3A_485 : memref<16384xf32, #tpu.memory_space<vmem>>[vector<16xi32>], vector<16xf32>,
    } {sc.loop_unroll_factor = 2 : i64, sc.parallel_access}
    %add3A_473 = arith.constant 507904 : i32
    %add3A_474 = arith.addi %mul3A_3, %add3A_473 : i32
    %dma_start3A_475 = tpu.memref_slice %arg3[%add3A_474] : memref<16777216xf32, #tpu.memory_space<hbm>> -> memref<16384xf32, #tpu.memory_space<hbm>>
    %dma_start3A_476 = tpu.memref_slice %arg3[%add3A_474] : memref<16777216xf32, #tpu.memory_space<hbm>> -> memref<16384xf32, #tpu.memory_space<hbm>>
    tpu.enqueue_dma source(%arg7 : memref<16384xf32, #tpu.memory_space<vmem>>) target(%dma_start3A_476 : memref<16384xf32, #tpu.memory_space<hbm>>) target_semaphore(%arg11 : memref<!tpu.dma_semaphore, #tpu.memory_space<semaphore_mem>>)
    %dma_wait3A_477 = tpu.memref_slice %arg3[%add3A_463] : memref<16777216xf32, #tpu.memory_space<hbm>> -> memref<16384xf32, #tpu.memory_space<hbm>>
    %dma_wait3A_478 = tpu.memref_slice %arg3[%add3A_463] : memref<16777216xf32, #tpu.memory_space<hbm>> -> memref<16384xf32, #tpu.memory_space<hbm>>
    tpu.wait_dma2 semaphore(%arg10 : memref<!tpu.dma_semaphore, #tpu.memory_space<semaphore_mem>>) src(%arg6 : memref<16384xf32, #tpu.memory_space<vmem>>) dst(%dma_wait3A_478 : memref<16384xf32, #tpu.memory_space<hbm>>)
    %dma_wait3A_479 = tpu.memref_slice %arg3[%add3A_474] : memref<16777216xf32, #tpu.memory_space<hbm>> -> memref<16384xf32, #tpu.memory_space<hbm>>
    %dma_wait3A_480 = tpu.memref_slice %arg3[%add3A_474] : memref<16777216xf32, #tpu.memory_space<hbm>> -> memref<16384xf32, #tpu.memory_space<hbm>>
    tpu.wait_dma2 semaphore(%arg11 : memref<!tpu.dma_semaphore, #tpu.memory_space<semaphore_mem>>) src(%arg7 : memref<16384xf32, #tpu.memory_space<vmem>>) dst(%dma_wait3A_480 : memref<16384xf32, #tpu.memory_space<hbm>>)
    return
  }
}

</mosaic_0001>

<sc_bundles>
// kernel: _sc_pack.3.cloned.1.call-start
scs
__scs_entry_jumppad:
0x0: {  	(pc) =	sbr.rel $0x88, $3  }
0x1: {  	(tag) =	ssettag $0x0;
	lr =	simm.s32 $0x1  }
0x2: {  	[smem:$0x3FA0] =	sst lr;
	_ =	strace $0xD0000000  }
0x3: {  	_ = 	snop  }
0x4: {  	_ = 	snop  }
0x5: {  	_ = 	snop  }
0x6: {  	_ = 	snop  }
0x7: {  	_ = 	snop  }
__scs_overlays_trampoline_lowered:
0x8: {  	[smem:$0x3FAF] =	sst s0  }
0x9: {  	[smem:$0x3FB0] =	sst s1  }
0xa: {  	[smem:$0x3FB1] =	sst s2  }
0xb: {  	[smem:$0x3FB2] =	sst s3  }
0xc: {  	[smem:$0x3FB3] =	sst s4  }
0xd: {  	[smem:$0x3FB4] =	sst s5  }
0xe: {  	[smem:$0x3FB5] =	sst s6  }
0xf: {  	[smem:$0x3FB6] =	sst s7  }
0x10: {  	[smem:$0x3FB7] =	sst s8  }
0x11: {  	[smem:$0x3FB8] =	sst s9;
	s0 =	simm.s32 @!p0 $0x0  }
0x12: {  	s1 =	sld [smem:$0x3F9E];
	s0 =	simm.s32 @p0 $0x1  }
0x13: {  	[smem:$0x3FB9] =	sst s0;
	s0 =	simm.s32 @!p1 $0x0  }
0x14: {  	s2 =	sld [smem:$0x3F9D];
	s0 =	simm.s32 @p1 $0x1  }
0x15: {  	[smem:$0x3FBA] =	sst s0;
	s0 =	simm.s32 @!p2 $0x0  }
0x16: {  	s3 =	sld [smem:$0x3FDB];
	s0 =	simm.s32 @p2 $0x1  }
0x17: {  	s4 =	simm.s32 $0x1BF5;
	[smem:$0x3FBC] =	sst s0  }
0x18: {  	s0 =	sld [smem:$0x3F9F];
	_ =	swait.ge [sflag:s4], $0x0  }
0x19: {  	s7 =	sld [smem:$0x3FA0]  }
0x1a: {  	s8 =	sadd.s32 $0xFFFFE003, lr  }
0x1b: {  	s9 =	sadd.s32 $0xFFFFFEF7, lr;
	s5 =	simm.s32 $0xFFFFFFFF;
	p2 =	slt.u32 s8, $0xFFFFF086  }
0x1c: {  	p1 =	slt.u32 s9, $0xF7A;
	s5 =	simm.s32 @!p2 $0x0  }
0x1d: {  	s5 =	simm.s32 @p1 $0x1;
	p0 =	seq.s32 s7, s2  }
0x1e: {  	s7 =	smul.u32 @!p0 $0xF7A, s2;
	p2 =	seq.s32 @!p0 s5, $0x0  }
0x1f: {  	s9 =	smul.u32 $0xF7A, s1;
	s8 =	simm.s32 @!p0 $0x1BF5;
	p2 =	por !p2, p0  }
0x20: {  	[sflag:s8] =	ssyncset.s32 @!p0 $0xFFFFF086;
	s6 =	sadd.s32 @!p0 s3, s7;
	s7 =	simm.s32 @!p0 $0x108  }
0x21: {  	s3 =	sadd.s32 s3, s9;
	s6 =	sadd.s32 @!p0 $0x88, s6;
	s7 =	simm.s32 @p2 $0x1082  }
0x22: {  	[simem:s7], [sflag:s8] =	dma.local @!p0 [hbm:s6], $0xF7A  }
0x23: {  	s9 =	sor.u32 $0xD0000000, s2;
	s6 =	simm.s32 $0x108;
	_ =	swait.ge @!p0 [sflag:s8], $0x0  }
0x24: {  	s3 =	sadd.s32 $0x88, s3;
	s6 =	simm.s32 @!p1 $0x1082;
	[sflag:s4] =	ssyncset.s32 $0xFFFFF086  }
0x25: {  	[simem:s6], [sflag:s4] =	dma.local [hbm:s3], $0xF7A  }
0x26: {  	[smem:$0x3FA0] =	sst s1;
	(tag) =	ssettag s2;
	_ =	strace s9  }
0x27: {  	s1 =	sld [smem:$0x3FB0]  }
0x28: {  	s2 =	sld [smem:$0x3FB1]  }
0x29: {  	s4 =	sld [smem:$0x3FB3]  }
0x2a: {  	p0 =	seq.s32 s5, $0x0;
	s5 =	sld [smem:$0x3FB4]  }
0x2b: {  	s6 =	sld [smem:$0x3FB5]  }
0x2c: {  	s7 =	sld [smem:$0x3FB6]  }
0x2d: {  	s3 =	simm.s32 $0x108;
	s8 =	sld [smem:$0x3FB7]  }
0x2e: {  	s3 =	simm.s32 @!p0 $0x1082;
	s9 =	sld [smem:$0x3FB8]  }
0x2f: {  	lr =	sadd.s32 s0, s3;
	s0 =	sld [smem:$0x3FAF]  }
0x30: {  	s3 =	sld [smem:$0x3FB2]  }
0x31: {  	[smem:$0x3FBB] =	sst s10  }
0x32: {  	s10 =	sld [smem:$0x3FB9];
	_ =	sdelay $0x3  }
0x33: {  	p0 =	seq.s32 s10, $0x1;
	s10 =	sld [smem:$0x3FBB];
	_ =	sdelay $0x3  }
0x34: {  	[smem:$0x3FBB] =	sst s10  }
0x35: {  	s10 =	sld [smem:$0x3FBA];
	_ =	sdelay $0x3  }
0x36: {  	p1 =	seq.s32 s10, $0x1;
	s10 =	sld [smem:$0x3FBB];
	_ =	sdelay $0x3  }
0x37: {  	[smem:$0x3FBB] =	sst s10  }
0x38: {  	s10 =	sld [smem:$0x3FBC]  }
0x39: {  	_ = 	snop;
	(pc) =	sbr.ind lr, $3  }
0x3a: {  	_ = 	snop  }
0x3b: {  	_ = 	snop  }
0x3c: {  	p2 =	seq.s32 s10, $0x1;
	s10 =	sld [smem:$0x3FBB]  }
0x3d: {  	_ =	shalt  }
0x3e: {  	_ =	shalt  }
0x3f: {  	_ =	shalt  }
0x40: {  	_ =	shalt  }
0x41: {  	_ =	shalt  }
0x42: {  	_ =	shalt  }
0x43: {  	_ =	shalt  }
0x44: {  	_ =	shalt  }
0x45: {  	_ =	shalt  }
0x46: {  	_ =	shalt  }
0x47: {  	_ =	shalt  }
0x48: {  	_ =	shalt  }
0x49: {  	_ =	shalt  }
0x4a: {  	_ =	shalt  }
0x4b: {  	_ =	shalt  }
0x4c: {  	_ =	shalt  }
0x4d: {  	_ =	shalt  }
0x4e: {  	_ =	shalt  }
0x4f: {  	_ =	shalt  }
0x50: {  	_ =	shalt  }
0x51: {  	_ =	shalt  }
0x52: {  	_ =	shalt  }
0x53: {  	_ =	shalt  }
0x54: {  	_ =	shalt  }
0x55: {  	_ =	shalt  }
0x56: {  	_ =	shalt  }
0x57: {  	_ =	shalt  }
0x58: {  	_ =	shalt  }
0x59: {  	_ =	shalt  }
0x5a: {  	_ =	shalt  }
0x5b: {  	_ =	shalt  }
0x5c: {  	_ =	shalt  }
0x5d: {  	_ =	shalt  }
0x5e: {  	_ =	shalt  }
0x5f: {  	_ =	shalt  }
0x60: {  	_ =	shalt  }
0x61: {  	_ =	shalt  }
0x62: {  	_ =	shalt  }
0x63: {  	_ =	shalt  }
0x64: {  	_ =	shalt  }
0x65: {  	_ =	shalt  }
0x66: {  	_ =	shalt  }
0x67: {  	_ =	shalt  }
0x68: {  	_ =	shalt  }
0x69: {  	_ =	shalt  }
0x6a: {  	_ =	shalt  }
0x6b: {  	_ =	shalt  }
0x6c: {  	_ =	shalt  }
0x6d: {  	_ =	shalt  }
0x6e: {  	_ =	shalt  }
0x6f: {  	_ =	shalt  }
0x70: {  	_ =	shalt  }
0x71: {  	_ =	shalt  }
0x72: {  	_ =	shalt  }
0x73: {  	_ =	shalt  }
0x74: {  	_ =	shalt  }
0x75: {  	_ =	shalt  }
0x76: {  	_ =	shalt  }
0x77: {  	_ =	shalt  }
0x78: {  	_ =	shalt  }
0x79: {  	_ =	shalt  }
0x7a: {  	_ =	shalt  }
0x7b: {  	_ =	shalt  }
0x7c: {  	_ =	shalt  }
0x7d: {  	_ =	shalt  }
0x7e: {  	_ =	shalt  }
0x7f: {  	_ =	shalt  }
0x80: {  	_ =	shalt  }
0x81: {  	_ =	shalt  }
0x82: {  	_ =	shalt  }
0x83: {  	_ =	shalt  }
0x84: {  	_ =	shalt  }
0x85: {  	_ =	shalt  }
0x86: {  	_ =	shalt  }
0x87: {  	_ =	shalt  }
.Lfunc_end0:
.L_simem_size_0:
called_computation_lowered:
.L_overlay_start_0:
0x88: {  	s2 =	sld [smem:$0x3FD9]  }
0x89: {  	s3 =	sld [smem:$0x3FFE];
	_ =	sdelay $0x1  }
0x8a: {  	s1 =	srdreg.scid  }
0x8b: {  	s0 =	sand.u32 $0x1, s1  }
0x8c: {  	s18 =	sshll.u32 s0, $0xA;
	s2 =	sadd.s32 s3, s2  }
0x8d: {  	s2 =	sadd.s32 s2, s18  }
0x8e: {  	[smem:$0x3FC7] =	sst s2  }
0x8f: {  	_ = 	snop  }
0x90: {  	s2 =	sld [smem:$0x3FC9]  }
0x91: {  	s19 =	sld [smem:$0x3FD0];
	(tm) =	ssettm $0x1  }
0x92: {  	s4 =	sld [smem:$0x3FFB];
	_ =	sdelay $0x3  }
0x93: {  	_ =	strace s4  }
0x94: {  	s4 =	sld [smem:$0x3FFC];
	_ =	sdelay $0x3  }
0x95: {  	_ =	strace s4  }
0x96: {  	s4 =	sld [smem:$0x3FFD];
	_ =	sdelay $0x3  }
0x97: {  	_ =	strace s4  }
0x98: {  	_ =	strace $0x8FFFFFFF  }
0x99: {  	s20 =	sld [smem:$0x3FDB];
	_ =	sdelay $0x1  }
0x9a: {  	s5 =	simm.s32 $_scs_section_size  }
0x9b: {  	s6 =	simm.s32 $_size__tile_overlayer_lowered;
	s7 =	simm.s32 $_tile_overlayer_lowered  }
0x9c: {  	s23 =	simm.s32 $0x1BFF;
	s22 =	sshll.u32 s7, $0x1;
	s4 =	sadd.s32 s5, s20  }
0x9d: {  	s8 =	simm.s32 $0x0;
	s21 =	sshll.u32 s6, $0x1;
	s6 =	sadd.s32 s22, s4  }
0x9e: {  	[timem:s8], [sflag:s23] =	dma.local [hbm:s6], s21  }
0x9f: {  	_ =	swait.ge [sflag:s23], s21  }
0xa0: {  	s5 =	ssub.s32 $0x0, s21;
	[sflag:s23] =	ssyncset.done $0x0  }
0xa1: {  	[sflag:s23] =	ssyncadd.s32 s5;
	_ =	sdelay $0x1  }
0xa2: {  	s24 =	simm.s32 $0x1B8B  }
0xa3: {  	_ =	swait.ge [sflag:s24], $0x1  }
0xa4: {  	[sflag:s24] =	ssyncset.done $0x0  }
0xa5: {  	s25 =	simm.s32 $0x1B8E;
	[sflag:s24] =	ssyncadd.s32 $0xFFFFFFFF  }
0xa6: {  	s26 =	simm.s32 $execute0_lowered;
	[smem:$0x3FD2] =	sst s25  }
0xa7: {  	s5 =	sshll.u32 s26, $0x1;
	_ =	strace $0x80000046;
	[dreg:$0x1] =	wrdreg $0xFFFFFFFF  }
0xa8: {  	s28 =	simm.s32 $_size_execute0_lowered;
	s4 =	sadd.s32 s4, s5;
	[dreg:$0x0] =	wrdreg $0x0  }
0xa9: {  	s5 =	sshll.u32 s28, $0x1;
	[dreg:$0x2] =	wrdreg s4  }
0xaa: {  	[dreg:$0x3] =	wrdreg s5  }
0xab: {  	[dreg:$0x4] =	wrdreg $0xC0  }
0xac: {  	_ =	task [dreg:s8], $0x5FFFF  }
0xad: {  	[dreg:$0x1] =	wrdreg $0xFFFFFFFF  }
0xae: {  	[dreg:$0x0] =	wrdreg $0x60  }
0xaf: {  	[dreg:$0x2] =	wrdreg s2  }
0xb0: {  	[dreg:$0x3] =	wrdreg s19  }
0xb1: {  	[dreg:$0x4] =	wrdreg $0x9  }
0xb2: {  	_ =	task.clear_ibuf [dreg:s8], $0x5FFFF;
	_ =	strace $0x90000046  }
0xb3: {  	s29 =	simm.s32 $0x9;
	_ =	strace $0x80000048  }
0xb4: {  	_ =	swait.ge [sflag:s29], $0x1  }
0xb5: {  	[sflag:s29] =	ssyncadd.s32 $0xFFFFFFFF  }
0xb6: {  	_ =	strace $0x90000048  }
0xb7: {  	_ =	sfence  }
0xb8: {  	s30 =	sld [smem:$0x0];
	_ =	sdelay $0x2  }
0xb9: {  	s31 =	sshll.u32 s1, $0xD;
	s1 =	sshrl.u32 s1, $0x2  }
0xba: {  	s3 =	sand.u32 $0x4000, s31;
	s1 =	sadd.s32 s1, s30  }
0xbb: {  	s0 =	sor.u32 s3, s0;
	s1 =	sshll.u32 s1, $0x11  }
0xbc: {  	s0 =	sor.u32 s1, s0  }
0xbd: {  	s0 =	sadd.s32 $0x8F2B, s0  }
0xbe: {  	[sflag:s0] =	ssyncadd.remote.s32 $0x1  }
0xbf: {  	_ =	sfence.sel $0xFFFF  }
0xc0: {  	[dreg:$0x0] =	wrdreg $0xFFFFFFFF;
	(pc) =	sbr.abs _section_cstart, $3  }
0xc1: {  	[dreg:$0x1] =	wrdreg $0xFFFFFFFF  }
0xc2: {  	_ =	task.clear_ibuf [dreg:s8], $0x2FFFF;
	_ =	strace $0x9FFFFFFF  }
0xc3: {  	(tm) =	ssettm $0x7FFFFFFF  }
tec
execute0_lowered:
.L_overlay_start_1:
0x0: {  	(tag) =	ssettag $0x1  }
0x1: {  	s0 =	srdreg.scid  }
0x2: {  	s2 =	stileid.u32;
	s0 =	sand.u32 $0x1, s0  }
0x3: {  	s2 =	sshll.u32 s2, $0x11;
	s4 =	sshll.u32 s0, $0x10  }
0x4: {  	s3 =	rddreg [dreg:$0x0];
	s2 =	sor.u32 s4, s2  }
0x5: {  	s5 =	rddreg [dreg:$0x1];
	s1 =	simm.s32 $0x0;
	s7 =	sor.u32 $0x800, s2  }
0x6: {  	[smem:$0x7FF] =	sst s1;
	s8 =	sor.u32 $0x1000, s2;
	s26 =	sadd.s32 s3, s7  }
0x7: {  	s0 =	ssub.s32 $0x2, s0;
	s4 =	sadd.s32 s3, s8;
	[dreg:$0x3] =	wrdreg s26  }
0x8: {  	s10 =	sor.u32 $0x1800, s2;
	s9 =	sadd.s32 s5, s7;
	[dreg:$0x4] =	wrdreg s4  }
0x9: {  	s25 =	sshrl.u32 s0, $0x1;
	s12 =	sadd.s32 s3, s10;
	[dreg:$0x5] =	wrdreg s9  }
0xa: {  	s11 =	sor.u32 $0x2000, s2;
	s13 =	sadd.s32 s5, s8;
	[dreg:$0x6] =	wrdreg s12  }
0xb: {  	s6 =	ssub.s32 s0, s25;
	s14 =	sadd.s32 s3, s11;
	[dreg:$0x7] =	wrdreg s13  }
0xc: {  	s15 =	sor.u32 $0x2800, s2;
	s0 =	sadd.s32 s5, s10;
	[dreg:$0x8] =	wrdreg s14  }
0xd: {  	s16 =	sor.u32 $0x3000, s2;
	s17 =	sadd.s32 s3, s15;
	[dreg:$0x9] =	wrdreg s0  }
0xe: {  	s19 =	sor.u32 $0x3800, s2;
	s18 =	sadd.s32 s3, s16;
	[dreg:$0xa] =	wrdreg s17  }
0xf: {  	s21 =	sadd.s32 s3, s19;
	[dreg:$0xc] =	wrdreg s18  }
0x10: {  	s20 =	sor.u32 $0x4000, s2;
	s7 =	sadd.s32 s5, s16;
	[dreg:$0xe] =	wrdreg s21  }
0x11: {  	s23 =	sor.u32 $0x4800, s2;
	s22 =	sadd.s32 s3, s20;
	[dreg:$0xf] =	wrdreg s7  }
0x12: {  	s25 =	sadd.s32 s3, s23;
	[dreg:$0x10] =	wrdreg s22  }
0x13: {  	s4 =	sadd.s32 s5, s11;
	[dreg:$0x12] =	wrdreg s25  }
0x14: {  	s24 =	sor.u32 $0x5000, s2;
	s0 =	sadd.s32 s5, s15;
	[dreg:$0xb] =	wrdreg s4  }
0x15: {  	s26 =	sadd.s32 s3, s24;
	[dreg:$0xd] =	wrdreg s0  }
0x16: {  	s8 =	sor.u32 $0x5800, s2;
	s7 =	sadd.s32 s5, s24;
	[dreg:$0x14] =	wrdreg s26  }
0x17: {  	s10 =	sor.u32 $0x6000, s2;
	s9 =	sadd.s32 s3, s8;
	[dreg:$0x16] =	wrdreg s7  }
0x18: {  	s16 =	sor.u32 $0x7800, s2;
	s11 =	sadd.s32 s3, s10;
	[dreg:$0x17] =	wrdreg s9  }
0x19: {  	s17 =	sadd.s32 s3, s16;
	[dreg:$0x19] =	wrdreg s11  }
0x1a: {  	s0 =	sadd.s32 s5, s19;
	[dreg:$0x1f] =	wrdreg s17  }
0x1b: {  	s12 =	sor.u32 $0x6800, s2;
	s4 =	sadd.s32 s5, s20;
	[dreg:$0x11] =	wrdreg s0  }
0x1c: {  	s14 =	sor.u32 $0x7000, s2;
	s13 =	sadd.s32 s3, s12;
	[dreg:$0x13] =	wrdreg s4  }
0x1d: {  	s18 =	sor.u32 $0x8000, s2;
	s15 =	sadd.s32 s3, s14;
	[dreg:$0x1b] =	wrdreg s13  }
0x1e: {  	s24 =	sor.u32 $0x9800, s2;
	s19 =	sadd.s32 s3, s18;
	[dreg:$0x1d] =	wrdreg s15  }
0x1f: {  	s31 =	sadd.s32 s3, s2;
	s25 =	sadd.s32 s3, s24;
	[smem:$0x7E6] =	sst s19  }
0x20: {  	s20 =	sor.u32 $0x8800, s2;
	s0 =	sadd.s32 s5, s23;
	[smem:$0x7EC] =	sst s25  }
0x21: {  	s22 =	sor.u32 $0x9000, s2;
	s21 =	sadd.s32 s3, s20;
	[dreg:$0x15] =	wrdreg s0  }
0x22: {  	s26 =	sor.u32 $0xA000, s2;
	s23 =	sadd.s32 s3, s22;
	[smem:$0x7E8] =	sst s21  }
0x23: {  	s6 =	smax.u32 s6, $0x1;
	s7 =	sadd.s32 s3, s26;
	[smem:$0x7EA] =	sst s23  }
0x24: {  	s25 =	sor.u32 $0xF800, s2;
	s0 =	sadd.s32 s5, s8;
	[smem:$0x7EE] =	sst s7  }
0x25: {  	s8 =	sor.u32 $0xA800, s2;
	[dreg:$0x18] =	wrdreg s0;
	s0 =	sadd.s32 s5, s10  }
0x26: {  	s23 =	sor.u32 $0xE800, s2;
	s9 =	sadd.s32 s3, s8;
	[dreg:$0x1a] =	wrdreg s0  }
0x27: {  	s10 =	sor.u32 $0xB000, s2;
	s0 =	sadd.s32 s5, s12;
	[smem:$0x7F0] =	sst s9  }
0x28: {  	s7 =	simm.s32 $0x4000;
	s11 =	sadd.s32 s3, s10;
	[dreg:$0x1c] =	wrdreg s0  }
0x29: {  	s12 =	sor.u32 $0xB800, s2;
	s0 =	sadd.s32 s5, s14;
	[smem:$0x7F2] =	sst s11  }
0x2a: {  	s29 =	sadd.s32 s3, s23;
	s13 =	sadd.s32 s3, s12;
	[dreg:$0x1e] =	wrdreg s0  }
0x2b: {  	s14 =	sor.u32 $0xC000, s2;
	s0 =	sadd.s32 s5, s16;
	[smem:$0x7F4] =	sst s13  }
0x2c: {  	s30 =	sadd.s32 s5, s23;
	s15 =	sadd.s32 s3, s14;
	[smem:$0x7E5] =	sst s0  }
0x2d: {  	s16 =	sor.u32 $0xC800, s2;
	s0 =	sadd.s32 s5, s18;
	[smem:$0x7F6] =	sst s15  }
0x2e: {  	s9 =	simm.s32 $0x8000;
	s17 =	sadd.s32 s3, s16;
	[smem:$0x7E7] =	sst s0  }
0x2f: {  	s18 =	sor.u32 $0xD000, s2;
	s0 =	sadd.s32 s5, s20;
	[smem:$0x7F8] =	sst s17  }
0x30: {  	s11 =	simm.s32 $0xC000;
	s19 =	sadd.s32 s3, s18;
	[smem:$0x7E9] =	sst s0  }
0x31: {  	s20 =	sor.u32 $0xD800, s2;
	s0 =	sadd.s32 s5, s22;
	[smem:$0x7FA] =	sst s19  }
0x32: {  	s13 =	simm.s32 $0x4;
	s21 =	sadd.s32 s3, s20;
	[smem:$0x7EB] =	sst s0  }
0x33: {  	s22 =	sor.u32 $0xE000, s2;
	s0 =	sadd.s32 s5, s24;
	[smem:$0x7FC] =	sst s21  }
0x34: {  	s28 =	sadd.s32 s5, s22;
	[smem:$0x7ED] =	sst s0;
	s0 =	sadd.s32 s5, s26  }
0x35: {  	s24 =	sor.u32 $0xF000, s2;
	[smem:$0x7EF] =	sst s0;
	s0 =	sadd.s32 s5, s8  }
0x36: {  	s26 =	sadd.s32 s3, s22;
	[smem:$0x7F1] =	sst s0;
	s0 =	sadd.s32 s5, s10  }
0x37: {  	s4 =	sadd.s32 s5, s24;
	[smem:$0x7F3] =	sst s0;
	s0 =	sadd.s32 s5, s12  }
0x38: {  	s8 =	simm.s32 $0x1;
	[smem:$0x7F5] =	sst s0;
	s0 =	sadd.s32 s5, s14  }
0x39: {  	s10 =	simm.s32 $0x2;
	[smem:$0x7F7] =	sst s0;
	s0 =	sadd.s32 s5, s16  }
0x3a: {  	s12 =	simm.s32 $0x3;
	[smem:$0x7F9] =	sst s0;
	s0 =	sadd.s32 s5, s18  }
0x3b: {  	s14 =	simm.s32 $0x0;
	[smem:$0x7FB] =	sst s0;
	s0 =	sadd.s32 s5, s20  }
0x3c: {  	v0 =	vlaneseq.u32;
	[smem:$0x7FD] =	sst s0;
	s0 =	sadd.s32 s5, s2;
	s2 =	sadd.s32 s3, s24  }
0x3d: {  	v0 =	vmul.u32 $0x2, v0;
	s3 =	sadd.s32 s3, s25;
	s5 =	sadd.s32 s5, s25;
	_ =	strace $0x80000047  }
.LBB2_1:
0x3e: {  	[tilespmem:s1], [sflag:$0x1] =	stream.linear.gather [hbm4b:s31+s1], $0x4000, $0x38;
	[tilespmem:$0x10000] =	vst v63  }
0x3f: {  	s15 =	rddreg [dreg:$0x3]  }
0x40: {  	s25 =	simm.s32 $0x20;
	s19 =	simm.s32 $0x10;
	s16 =	simm.s32 $0x0  }
0x41: {  	s17 =	simm.s32 $0x0;
	s18 =	sand.u32 $0x3F00, s1;
	s23 =	simm.s32 $0x40  }
0x42: {  	[tilespmem:s7], [sflag:$0x2] =	stream.linear.gather [hbm4b:s15+s1], $0x4000, $0x38;
	[tilespmem:$0x10000] =	vst v63  }
0x43: {  	s16 =	sand.u32 $0xC0, s16;
	s17 =	sand.u32 $0x1, s17;
	_ =	swait.ge [sflag:s8], $0x4000  }
0x44: {  	s15 =	sand.u32 $0xE0, s25;
	s16 =	sor.u32 s16, s18;
	[sflag:s8] =	ssyncset.done $0x0  }
0x45: {  	s18 =	sor.u32 s15, s18;
	s20 =	sor.u32 s17, s16;
	[sflag:s8] =	ssyncadd.s32 $0xFFFFC000  }
0x46: {  	s22 =	simm.s32 $0x0;
	s23 =	sand.u32 $0xC0, s23;
	s21 =	sor.u32 s17, s18;
	v3 =	vor.u32 s20, v0;
	v2 =	vld [tilespmem:s19+$0xFFFFFFF0]  }
0x47: {  	s15 =	simm.s32 $0x2;
	s17 =	simm.s32 $0x60;
	s18 =	simm.s32 $0x20;
	v1 =	vor.u32 s21, v0;
	v4 =	vld [tilespmem:s19+$0x0]  }
0x48: {  	s16 =	simm.s32 $0x30;
	s24 =	sand.u32 $0x3F00, s18;
	s25 =	sand.u32 $0xE0, s17  }
0x49: {  	s19 =	sand.u32 $0x1, s22;
	s21 =	sor.u32 s23, s24;
	s20 =	sor.u32 s25, s24  }
.LBB2_2:
0x4a: {  	s15 =	sadd.s32 $0x2, s15  }
0x4b: {  	s21 =	sor.u32 s19, s21;
	v5 =	vld [tilespmem:s16+$0x0];
	s19 =	sor.u32 s19, s20;
	[tilespmem:v3+s9+$0x0] =	vst.idx.msk $0xffff, v2;
	p0 =	slt.u32 s15, $0x3FE  }
.Ltmp0:
0x4c: {  	s20 =	sshrl.u32 s15, $0x3;
	v2 =	vld [tilespmem:s16+$0xFFFFFFF0];
	v3 =	vor.u32 s21, v0;
	[tilespmem:v1+s9+$0x0] =	vst.idx.msk $0xffff, v4;
	v1 =	vor.u32 s19, v0;
	(pc) =	sbr.rel @p0 .LBB2_2-.Ltmp0, $4  }
0x4d: {  	s17 =	sadd.s32 $0x40, s17  }
0x4e: {  	s18 =	sadd.s32 $0x20, s18;
	s19 =	sadd.s32 $0xFFFFFFE0, s17;
	s16 =	sadd.s32 $0x20, s16  }
0x4f: {  	s22 =	sand.u32 $0x3F00, s18;
	s23 =	sand.u32 $0xE0, s17;
	s21 =	sand.u32 $0xC0, s19  }
0x50: {  	s19 =	sand.u32 $0x1, s20;
	s20 =	sor.u32 s23, s22;
	s21 =	sor.u32 s21, s22;
	v4 =	vmov v5  }
0x51: {  	s15 =	sor.u32 s19, s21  }
0x52: {  	s17 =	sor.u32 s19, s20;
	v5 =	vld [tilespmem:s16+$0xFFFFFFF0];
	v6 =	vor.u32 s15, v0  }
0x53: {  	v7 =	vld [tilespmem:s16+$0x0];
	v8 =	vor.u32 s17, v0;
	_ =	sdelay $0x1  }
0x54: {  	[tilespmem:v3+s9+$0x0] =	vst.idx.msk $0xffff, v2  }
0x55: {  	[tilespmem:v1+s9+$0x0] =	vst.idx.msk $0xffff, v4  }
0x56: {  	s22 =	simm.s32 $0x0;
	s24 =	simm.s32 $0x20;
	[tilespmem:v6+s9+$0x0] =	vst.idx.msk $0xffff, v5  }
0x57: {  	s19 =	simm.s32 $0x4010;
	s25 =	simm.s32 $0x0;
	s18 =	simm.s32 $0x0;
	[tilespmem:v8+s9+$0x0] =	vst.idx.msk $0xffff, v7  }
0x58: {  	[hbm4b:s0+s22] =	stream.linear.scatter [tilespmem:s9], [sflag:$0x3], $0x4000, $0x38;
	[tilespmem:$0x10000] =	vst v63  }
0x59: {  	s15 =	sand.u32 $0x3F00, s22;
	s17 =	sand.u32 $0xC0, s25;
	s23 =	rddreg [dreg:$0x4]  }
0x5a: {  	[tilespmem:s22], [sflag:$0x1] =	stream.linear.gather [hbm4b:s23+s22], $0x4000, $0x38;
	[tilespmem:$0x10000] =	vst v63  }
0x5b: {  	s16 =	sand.u32 $0xE0, s24;
	s18 =	sand.u32 $0x1, s18;
	_ =	swait.ge [sflag:s10], $0x4000  }
0x5c: {  	s17 =	sor.u32 s17, s15;
	s16 =	sor.u32 s16, s15;
	[sflag:s10] =	ssyncset.done $0x0  }
0x5d: {  	s15 =	simm.s32 $0x2;
	s20 =	sor.u32 s18, s17;
	[sflag:s10] =	ssyncadd.s32 $0xFFFFC000  }
0x5e: {  	s21 =	sor.u32 s18, s16;
	s17 =	simm.s32 $0x60;
	s18 =	simm.s32 $0x20;
	v3 =	vor.u32 s20, v0;
	v2 =	vld [tilespmem:s19+$0xFFFFFFF0]  }
0x5f: {  	s16 =	simm.s32 $0x4030;
	s24 =	sand.u32 $0x3F00, s18;
	v1 =	vor.u32 s21, v0;
	s23 =	simm.s32 $0x40;
	v4 =	vld [tilespmem:s19+$0x0]  }
0x60: {  	s25 =	sand.u32 $0xE0, s17;
	s22 =	simm.s32 $0x0;
	s23 =	sand.u32 $0xC0, s23  }
0x61: {  	s20 =	sor.u32 s25, s24;
	s21 =	sor.u32 s23, s24;
	s19 =	sand.u32 $0x1, s22  }
.LBB2_4:
0x62: {  	s15 =	sadd.s32 $0x2, s15  }
0x63: {  	s21 =	sor.u32 s19, s21;
	v5 =	vld [tilespmem:s16+$0x0];
	s19 =	sor.u32 s19, s20;
	[tilespmem:v3+s11+$0x0] =	vst.idx.msk $0xffff, v2;
	p0 =	slt.u32 s15, $0x3FE  }
.Ltmp1:
0x64: {  	s20 =	sshrl.u32 s15, $0x3;
	v2 =	vld [tilespmem:s16+$0xFFFFFFF0];
	v3 =	vor.u32 s21, v0;
	[tilespmem:v1+s11+$0x0] =	vst.idx.msk $0xffff, v4;
	v1 =	vor.u32 s19, v0;
	(pc) =	sbr.rel @p0 .LBB2_4-.Ltmp1, $4  }
0x65: {  	s17 =	sadd.s32 $0x40, s17  }
0x66: {  	s18 =	sadd.s32 $0x20, s18;
	s19 =	sadd.s32 $0xFFFFFFE0, s17;
	s16 =	sadd.s32 $0x20, s16  }
0x67: {  	s22 =	sand.u32 $0x3F00, s18;
	s23 =	sand.u32 $0xE0, s17;
	s21 =	sand.u32 $0xC0, s19  }
0x68: {  	s19 =	sand.u32 $0x1, s20;
	s20 =	sor.u32 s23, s22;
	s21 =	sor.u32 s21, s22;
	v4 =	vmov v5  }
0x69: {  	s15 =	sor.u32 s19, s21  }
0x6a: {  	s17 =	sor.u32 s19, s20;
	v5 =	vld [tilespmem:s16+$0xFFFFFFF0];
	v6 =	vor.u32 s15, v0  }
0x6b: {  	v7 =	vld [tilespmem:s16+$0x0];
	v8 =	vor.u32 s17, v0;
	_ =	sdelay $0x1  }
0x6c: {  	[tilespmem:v3+s11+$0x0] =	vst.idx.msk $0xffff, v2  }
0x6d: {  	[tilespmem:v1+s11+$0x0] =	vst.idx.msk $0xffff, v4  }
0x6e: {  	[tilespmem:v6+s11+$0x0] =	vst.idx.msk $0xffff, v5  }
0x6f: {  	[tilespmem:v8+s11+$0x0] =	vst.idx.msk $0xffff, v7  }
0x70: {  	s21 =	simm.s32 $0x0;
	s22 =	rddreg [dreg:$0x5]  }
0x71: {  	[hbm4b:s22+s21] =	stream.linear.scatter [tilespmem:s11], [sflag:$0x4], $0x4000, $0x38;
	[tilespmem:$0x10000] =	vst v63  }
0x72: {  	s23 =	rddreg [dreg:$0x6]  }
0x73: {  	[tilespmem:s7], [sflag:$0x2] =	stream.linear.gather [hbm4b:s23+s21], $0x4000, $0x38;
	[tilespmem:$0x10000] =	vst v63  }
0x74: {  	s24 =	simm.s32 $0x20;
	s19 =	simm.s32 $0x10;
	_ =	swait.ge [sflag:s8], $0x4000  }
0x75: {  	s25 =	simm.s32 $0x0;
	s18 =	simm.s32 $0x0;
	[sflag:s8] =	ssyncset.done $0x0  }
0x76: {  	s15 =	sand.u32 $0x3F00, s21;
	s17 =	sand.u32 $0xC0, s25;
	[sflag:s8] =	ssyncadd.s32 $0xFFFFC000  }
0x77: {  	s16 =	sand.u32 $0xE0, s24;
	s18 =	sand.u32 $0x1, s18;
	_ =	swait.ge [sflag:s12], $0x4000  }
0x78: {  	s17 =	sor.u32 s17, s15;
	s16 =	sor.u32 s16, s15;
	[sflag:s12] =	ssyncset.done $0x0  }
0x79: {  	s20 =	sor.u32 s18, s17;
	s17 =	simm.s32 $0x60;
	[sflag:s12] =	ssyncadd.s32 $0xFFFFC000  }
0x7a: {  	s15 =	simm.s32 $0x2;
	s25 =	sand.u32 $0xE0, s17;
	v3 =	vor.u32 s20, v0;
	s21 =	sor.u32 s18, s16;
	v2 =	vld [tilespmem:s19+$0xFFFFFFF0]  }
0x7b: {  	s22 =	simm.s32 $0x0;
	s23 =	simm.s32 $0x40;
	s18 =	simm.s32 $0x20;
	v1 =	vor.u32 s21, v0;
	v4 =	vld [tilespmem:s19+$0x0]  }
0x7c: {  	s16 =	simm.s32 $0x30;
	s24 =	sand.u32 $0x3F00, s18;
	s23 =	sand.u32 $0xC0, s23  }
0x7d: {  	s21 =	sor.u32 s23, s24;
	s20 =	sor.u32 s25, s24;
	s19 =	sand.u32 $0x1, s22  }
.LBB2_6:
0x7e: {  	s15 =	sadd.s32 $0x2, s15  }
0x7f: {  	s21 =	sor.u32 s19, s21;
	v5 =	vld [tilespmem:s16+$0x0];
	s19 =	sor.u32 s19, s20;
	[tilespmem:v3+s9+$0x0] =	vst.idx.msk $0xffff, v2;
	p0 =	slt.u32 s15, $0x3FE  }
.Ltmp2:
0x80: {  	s20 =	sshrl.u32 s15, $0x3;
	v2 =	vld [tilespmem:s16+$0xFFFFFFF0];
	v3 =	vor.u32 s21, v0;
	[tilespmem:v1+s9+$0x0] =	vst.idx.msk $0xffff, v4;
	v1 =	vor.u32 s19, v0;
	(pc) =	sbr.rel @p0 .LBB2_6-.Ltmp2, $4  }
0x81: {  	s17 =	sadd.s32 $0x40, s17  }
0x82: {  	s18 =	sadd.s32 $0x20, s18;
	s19 =	sadd.s32 $0xFFFFFFE0, s17;
	s16 =	sadd.s32 $0x20, s16  }
0x83: {  	s22 =	sand.u32 $0x3F00, s18;
	s23 =	sand.u32 $0xE0, s17;
	s21 =	sand.u32 $0xC0, s19  }
0x84: {  	s19 =	sand.u32 $0x1, s20;
	s20 =	sor.u32 s23, s22;
	s21 =	sor.u32 s21, s22;
	v4 =	vmov v5  }
0x85: {  	s15 =	sor.u32 s19, s21  }
0x86: {  	s17 =	sor.u32 s19, s20;
	v5 =	vld [tilespmem:s16+$0xFFFFFFF0];
	v6 =	vor.u32 s15, v0  }
0x87: {  	v7 =	vld [tilespmem:s16+$0x0];
	v8 =	vor.u32 s17, v0;
	_ =	sdelay $0x1  }
0x88: {  	[tilespmem:v3+s9+$0x0] =	vst.idx.msk $0xffff, v2  }
0x89: {  	[tilespmem:v1+s9+$0x0] =	vst.idx.msk $0xffff, v4  }
0x8a: {  	[tilespmem:v6+s9+$0x0] =	vst.idx.msk $0xffff, v5  }
0x8b: {  	[tilespmem:v8+s9+$0x0] =	vst.idx.msk $0xffff, v7  }
0x8c: {  	s21 =	simm.s32 $0x0;
	s22 =	rddreg [dreg:$0x7]  }
0x8d: {  	[hbm4b:s22+s21] =	stream.linear.scatter [tilespmem:s9], [sflag:$0x3], $0x4000, $0x38;
	[tilespmem:$0x10000] =	vst v63  }
0x8e: {  	s23 =	rddreg [dreg:$0x8]  }
0x8f: {  	[tilespmem:s21], [sflag:$0x1] =	stream.linear.gather [hbm4b:s23+s21], $0x4000, $0x38;
	[tilespmem:$0x10000] =	vst v63  }
0x90: {  	s24 =	simm.s32 $0x20;
	s19 =	simm.s32 $0x4010;
	_ =	swait.ge [sflag:s10], $0x4000  }
0x91: {  	s25 =	simm.s32 $0x0;
	s18 =	simm.s32 $0x0;
	[sflag:s10] =	ssyncset.done $0x0  }
0x92: {  	s15 =	sand.u32 $0x3F00, s21;
	s17 =	sand.u32 $0xC0, s25;
	[sflag:s10] =	ssyncadd.s32 $0xFFFFC000  }
0x93: {  	s16 =	sand.u32 $0xE0, s24;
	s18 =	sand.u32 $0x1, s18;
	_ =	swait.ge [sflag:s13], $0x4000  }
0x94: {  	s17 =	sor.u32 s17, s15;
	s16 =	sor.u32 s16, s15;
	[sflag:s13] =	ssyncset.done $0x0  }
0x95: {  	s20 =	sor.u32 s18, s17;
	s17 =	simm.s32 $0x60;
	[sflag:s13] =	ssyncadd.s32 $0xFFFFC000  }
0x96: {  	s15 =	simm.s32 $0x2;
	s25 =	sand.u32 $0xE0, s17;
	v3 =	vor.u32 s20, v0;
	s21 =	sor.u32 s18, s16;
	v2 =	vld [tilespmem:s19+$0xFFFFFFF0]  }
0x97: {  	s22 =	simm.s32 $0x0;
	s23 =	simm.s32 $0x40;
	s18 =	simm.s32 $0x20;
	v1 =	vor.u32 s21, v0;
	v4 =	vld [tilespmem:s19+$0x0]  }
0x98: {  	s16 =	simm.s32 $0x4030;
	s24 =	sand.u32 $0x3F00, s18;
	s23 =	sand.u32 $0xC0, s23  }
0x99: {  	s21 =	sor.u32 s23, s24;
	s20 =	sor.u32 s25, s24;
	s19 =	sand.u32 $0x1, s22  }
.LBB2_8:
0x9a: {  	s15 =	sadd.s32 $0x2, s15  }
0x9b: {  	s21 =	sor.u32 s19, s21;
	v5 =	vld [tilespmem:s16+$0x0];
	s19 =	sor.u32 s19, s20;
	[tilespmem:v3+s11+$0x0] =	vst.idx.msk $0xffff, v2;
	p0 =	slt.u32 s15, $0x3FE  }
.Ltmp3:
0x9c: {  	s20 =	sshrl.u32 s15, $0x3;
	v2 =	vld [tilespmem:s16+$0xFFFFFFF0];
	v3 =	vor.u32 s21, v0;
	[tilespmem:v1+s11+$0x0] =	vst.idx.msk $0xffff, v4;
	v1 =	vor.u32 s19, v0;
	(pc) =	sbr.rel @p0 .LBB2_8-.Ltmp3, $4  }
0x9d: {  	s17 =	sadd.s32 $0x40, s17  }
0x9e: {  	s18 =	sadd.s32 $0x20, s18;
	s19 =	sadd.s32 $0xFFFFFFE0, s17;
	s16 =	sadd.s32 $0x20, s16  }
0x9f: {  	s22 =	sand.u32 $0x3F00, s18;
	s23 =	sand.u32 $0xE0, s17;
	s21 =	sand.u32 $0xC0, s19  }
0xa0: {  	s19 =	sand.u32 $0x1, s20;
	s20 =	sor.u32 s23, s22;
	s21 =	sor.u32 s21, s22;
	v4 =	vmov v5  }
0xa1: {  	s15 =	sor.u32 s19, s21  }
0xa2: {  	s17 =	sor.u32 s19, s20;
	v5 =	vld [tilespmem:s16+$0xFFFFFFF0];
	v6 =	vor.u32 s15, v0  }
0xa3: {  	v7 =	vld [tilespmem:s16+$0x0];
	v8 =	vor.u32 s17, v0;
	_ =	sdelay $0x1  }
0xa4: {  	[tilespmem:v3+s11+$0x0] =	vst.idx.msk $0xffff, v2  }
0xa5: {  	[tilespmem:v1+s11+$0x0] =	vst.idx.msk $0xffff, v4  }
0xa6: {  	[tilespmem:v6+s11+$0x0] =	vst.idx.msk $0xffff, v5  }
0xa7: {  	[tilespmem:v8+s11+$0x0] =	vst.idx.msk $0xffff, v7  }
0xa8: {  	s21 =	simm.s32 $0x0;
	s22 =	rddreg [dreg:$0x9]  }
0xa9: {  	[hbm4b:s22+s21] =	stream.linear.scatter [tilespmem:s11], [sflag:$0x4], $0x4000, $0x38;
	[tilespmem:$0x10000] =	vst v63  }
0xaa: {  	s23 =	rddreg [dreg:$0xa]  }
0xab: {  	[tilespmem:s7], [sflag:$0x2] =	stream.linear.gather [hbm4b:s23+s21], $0x4000, $0x38;
	[tilespmem:$0x10000] =	vst v63  }
0xac: {  	s24 =	simm.s32 $0x20;
	s19 =	simm.s32 $0x10;
	_ =	swait.ge [sflag:s8], $0x4000  }
0xad: {  	s25 =	simm.s32 $0x0;
	s18 =	simm.s32 $0x0;
	[sflag:s8] =	ssyncset.done $0x0  }
0xae: {  	s15 =	sand.u32 $0x3F00, s21;
	s17 =	sand.u32 $0xC0, s25;
	[sflag:s8] =	ssyncadd.s32 $0xFFFFC000  }
0xaf: {  	s16 =	sand.u32 $0xE0, s24;
	s18 =	sand.u32 $0x1, s18;
	_ =	swait.ge [sflag:s12], $0x4000  }
0xb0: {  	s17 =	sor.u32 s17, s15;
	s16 =	sor.u32 s16, s15;
	[sflag:s12] =	ssyncset.done $0x0  }
0xb1: {  	s20 =	sor.u32 s18, s17;
	s17 =	simm.s32 $0x60;
	[sflag:s12] =	ssyncadd.s32 $0xFFFFC000  }
0xb2: {  	s15 =	simm.s32 $0x2;
	s25 =	sand.u32 $0xE0, s17;
	v3 =	vor.u32 s20, v0;
	s21 =	sor.u32 s18, s16;
	v2 =	vld [tilespmem:s19+$0xFFFFFFF0]  }
0xb3: {  	s22 =	simm.s32 $0x0;
	s23 =	simm.s32 $0x40;
	s18 =	simm.s32 $0x20;
	v1 =	vor.u32 s21, v0;
	v4 =	vld [tilespmem:s19+$0x0]  }
0xb4: {  	s16 =	simm.s32 $0x30;
	s24 =	sand.u32 $0x3F00, s18;
	s23 =	sand.u32 $0xC0, s23  }
0xb5: {  	s21 =	sor.u32 s23, s24;
	s20 =	sor.u32 s25, s24;
	s19 =	sand.u32 $0x1, s22  }
.LBB2_10:
0xb6: {  	s15 =	sadd.s32 $0x2, s15  }
0xb7: {  	s21 =	sor.u32 s19, s21;
	v5 =	vld [tilespmem:s16+$0x0];
	s19 =	sor.u32 s19, s20;
	[tilespmem:v3+s9+$0x0] =	vst.idx.msk $0xffff, v2;
	p0 =	slt.u32 s15, $0x3FE  }
.Ltmp4:
0xb8: {  	s20 =	sshrl.u32 s15, $0x3;
	v2 =	vld [tilespmem:s16+$0xFFFFFFF0];
	v3 =	vor.u32 s21, v0;
	[tilespmem:v1+s9+$0x0] =	vst.idx.msk $0xffff, v4;
	v1 =	vor.u32 s19, v0;
	(pc) =	sbr.rel @p0 .LBB2_10-.Ltmp4, $4  }
0xb9: {  	s17 =	sadd.s32 $0x40, s17  }
0xba: {  	s18 =	sadd.s32 $0x20, s18;
	s19 =	sadd.s32 $0xFFFFFFE0, s17;
	s16 =	sadd.s32 $0x20, s16  }
0xbb: {  	s22 =	sand.u32 $0x3F00, s18;
	s23 =	sand.u32 $0xE0, s17;
	s21 =	sand.u32 $0xC0, s19  }
0xbc: {  	s19 =	sand.u32 $0x1, s20;
	s20 =	sor.u32 s23, s22;
	s21 =	sor.u32 s21, s22;
	v4 =	vmov v5  }
0xbd: {  	s15 =	sor.u32 s19, s21  }
0xbe: {  	s17 =	sor.u32 s19, s20;
	v5 =	vld [tilespmem:s16+$0xFFFFFFF0];
	v6 =	vor.u32 s15, v0  }
0xbf: {  	v7 =	vld [tilespmem:s16+$0x0];
	v8 =	vor.u32 s17, v0;
	_ =	sdelay $0x1  }
0xc0: {  	[tilespmem:v3+s9+$0x0] =	vst.idx.msk $0xffff, v2  }
0xc1: {  	[tilespmem:v1+s9+$0x0] =	vst.idx.msk $0xffff, v4  }
0xc2: {  	[tilespmem:v6+s9+$0x0] =	vst.idx.msk $0xffff, v5  }
0xc3: {  	[tilespmem:v8+s9+$0x0] =	vst.idx.msk $0xffff, v7  }
0xc4: {  	s21 =	simm.s32 $0x0;
	s22 =	rddreg [dreg:$0xb]  }
0xc5: {  	[hbm4b:s22+s21] =	stream.linear.scatter [tilespmem:s9], [sflag:$0x3], $0x4000, $0x38;
	[tilespmem:$0x10000] =	vst v63  }
0xc6: {  	s23 =	rddreg [dreg:$0xc]  }
0xc7: {  	[tilespmem:s21], [sflag:$0x1] =	stream.linear.gather [hbm4b:s23+s21], $0x4000, $0x38;
	[tilespmem:$0x10000] =	vst v63  }
0xc8: {  	s24 =	simm.s32 $0x20;
	s19 =	simm.s32 $0x4010;
	_ =	swait.ge [sflag:s10], $0x4000  }
0xc9: {  	s25 =	simm.s32 $0x0;
	s18 =	simm.s32 $0x0;
	[sflag:s10] =	ssyncset.done $0x0  }
0xca: {  	s15 =	sand.u32 $0x3F00, s21;
	s17 =	sand.u32 $0xC0, s25;
	[sflag:s10] =	ssyncadd.s32 $0xFFFFC000  }
0xcb: {  	s16 =	sand.u32 $0xE0, s24;
	s18 =	sand.u32 $0x1, s18;
	_ =	swait.ge [sflag:s13], $0x4000  }
0xcc: {  	s17 =	sor.u32 s17, s15;
	s16 =	sor.u32 s16, s15;
	[sflag:s13] =	ssyncset.done $0x0  }
0xcd: {  	s20 =	sor.u32 s18, s17;
	s17 =	simm.s32 $0x60;
	[sflag:s13] =	ssyncadd.s32 $0xFFFFC000  }
0xce: {  	s15 =	simm.s32 $0x2;
	s25 =	sand.u32 $0xE0, s17;
	v3 =	vor.u32 s20, v0;
	s21 =	sor.u32 s18, s16;
	v2 =	vld [tilespmem:s19+$0xFFFFFFF0]  }
0xcf: {  	s22 =	simm.s32 $0x0;
	s23 =	simm.s32 $0x40;
	s18 =	simm.s32 $0x20;
	v1 =	vor.u32 s21, v0;
	v4 =	vld [tilespmem:s19+$0x0]  }
0xd0: {  	s16 =	simm.s32 $0x4030;
	s24 =	sand.u32 $0x3F00, s18;
	s23 =	sand.u32 $0xC0, s23  }
0xd1: {  	s21 =	sor.u32 s23, s24;
	s20 =	sor.u32 s25, s24;
	s19 =	sand.u32 $0x1, s22  }
.LBB2_12:
0xd2: {  	s15 =	sadd.s32 $0x2, s15  }
0xd3: {  	s21 =	sor.u32 s19, s21;
	v5 =	vld [tilespmem:s16+$0x0];
	s19 =	sor.u32 s19, s20;
	[tilespmem:v3+s11+$0x0] =	vst.idx.msk $0xffff, v2;
	p0 =	slt.u32 s15, $0x3FE  }
.Ltmp5:
0xd4: {  	s20 =	sshrl.u32 s15, $0x3;
	v2 =	vld [tilespmem:s16+$0xFFFFFFF0];
	v3 =	vor.u32 s21, v0;
	[tilespmem:v1+s11+$0x0] =	vst.idx.msk $0xffff, v4;
	v1 =	vor.u32 s19, v0;
	(pc) =	sbr.rel @p0 .LBB2_12-.Ltmp5, $4  }
0xd5: {  	s17 =	sadd.s32 $0x40, s17  }
0xd6: {  	s18 =	sadd.s32 $0x20, s18;
	s19 =	sadd.s32 $0xFFFFFFE0, s17;
	s16 =	sadd.s32 $0x20, s16  }
0xd7: {  	s22 =	sand.u32 $0x3F00, s18;
	s23 =	sand.u32 $0xE0, s17;
	s21 =	sand.u32 $0xC0, s19  }
0xd8: {  	s19 =	sand.u32 $0x1, s20;
	s20 =	sor.u32 s23, s22;
	s21 =	sor.u32 s21, s22;
	v4 =	vmov v5  }
0xd9: {  	s15 =	sor.u32 s19, s21  }
0xda: {  	s17 =	sor.u32 s19, s20;
	v5 =	vld [tilespmem:s16+$0xFFFFFFF0];
	v6 =	vor.u32 s15, v0  }
0xdb: {  	v7 =	vld [tilespmem:s16+$0x0];
	v8 =	vor.u32 s17, v0;
	_ =	sdelay $0x1  }
0xdc: {  	[tilespmem:v3+s11+$0x0] =	vst.idx.msk $0xffff, v2  }
0xdd: {  	[tilespmem:v1+s11+$0x0] =	vst.idx.msk $0xffff, v4  }
0xde: {  	[tilespmem:v6+s11+$0x0] =	vst.idx.msk $0xffff, v5  }
0xdf: {  	[tilespmem:v8+s11+$0x0] =	vst.idx.msk $0xffff, v7  }
0xe0: {  	s21 =	simm.s32 $0x0;
	s22 =	rddreg [dreg:$0xd]  }
0xe1: {  	[hbm4b:s22+s21] =	stream.linear.scatter [tilespmem:s11], [sflag:$0x4], $0x4000, $0x38;
	[tilespmem:$0x10000] =	vst v63  }
0xe2: {  	s23 =	rddreg [dreg:$0xe]  }
0xe3: {  	[tilespmem:s7], [sflag:$0x2] =	stream.linear.gather [hbm4b:s23+s21], $0x4000, $0x38;
	[tilespmem:$0x10000] =	vst v63  }
0xe4: {  	s24 =	simm.s32 $0x20;
	s19 =	simm.s32 $0x10;
	_ =	swait.ge [sflag:s8], $0x4000  }
0xe5: {  	s25 =	simm.s32 $0x0;
	s18 =	simm.s32 $0x0;
	[sflag:s8] =	ssyncset.done $0x0  }
0xe6: {  	s15 =	sand.u32 $0x3F00, s21;
	s17 =	sand.u32 $0xC0, s25;
	[sflag:s8] =	ssyncadd.s32 $0xFFFFC000  }
0xe7: {  	s16 =	sand.u32 $0xE0, s24;
	s18 =	sand.u32 $0x1, s18;
	_ =	swait.ge [sflag:s12], $0x4000  }
0xe8: {  	s17 =	sor.u32 s17, s15;
	s16 =	sor.u32 s16, s15;
	[sflag:s12] =	ssyncset.done $0x0  }
0xe9: {  	s20 =	sor.u32 s18, s17;
	s17 =	simm.s32 $0x60;
	[sflag:s12] =	ssyncadd.s32 $0xFFFFC000  }
0xea: {  	s15 =	simm.s32 $0x2;
	s25 =	sand.u32 $0xE0, s17;
	v3 =	vor.u32 s20, v0;
	s21 =	sor.u32 s18, s16;
	v2 =	vld [tilespmem:s19+$0xFFFFFFF0]  }
0xeb: {  	s22 =	simm.s32 $0x0;
	s23 =	simm.s32 $0x40;
	s18 =	simm.s32 $0x20;
	v1 =	vor.u32 s21, v0;
	v4 =	vld [tilespmem:s19+$0x0]  }
0xec: {  	s16 =	simm.s32 $0x30;
	s24 =	sand.u32 $0x3F00, s18;
	s23 =	sand.u32 $0xC0, s23  }
0xed: {  	s21 =	sor.u32 s23, s24;
	s20 =	sor.u32 s25, s24;
	s19 =	sand.u32 $0x1, s22  }
.LBB2_14:
0xee: {  	s15 =	sadd.s32 $0x2, s15  }
0xef: {  	s21 =	sor.u32 s19, s21;
	v5 =	vld [tilespmem:s16+$0x0];
	s19 =	sor.u32 s19, s20;
	[tilespmem:v3+s9+$0x0] =	vst.idx.msk $0xffff, v2;
	p0 =	slt.u32 s15, $0x3FE  }
.Ltmp6:
0xf0: {  	s20 =	sshrl.u32 s15, $0x3;
	v2 =	vld [tilespmem:s16+$0xFFFFFFF0];
	v3 =	vor.u32 s21, v0;
	[tilespmem:v1+s9+$0x0] =	vst.idx.msk $0xffff, v4;
	v1 =	vor.u32 s19, v0;
	(pc) =	sbr.rel @p0 .LBB2_14-.Ltmp6, $4  }
0xf1: {  	s17 =	sadd.s32 $0x40, s17  }
0xf2: {  	s18 =	sadd.s32 $0x20, s18;
	s19 =	sadd.s32 $0xFFFFFFE0, s17;
	s16 =	sadd.s32 $0x20, s16  }
0xf3: {  	s22 =	sand.u32 $0x3F00, s18;
	s23 =	sand.u32 $0xE0, s17;
	s21 =	sand.u32 $0xC0, s19  }
0xf4: {  	s19 =	sand.u32 $0x1, s20;
	s20 =	sor.u32 s23, s22;
	s21 =	sor.u32 s21, s22;
	v4 =	vmov v5  }
0xf5: {  	s15 =	sor.u32 s19, s21  }
0xf6: {  	s17 =	sor.u32 s19, s20;
	v5 =	vld [tilespmem:s16+$0xFFFFFFF0];
	v6 =	vor.u32 s15, v0  }
0xf7: {  	v7 =	vld [tilespmem:s16+$0x0];
	v8 =	vor.u32 s17, v0;
	_ =	sdelay $0x1  }
0xf8: {  	[tilespmem:v3+s9+$0x0] =	vst.idx.msk $0xffff, v2  }
0xf9: {  	[tilespmem:v1+s9+$0x0] =	vst.idx.msk $0xffff, v4  }
0xfa: {  	[tilespmem:v6+s9+$0x0] =	vst.idx.msk $0xffff, v5  }
0xfb: {  	[tilespmem:v8+s9+$0x0] =	vst.idx.msk $0xffff, v7  }
0xfc: {  	s21 =	simm.s32 $0x0;
	s22 =	rddreg [dreg:$0xf]  }
0xfd: {  	[hbm4b:s22+s21] =	stream.linear.scatter [tilespmem:s9], [sflag:$0x3], $0x4000, $0x38;
	[tilespmem:$0x10000] =	vst v63  }
0xfe: {  	s23 =	rddreg [dreg:$0x10]  }
0xff: {  	[tilespmem:s21], [sflag:$0x1] =	stream.linear.gather [hbm4b:s23+s21], $0x4000, $0x38;
	[tilespmem:$0x10000] =	vst v63  }
0x100: {  	s24 =	simm.s32 $0x20;
	s19 =	simm.s32 $0x4010;
	_ =	swait.ge [sflag:s10], $0x4000  }
0x101: {  	s25 =	simm.s32 $0x0;
	s18 =	simm.s32 $0x0;
	[sflag:s10] =	ssyncset.done $0x0  }
0x102: {  	s15 =	sand.u32 $0x3F00, s21;
	s17 =	sand.u32 $0xC0, s25;
	[sflag:s10] =	ssyncadd.s32 $0xFFFFC000  }
0x103: {  	s16 =	sand.u32 $0xE0, s24;
	s18 =	sand.u32 $0x1, s18;
	_ =	swait.ge [sflag:s13], $0x4000  }
0x104: {  	s17 =	sor.u32 s17, s15;
	s16 =	sor.u32 s16, s15;
	[sflag:s13] =	ssyncset.done $0x0  }
0x105: {  	s20 =	sor.u32 s18, s17;
	s17 =	simm.s32 $0x60;
	[sflag:s13] =	ssyncadd.s32 $0xFFFFC000  }
0x106: {  	s15 =	simm.s32 $0x2;
	s25 =	sand.u32 $0xE0, s17;
	v3 =	vor.u32 s20, v0;
	s21 =	sor.u32 s18, s16;
	v2 =	vld [tilespmem:s19+$0xFFFFFFF0]  }
0x107: {  	s22 =	simm.s32 $0x0;
	s23 =	simm.s32 $0x40;
	s18 =	simm.s32 $0x20;
	v1 =	vor.u32 s21, v0;
	v4 =	vld [tilespmem:s19+$0x0]  }
0x108: {  	s16 =	simm.s32 $0x4030;
	s24 =	sand.u32 $0x3F00, s18;
	s23 =	sand.u32 $0xC0, s23  }
0x109: {  	s21 =	sor.u32 s23, s24;
	s20 =	sor.u32 s25, s24;
	s19 =	sand.u32 $0x1, s22  }
.LBB2_16:
0x10a: {  	s15 =	sadd.s32 $0x2, s15  }
0x10b: {  	s21 =	sor.u32 s19, s21;
	v5 =	vld [tilespmem:s16+$0x0];
	s19 =	sor.u32 s19, s20;
	[tilespmem:v3+s11+$0x0] =	vst.idx.msk $0xffff, v2;
	p0 =	slt.u32 s15, $0x3FE  }
.Ltmp7:
0x10c: {  	s20 =	sshrl.u32 s15, $0x3;
	v2 =	vld [tilespmem:s16+$0xFFFFFFF0];
	v3 =	vor.u32 s21, v0;
	[tilespmem:v1+s11+$0x0] =	vst.idx.msk $0xffff, v4;
	v1 =	vor.u32 s19, v0;
	(pc) =	sbr.rel @p0 .LBB2_16-.Ltmp7, $4  }
0x10d: {  	s17 =	sadd.s32 $0x40, s17  }
0x10e: {  	s18 =	sadd.s32 $0x20, s18;
	s19 =	sadd.s32 $0xFFFFFFE0, s17;
	s16 =	sadd.s32 $0x20, s16  }
0x10f: {  	s22 =	sand.u32 $0x3F00, s18;
	s23 =	sand.u32 $0xE0, s17;
	s21 =	sand.u32 $0xC0, s19  }
0x110: {  	s19 =	sand.u32 $0x1, s20;
	s20 =	sor.u32 s23, s22;
	s21 =	sor.u32 s21, s22;
	v4 =	vmov v5  }
0x111: {  	s15 =	sor.u32 s19, s21  }
0x112: {  	s17 =	sor.u32 s19, s20;
	v5 =	vld [tilespmem:s16+$0xFFFFFFF0];
	v6 =	vor.u32 s15, v0  }
0x113: {  	v7 =	vld [tilespmem:s16+$0x0];
	v8 =	vor.u32 s17, v0;
	_ =	sdelay $0x1  }
0x114: {  	[tilespmem:v3+s11+$0x0] =	vst.idx.msk $0xffff, v2  }
0x115: {  	[tilespmem:v1+s11+$0x0] =	vst.idx.msk $0xffff, v4  }
0x116: {  	[tilespmem:v6+s11+$0x0] =	vst.idx.msk $0xffff, v5  }
0x117: {  	[tilespmem:v8+s11+$0x0] =	vst.idx.msk $0xffff, v7  }
0x118: {  	s21 =	simm.s32 $0x0;
	s22 =	rddreg [dreg:$0x11]  }
0x119: {  	[hbm4b:s22+s21] =	stream.linear.scatter [tilespmem:s11], [sflag:$0x4], $0x4000, $0x38;
	[tilespmem:$0x10000] =	vst v63  }
0x11a: {  	s23 =	rddreg [dreg:$0x12]  }
0x11b: {  	[tilespmem:s7], [sflag:$0x2] =	stream.linear.gather [hbm4b:s23+s21], $0x4000, $0x38;
	[tilespmem:$0x10000] =	vst v63  }
0x11c: {  	s24 =	simm.s32 $0x20;
	s19 =	simm.s32 $0x10;
	_ =	swait.ge [sflag:s8], $0x4000  }
0x11d: {  	s25 =	simm.s32 $0x0;
	s18 =	simm.s32 $0x0;
	[sflag:s8] =	ssyncset.done $0x0  }
0x11e: {  	s15 =	sand.u32 $0x3F00, s21;
	s17 =	sand.u32 $0xC0, s25;
	[sflag:s8] =	ssyncadd.s32 $0xFFFFC000  }
0x11f: {  	s16 =	sand.u32 $0xE0, s24;
	s18 =	sand.u32 $0x1, s18;
	_ =	swait.ge [sflag:s12], $0x4000  }
0x120: {  	s17 =	sor.u32 s17, s15;
	s16 =	sor.u32 s16, s15;
	[sflag:s12] =	ssyncset.done $0x0  }
0x121: {  	s20 =	sor.u32 s18, s17;
	s17 =	simm.s32 $0x60;
	[sflag:s12] =	ssyncadd.s32 $0xFFFFC000  }
0x122: {  	s15 =	simm.s32 $0x2;
	s25 =	sand.u32 $0xE0, s17;
	v3 =	vor.u32 s20, v0;
	s21 =	sor.u32 s18, s16;
	v2 =	vld [tilespmem:s19+$0xFFFFFFF0]  }
0x123: {  	s22 =	simm.s32 $0x0;
	s23 =	simm.s32 $0x40;
	s18 =	simm.s32 $0x20;
	v1 =	vor.u32 s21, v0;
	v4 =	vld [tilespmem:s19+$0x0]  }
0x124: {  	s16 =	simm.s32 $0x30;
	s24 =	sand.u32 $0x3F00, s18;
	s23 =	sand.u32 $0xC0, s23  }
0x125: {  	s21 =	sor.u32 s23, s24;
	s20 =	sor.u32 s25, s24;
	s19 =	sand.u32 $0x1, s22  }
.LBB2_18:
0x126: {  	s15 =	sadd.s32 $0x2, s15  }
0x127: {  	s21 =	sor.u32 s19, s21;
	v5 =	vld [tilespmem:s16+$0x0];
	s19 =	sor.u32 s19, s20;
	[tilespmem:v3+s9+$0x0] =	vst.idx.msk $0xffff, v2;
	p0 =	slt.u32 s15, $0x3FE  }
.Ltmp8:
0x128: {  	s20 =	sshrl.u32 s15, $0x3;
	v2 =	vld [tilespmem:s16+$0xFFFFFFF0];
	v3 =	vor.u32 s21, v0;
	[tilespmem:v1+s9+$0x0] =	vst.idx.msk $0xffff, v4;
	v1 =	vor.u32 s19, v0;
	(pc) =	sbr.rel @p0 .LBB2_18-.Ltmp8, $4  }
0x129: {  	s17 =	sadd.s32 $0x40, s17  }
0x12a: {  	s18 =	sadd.s32 $0x20, s18;
	s19 =	sadd.s32 $0xFFFFFFE0, s17;
	s16 =	sadd.s32 $0x20, s16  }
0x12b: {  	s22 =	sand.u32 $0x3F00, s18;
	s23 =	sand.u32 $0xE0, s17;
	s21 =	sand.u32 $0xC0, s19  }
0x12c: {  	s19 =	sand.u32 $0x1, s20;
	s20 =	sor.u32 s23, s22;
	s21 =	sor.u32 s21, s22;
	v4 =	vmov v5  }
0x12d: {  	s15 =	sor.u32 s19, s21  }
0x12e: {  	s17 =	sor.u32 s19, s20;
	v5 =	vld [tilespmem:s16+$0xFFFFFFF0];
	v6 =	vor.u32 s15, v0  }
0x12f: {  	v7 =	vld [tilespmem:s16+$0x0];
	v8 =	vor.u32 s17, v0;
	_ =	sdelay $0x1  }
0x130: {  	[tilespmem:v3+s9+$0x0] =	vst.idx.msk $0xffff, v2  }
0x131: {  	[tilespmem:v1+s9+$0x0] =	vst.idx.msk $0xffff, v4  }
0x132: {  	[tilespmem:v6+s9+$0x0] =	vst.idx.msk $0xffff, v5  }
0x133: {  	[tilespmem:v8+s9+$0x0] =	vst.idx.msk $0xffff, v7  }
0x134: {  	s21 =	simm.s32 $0x0;
	s22 =	rddreg [dreg:$0x13]  }
0x135: {  	[hbm4b:s22+s21] =	stream.linear.scatter [tilespmem:s9], [sflag:$0x3], $0x4000, $0x38;
	[tilespmem:$0x10000] =	vst v63  }
0x136: {  	s23 =	rddreg [dreg:$0x14]  }
0x137: {  	[tilespmem:s21], [sflag:$0x1] =	stream.linear.gather [hbm4b:s23+s21], $0x4000, $0x38;
	[tilespmem:$0x10000] =	vst v63  }
0x138: {  	s24 =	simm.s32 $0x20;
	s19 =	simm.s32 $0x4010;
	_ =	swait.ge [sflag:s10], $0x4000  }
0x139: {  	s25 =	simm.s32 $0x0;
	s18 =	simm.s32 $0x0;
	[sflag:s10] =	ssyncset.done $0x0  }
0x13a: {  	s15 =	sand.u32 $0x3F00, s21;
	s17 =	sand.u32 $0xC0, s25;
	[sflag:s10] =	ssyncadd.s32 $0xFFFFC000  }
0x13b: {  	s16 =	sand.u32 $0xE0, s24;
	s18 =	sand.u32 $0x1, s18;
	_ =	swait.ge [sflag:s13], $0x4000  }
0x13c: {  	s17 =	sor.u32 s17, s15;
	s16 =	sor.u32 s16, s15;
	[sflag:s13] =	ssyncset.done $0x0  }
0x13d: {  	s20 =	sor.u32 s18, s17;
	s17 =	simm.s32 $0x60;
	[sflag:s13] =	ssyncadd.s32 $0xFFFFC000  }
0x13e: {  	s15 =	simm.s32 $0x2;
	s25 =	sand.u32 $0xE0, s17;
	v3 =	vor.u32 s20, v0;
	s21 =	sor.u32 s18, s16;
	v2 =	vld [tilespmem:s19+$0xFFFFFFF0]  }
0x13f: {  	s22 =	simm.s32 $0x0;
	s23 =	simm.s32 $0x40;
	s18 =	simm.s32 $0x20;
	v1 =	vor.u32 s21, v0;
	v4 =	vld [tilespmem:s19+$0x0]  }
0x140: {  	s16 =	simm.s32 $0x4030;
	s24 =	sand.u32 $0x3F00, s18;
	s23 =	sand.u32 $0xC0, s23  }
0x141: {  	s21 =	sor.u32 s23, s24;
	s20 =	sor.u32 s25, s24;
	s19 =	sand.u32 $0x1, s22  }
.LBB2_20:
0x142: {  	s15 =	sadd.s32 $0x2, s15  }
0x143: {  	s21 =	sor.u32 s19, s21;
	v5 =	vld [tilespmem:s16+$0x0];
	s19 =	sor.u32 s19, s20;
	[tilespmem:v3+s11+$0x0] =	vst.idx.msk $0xffff, v2;
	p0 =	slt.u32 s15, $0x3FE  }
.Ltmp9:
0x144: {  	s20 =	sshrl.u32 s15, $0x3;
	v2 =	vld [tilespmem:s16+$0xFFFFFFF0];
	v3 =	vor.u32 s21, v0;
	[tilespmem:v1+s11+$0x0] =	vst.idx.msk $0xffff, v4;
	v1 =	vor.u32 s19, v0;
	(pc) =	sbr.rel @p0 .LBB2_20-.Ltmp9, $4  }
0x145: {  	s17 =	sadd.s32 $0x40, s17  }
0x146: {  	s18 =	sadd.s32 $0x20, s18;
	s19 =	sadd.s32 $0xFFFFFFE0, s17;
	s16 =	sadd.s32 $0x20, s16  }
0x147: {  	s22 =	sand.u32 $0x3F00, s18;
	s23 =	sand.u32 $0xE0, s17;
	s21 =	sand.u32 $0xC0, s19  }
0x148: {  	s19 =	sand.u32 $0x1, s20;
	s20 =	sor.u32 s23, s22;
	s21 =	sor.u32 s21, s22;
	v4 =	vmov v5  }
0x149: {  	s15 =	sor.u32 s19, s21  }
0x14a: {  	s17 =	sor.u32 s19, s20;
	v5 =	vld [tilespmem:s16+$0xFFFFFFF0];
	v6 =	vor.u32 s15, v0  }
0x14b: {  	v7 =	vld [tilespmem:s16+$0x0];
	v8 =	vor.u32 s17, v0;
	_ =	sdelay $0x1  }
0x14c: {  	[tilespmem:v3+s11+$0x0] =	vst.idx.msk $0xffff, v2  }
0x14d: {  	[tilespmem:v1+s11+$0x0] =	vst.idx.msk $0xffff, v4  }
0x14e: {  	[tilespmem:v6+s11+$0x0] =	vst.idx.msk $0xffff, v5  }
0x14f: {  	[tilespmem:v8+s11+$0x0] =	vst.idx.msk $0xffff, v7  }
0x150: {  	s21 =	simm.s32 $0x0;
	s22 =	rddreg [dreg:$0x15]  }
0x151: {  	[hbm4b:s22+s21] =	stream.linear.scatter [tilespmem:s11], [sflag:$0x4], $0x4000, $0x38;
	[tilespmem:$0x10000] =	vst v63  }
0x152: {  	s23 =	rddreg [dreg:$0x17]  }
0x153: {  	[tilespmem:s7], [sflag:$0x2] =	stream.linear.gather [hbm4b:s23+s21], $0x4000, $0x38;
	[tilespmem:$0x10000] =	vst v63  }
0x154: {  	s24 =	simm.s32 $0x20;
	s19 =	simm.s32 $0x10;
	_ =	swait.ge [sflag:s8], $0x4000  }
0x155: {  	s25 =	simm.s32 $0x0;
	s18 =	simm.s32 $0x0;
	[sflag:s8] =	ssyncset.done $0x0  }
0x156: {  	s15 =	sand.u32 $0x3F00, s21;
	s17 =	sand.u32 $0xC0, s25;
	[sflag:s8] =	ssyncadd.s32 $0xFFFFC000  }
0x157: {  	s16 =	sand.u32 $0xE0, s24;
	s18 =	sand.u32 $0x1, s18;
	_ =	swait.ge [sflag:s12], $0x4000  }
0x158: {  	s17 =	sor.u32 s17, s15;
	s16 =	sor.u32 s16, s15;
	[sflag:s12] =	ssyncset.done $0x0  }
0x159: {  	s20 =	sor.u32 s18, s17;
	s17 =	simm.s32 $0x60;
	[sflag:s12] =	ssyncadd.s32 $0xFFFFC000  }
0x15a: {  	s15 =	simm.s32 $0x2;
	s25 =	sand.u32 $0xE0, s17;
	v3 =	vor.u32 s20, v0;
	s21 =	sor.u32 s18, s16;
	v2 =	vld [tilespmem:s19+$0xFFFFFFF0]  }
0x15b: {  	s22 =	simm.s32 $0x0;
	s23 =	simm.s32 $0x40;
	s18 =	simm.s32 $0x20;
	v1 =	vor.u32 s21, v0;
	v4 =	vld [tilespmem:s19+$0x0]  }
0x15c: {  	s16 =	simm.s32 $0x30;
	s24 =	sand.u32 $0x3F00, s18;
	s23 =	sand.u32 $0xC0, s23  }
0x15d: {  	s21 =	sor.u32 s23, s24;
	s20 =	sor.u32 s25, s24;
	s19 =	sand.u32 $0x1, s22  }
.LBB2_22:
0x15e: {  	s15 =	sadd.s32 $0x2, s15  }
0x15f: {  	s21 =	sor.u32 s19, s21;
	v5 =	vld [tilespmem:s16+$0x0];
	s19 =	sor.u32 s19, s20;
	[tilespmem:v3+s9+$0x0] =	vst.idx.msk $0xffff, v2;
	p0 =	slt.u32 s15, $0x3FE  }
.Ltmp10:
0x160: {  	s20 =	sshrl.u32 s15, $0x3;
	v2 =	vld [tilespmem:s16+$0xFFFFFFF0];
	v3 =	vor.u32 s21, v0;
	[tilespmem:v1+s9+$0x0] =	vst.idx.msk $0xffff, v4;
	v1 =	vor.u32 s19, v0;
	(pc) =	sbr.rel @p0 .LBB2_22-.Ltmp10, $4  }
0x161: {  	s17 =	sadd.s32 $0x40, s17  }
0x162: {  	s18 =	sadd.s32 $0x20, s18;
	s19 =	sadd.s32 $0xFFFFFFE0, s17;
	s16 =	sadd.s32 $0x20, s16  }
0x163: {  	s22 =	sand.u32 $0x3F00, s18;
	s23 =	sand.u32 $0xE0, s17;
	s21 =	sand.u32 $0xC0, s19  }
0x164: {  	s19 =	sand.u32 $0x1, s20;
	s20 =	sor.u32 s23, s22;
	s21 =	sor.u32 s21, s22;
	v4 =	vmov v5  }
0x165: {  	s15 =	sor.u32 s19, s21  }
0x166: {  	s17 =	sor.u32 s19, s20;
	v5 =	vld [tilespmem:s16+$0xFFFFFFF0];
	v6 =	vor.u32 s15, v0  }
0x167: {  	v7 =	vld [tilespmem:s16+$0x0];
	v8 =	vor.u32 s17, v0;
	_ =	sdelay $0x1  }
0x168: {  	[tilespmem:v3+s9+$0x0] =	vst.idx.msk $0xffff, v2  }
0x169: {  	[tilespmem:v1+s9+$0x0] =	vst.idx.msk $0xffff, v4  }
0x16a: {  	[tilespmem:v6+s9+$0x0] =	vst.idx.msk $0xffff, v5  }
0x16b: {  	[tilespmem:v8+s9+$0x0] =	vst.idx.msk $0xffff, v7  }
0x16c: {  	s21 =	simm.s32 $0x0;
	s22 =	rddreg [dreg:$0x16]  }
0x16d: {  	[hbm4b:s22+s21] =	stream.linear.scatter [tilespmem:s9], [sflag:$0x3], $0x4000, $0x38;
	[tilespmem:$0x10000] =	vst v63  }
0x16e: {  	s23 =	rddreg [dreg:$0x19]  }
0x16f: {  	[tilespmem:s21], [sflag:$0x1] =	stream.linear.gather [hbm4b:s23+s21], $0x4000, $0x38;
	[tilespmem:$0x10000] =	vst v63  }
0x170: {  	s24 =	simm.s32 $0x20;
	s19 =	simm.s32 $0x4010;
	_ =	swait.ge [sflag:s10], $0x4000  }
0x171: {  	s25 =	simm.s32 $0x0;
	s18 =	simm.s32 $0x0;
	[sflag:s10] =	ssyncset.done $0x0  }
0x172: {  	s15 =	sand.u32 $0x3F00, s21;
	s17 =	sand.u32 $0xC0, s25;
	[sflag:s10] =	ssyncadd.s32 $0xFFFFC000  }
0x173: {  	s16 =	sand.u32 $0xE0, s24;
	s18 =	sand.u32 $0x1, s18;
	_ =	swait.ge [sflag:s13], $0x4000  }
0x174: {  	s17 =	sor.u32 s17, s15;
	s16 =	sor.u32 s16, s15;
	[sflag:s13] =	ssyncset.done $0x0  }
0x175: {  	s20 =	sor.u32 s18, s17;
	s17 =	simm.s32 $0x60;
	[sflag:s13] =	ssyncadd.s32 $0xFFFFC000  }
0x176: {  	s15 =	simm.s32 $0x2;
	s25 =	sand.u32 $0xE0, s17;
	v3 =	vor.u32 s20, v0;
	s21 =	sor.u32 s18, s16;
	v2 =	vld [tilespmem:s19+$0xFFFFFFF0]  }
0x177: {  	s22 =	simm.s32 $0x0;
	s23 =	simm.s32 $0x40;
	s18 =	simm.s32 $0x20;
	v1 =	vor.u32 s21, v0;
	v4 =	vld [tilespmem:s19+$0x0]  }
0x178: {  	s16 =	simm.s32 $0x4030;
	s24 =	sand.u32 $0x3F00, s18;
	s23 =	sand.u32 $0xC0, s23  }
0x179: {  	s21 =	sor.u32 s23, s24;
	s20 =	sor.u32 s25, s24;
	s19 =	sand.u32 $0x1, s22  }
.LBB2_24:
0x17a: {  	s15 =	sadd.s32 $0x2, s15  }
0x17b: {  	s21 =	sor.u32 s19, s21;
	v5 =	vld [tilespmem:s16+$0x0];
	s19 =	sor.u32 s19, s20;
	[tilespmem:v3+s11+$0x0] =	vst.idx.msk $0xffff, v2;
	p0 =	slt.u32 s15, $0x3FE  }
.Ltmp11:
0x17c: {  	s20 =	sshrl.u32 s15, $0x3;
	v2 =	vld [tilespmem:s16+$0xFFFFFFF0];
	v3 =	vor.u32 s21, v0;
	[tilespmem:v1+s11+$0x0] =	vst.idx.msk $0xffff, v4;
	v1 =	vor.u32 s19, v0;
	(pc) =	sbr.rel @p0 .LBB2_24-.Ltmp11, $4  }
0x17d: {  	s17 =	sadd.s32 $0x40, s17  }
0x17e: {  	s18 =	sadd.s32 $0x20, s18;
	s19 =	sadd.s32 $0xFFFFFFE0, s17;
	s16 =	sadd.s32 $0x20, s16  }
0x17f: {  	s22 =	sand.u32 $0x3F00, s18;
	s23 =	sand.u32 $0xE0, s17;
	s21 =	sand.u32 $0xC0, s19  }
0x180: {  	s19 =	sand.u32 $0x1, s20;
	s20 =	sor.u32 s23, s22;
	s21 =	sor.u32 s21, s22;
	v4 =	vmov v5  }
0x181: {  	s15 =	sor.u32 s19, s21  }
0x182: {  	s17 =	sor.u32 s19, s20;
	v5 =	vld [tilespmem:s16+$0xFFFFFFF0];
	v6 =	vor.u32 s15, v0  }
0x183: {  	v7 =	vld [tilespmem:s16+$0x0];
	v8 =	vor.u32 s17, v0;
	_ =	sdelay $0x1  }
0x184: {  	[tilespmem:v3+s11+$0x0] =	vst.idx.msk $0xffff, v2  }
0x185: {  	[tilespmem:v1+s11+$0x0] =	vst.idx.msk $0xffff, v4  }
0x186: {  	[tilespmem:v6+s11+$0x0] =	vst.idx.msk $0xffff, v5  }
0x187: {  	[tilespmem:v8+s11+$0x0] =	vst.idx.msk $0xffff, v7  }
0x188: {  	s21 =	simm.s32 $0x0;
	s22 =	rddreg [dreg:$0x18]  }
0x189: {  	[hbm4b:s22+s21] =	stream.linear.scatter [tilespmem:s11], [sflag:$0x4], $0x4000, $0x38;
	[tilespmem:$0x10000] =	vst v63  }
0x18a: {  	s23 =	rddreg [dreg:$0x1b]  }
0x18b: {  	[tilespmem:s7], [sflag:$0x2] =	stream.linear.gather [hbm4b:s23+s21], $0x4000, $0x38;
	[tilespmem:$0x10000] =	vst v63  }
0x18c: {  	s24 =	simm.s32 $0x20;
	s19 =	simm.s32 $0x10;
	_ =	swait.ge [sflag:s8], $0x4000  }
0x18d: {  	s25 =	simm.s32 $0x0;
	s18 =	simm.s32 $0x0;
	[sflag:s8] =	ssyncset.done $0x0  }
0x18e: {  	s15 =	sand.u32 $0x3F00, s21;
	s17 =	sand.u32 $0xC0, s25;
	[sflag:s8] =	ssyncadd.s32 $0xFFFFC000  }
0x18f: {  	s16 =	sand.u32 $0xE0, s24;
	s18 =	sand.u32 $0x1, s18;
	_ =	swait.ge [sflag:s12], $0x4000  }
0x190: {  	s17 =	sor.u32 s17, s15;
	s16 =	sor.u32 s16, s15;
	[sflag:s12] =	ssyncset.done $0x0  }
0x191: {  	s20 =	sor.u32 s18, s17;
	s17 =	simm.s32 $0x60;
	[sflag:s12] =	ssyncadd.s32 $0xFFFFC000  }
0x192: {  	s15 =	simm.s32 $0x2;
	s25 =	sand.u32 $0xE0, s17;
	v3 =	vor.u32 s20, v0;
	s21 =	sor.u32 s18, s16;
	v2 =	vld [tilespmem:s19+$0xFFFFFFF0]  }
0x193: {  	s22 =	simm.s32 $0x0;
	s23 =	simm.s32 $0x40;
	s18 =	simm.s32 $0x20;
	v1 =	vor.u32 s21, v0;
	v4 =	vld [tilespmem:s19+$0x0]  }
0x194: {  	s16 =	simm.s32 $0x30;
	s24 =	sand.u32 $0x3F00, s18;
	s23 =	sand.u32 $0xC0, s23  }
0x195: {  	s21 =	sor.u32 s23, s24;
	s20 =	sor.u32 s25, s24;
	s19 =	sand.u32 $0x1, s22  }
.LBB2_26:
0x196: {  	s15 =	sadd.s32 $0x2, s15  }
0x197: {  	s21 =	sor.u32 s19, s21;
	v5 =	vld [tilespmem:s16+$0x0];
	s19 =	sor.u32 s19, s20;
	[tilespmem:v3+s9+$0x0] =	vst.idx.msk $0xffff, v2;
	p0 =	slt.u32 s15, $0x3FE  }
.Ltmp12:
0x198: {  	s20 =	sshrl.u32 s15, $0x3;
	v2 =	vld [tilespmem:s16+$0xFFFFFFF0];
	v3 =	vor.u32 s21, v0;
	[tilespmem:v1+s9+$0x0] =	vst.idx.msk $0xffff, v4;
	v1 =	vor.u32 s19, v0;
	(pc) =	sbr.rel @p0 .LBB2_26-.Ltmp12, $4  }
0x199: {  	s17 =	sadd.s32 $0x40, s17  }
0x19a: {  	s18 =	sadd.s32 $0x20, s18;
	s19 =	sadd.s32 $0xFFFFFFE0, s17;
	s16 =	sadd.s32 $0x20, s16  }
0x19b: {  	s22 =	sand.u32 $0x3F00, s18;
	s23 =	sand.u32 $0xE0, s17;
	s21 =	sand.u32 $0xC0, s19  }
0x19c: {  	s19 =	sand.u32 $0x1, s20;
	s20 =	sor.u32 s23, s22;
	s21 =	sor.u32 s21, s22;
	v4 =	vmov v5  }
0x19d: {  	s15 =	sor.u32 s19, s21  }
0x19e: {  	s17 =	sor.u32 s19, s20;
	v5 =	vld [tilespmem:s16+$0xFFFFFFF0];
	v6 =	vor.u32 s15, v0  }
0x19f: {  	v7 =	vld [tilespmem:s16+$0x0];
	v8 =	vor.u32 s17, v0;
	_ =	sdelay $0x1  }
0x1a0: {  	[tilespmem:v3+s9+$0x0] =	vst.idx.msk $0xffff, v2  }
0x1a1: {  	[tilespmem:v1+s9+$0x0] =	vst.idx.msk $0xffff, v4  }
0x1a2: {  	[tilespmem:v6+s9+$0x0] =	vst.idx.msk $0xffff, v5  }
0x1a3: {  	[tilespmem:v8+s9+$0x0] =	vst.idx.msk $0xffff, v7  }
0x1a4: {  	s21 =	simm.s32 $0x0;
	s22 =	rddreg [dreg:$0x1a]  }
0x1a5: {  	[hbm4b:s22+s21] =	stream.linear.scatter [tilespmem:s9], [sflag:$0x3], $0x4000, $0x38;
	[tilespmem:$0x10000] =	vst v63  }
0x1a6: {  	s23 =	rddreg [dreg:$0x1d]  }
0x1a7: {  	[tilespmem:s21], [sflag:$0x1] =	stream.linear.gather [hbm4b:s23+s21], $0x4000, $0x38;
	[tilespmem:$0x10000] =	vst v63  }
0x1a8: {  	s24 =	simm.s32 $0x20;
	s19 =	simm.s32 $0x4010;
	_ =	swait.ge [sflag:s10], $0x4000  }
0x1a9: {  	s25 =	simm.s32 $0x0;
	s18 =	simm.s32 $0x0;
	[sflag:s10] =	ssyncset.done $0x0  }
0x1aa: {  	s15 =	sand.u32 $0x3F00, s21;
	s17 =	sand.u32 $0xC0, s25;
	[sflag:s10] =	ssyncadd.s32 $0xFFFFC000  }
0x1ab: {  	s16 =	sand.u32 $0xE0, s24;
	s18 =	sand.u32 $0x1, s18;
	_ =	swait.ge [sflag:s13], $0x4000  }
0x1ac: {  	s17 =	sor.u32 s17, s15;
	s16 =	sor.u32 s16, s15;
	[sflag:s13] =	ssyncset.done $0x0  }
0x1ad: {  	s20 =	sor.u32 s18, s17;
	s17 =	simm.s32 $0x60;
	[sflag:s13] =	ssyncadd.s32 $0xFFFFC000  }
0x1ae: {  	s15 =	simm.s32 $0x2;
	s25 =	sand.u32 $0xE0, s17;
	v3 =	vor.u32 s20, v0;
	s21 =	sor.u32 s18, s16;
	v2 =	vld [tilespmem:s19+$0xFFFFFFF0]  }
0x1af: {  	s22 =	simm.s32 $0x0;
	s23 =	simm.s32 $0x40;
	s18 =	simm.s32 $0x20;
	v1 =	vor.u32 s21, v0;
	v4 =	vld [tilespmem:s19+$0x0]  }
0x1b0: {  	s16 =	simm.s32 $0x4030;
	s24 =	sand.u32 $0x3F00, s18;
	s23 =	sand.u32 $0xC0, s23  }
0x1b1: {  	s21 =	sor.u32 s23, s24;
	s20 =	sor.u32 s25, s24;
	s19 =	sand.u32 $0x1, s22  }
.LBB2_28:
0x1b2: {  	s15 =	sadd.s32 $0x2, s15  }
0x1b3: {  	s21 =	sor.u32 s19, s21;
	v5 =	vld [tilespmem:s16+$0x0];
	s19 =	sor.u32 s19, s20;
	[tilespmem:v3+s11+$0x0] =	vst.idx.msk $0xffff, v2;
	p0 =	slt.u32 s15, $0x3FE  }
.Ltmp13:
0x1b4: {  	s20 =	sshrl.u32 s15, $0x3;
	v2 =	vld [tilespmem:s16+$0xFFFFFFF0];
	v3 =	vor.u32 s21, v0;
	[tilespmem:v1+s11+$0x0] =	vst.idx.msk $0xffff, v4;
	v1 =	vor.u32 s19, v0;
	(pc) =	sbr.rel @p0 .LBB2_28-.Ltmp13, $4  }
0x1b5: {  	s17 =	sadd.s32 $0x40, s17  }
0x1b6: {  	s18 =	sadd.s32 $0x20, s18;
	s19 =	sadd.s32 $0xFFFFFFE0, s17;
	s16 =	sadd.s32 $0x20, s16  }
0x1b7: {  	s22 =	sand.u32 $0x3F00, s18;
	s23 =	sand.u32 $0xE0, s17;
	s21 =	sand.u32 $0xC0, s19  }
0x1b8: {  	s19 =	sand.u32 $0x1, s20;
	s20 =	sor.u32 s23, s22;
	s21 =	sor.u32 s21, s22;
	v4 =	vmov v5  }
0x1b9: {  	s15 =	sor.u32 s19, s21  }
0x1ba: {  	s17 =	sor.u32 s19, s20;
	v5 =	vld [tilespmem:s16+$0xFFFFFFF0];
	v6 =	vor.u32 s15, v0  }
0x1bb: {  	v7 =	vld [tilespmem:s16+$0x0];
	v8 =	vor.u32 s17, v0;
	_ =	sdelay $0x1  }
0x1bc: {  	[tilespmem:v3+s11+$0x0] =	vst.idx.msk $0xffff, v2  }
0x1bd: {  	[tilespmem:v1+s11+$0x0] =	vst.idx.msk $0xffff, v4  }
0x1be: {  	[tilespmem:v6+s11+$0x0] =	vst.idx.msk $0xffff, v5  }
0x1bf: {  	[tilespmem:v8+s11+$0x0] =	vst.idx.msk $0xffff, v7  }
0x1c0: {  	s21 =	simm.s32 $0x0;
	s22 =	rddreg [dreg:$0x1c]  }
0x1c1: {  	[hbm4b:s22+s21] =	stream.linear.scatter [tilespmem:s11], [sflag:$0x4], $0x4000, $0x38;
	[tilespmem:$0x10000] =	vst v63  }
0x1c2: {  	s23 =	rddreg [dreg:$0x1f]  }
0x1c3: {  	[tilespmem:s7], [sflag:$0x2] =	stream.linear.gather [hbm4b:s23+s21], $0x4000, $0x38;
	[tilespmem:$0x10000] =	vst v63  }
0x1c4: {  	s24 =	simm.s32 $0x20;
	s19 =	simm.s32 $0x10;
	_ =	swait.ge [sflag:s8], $0x4000  }
0x1c5: {  	s25 =	simm.s32 $0x0;
	s18 =	simm.s32 $0x0;
	[sflag:s8] =	ssyncset.done $0x0  }
0x1c6: {  	s15 =	sand.u32 $0x3F00, s21;
	s17 =	sand.u32 $0xC0, s25;
	[sflag:s8] =	ssyncadd.s32 $0xFFFFC000  }
0x1c7: {  	s16 =	sand.u32 $0xE0, s24;
	s18 =	sand.u32 $0x1, s18;
	_ =	swait.ge [sflag:s12], $0x4000  }
0x1c8: {  	s17 =	sor.u32 s17, s15;
	s16 =	sor.u32 s16, s15;
	[sflag:s12] =	ssyncset.done $0x0  }
0x1c9: {  	s20 =	sor.u32 s18, s17;
	s17 =	simm.s32 $0x60;
	[sflag:s12] =	ssyncadd.s32 $0xFFFFC000  }
0x1ca: {  	s15 =	simm.s32 $0x2;
	s25 =	sand.u32 $0xE0, s17;
	v3 =	vor.u32 s20, v0;
	s21 =	sor.u32 s18, s16;
	v2 =	vld [tilespmem:s19+$0xFFFFFFF0]  }
0x1cb: {  	s22 =	simm.s32 $0x0;
	s23 =	simm.s32 $0x40;
	s18 =	simm.s32 $0x20;
	v1 =	vor.u32 s21, v0;
	v4 =	vld [tilespmem:s19+$0x0]  }
0x1cc: {  	s16 =	simm.s32 $0x30;
	s24 =	sand.u32 $0x3F00, s18;
	s23 =	sand.u32 $0xC0, s23  }
0x1cd: {  	s21 =	sor.u32 s23, s24;
	s20 =	sor.u32 s25, s24;
	s19 =	sand.u32 $0x1, s22  }
.LBB2_30:
0x1ce: {  	s15 =	sadd.s32 $0x2, s15  }
0x1cf: {  	s21 =	sor.u32 s19, s21;
	v5 =	vld [tilespmem:s16+$0x0];
	s19 =	sor.u32 s19, s20;
	[tilespmem:v3+s9+$0x0] =	vst.idx.msk $0xffff, v2;
	p0 =	slt.u32 s15, $0x3FE  }
.Ltmp14:
0x1d0: {  	s20 =	sshrl.u32 s15, $0x3;
	v2 =	vld [tilespmem:s16+$0xFFFFFFF0];
	v3 =	vor.u32 s21, v0;
	[tilespmem:v1+s9+$0x0] =	vst.idx.msk $0xffff, v4;
	v1 =	vor.u32 s19, v0;
	(pc) =	sbr.rel @p0 .LBB2_30-.Ltmp14, $4  }
0x1d1: {  	s17 =	sadd.s32 $0x40, s17  }
0x1d2: {  	s18 =	sadd.s32 $0x20, s18;
	s19 =	sadd.s32 $0xFFFFFFE0, s17;
	s16 =	sadd.s32 $0x20, s16  }
0x1d3: {  	s22 =	sand.u32 $0x3F00, s18;
	s23 =	sand.u32 $0xE0, s17;
	s21 =	sand.u32 $0xC0, s19  }
0x1d4: {  	s19 =	sand.u32 $0x1, s20;
	s20 =	sor.u32 s23, s22;
	s21 =	sor.u32 s21, s22;
	v4 =	vmov v5  }
0x1d5: {  	s15 =	sor.u32 s19, s21  }
0x1d6: {  	s17 =	sor.u32 s19, s20;
	v5 =	vld [tilespmem:s16+$0xFFFFFFF0];
	v6 =	vor.u32 s15, v0  }
0x1d7: {  	v7 =	vld [tilespmem:s16+$0x0];
	v8 =	vor.u32 s17, v0;
	_ =	sdelay $0x1  }
0x1d8: {  	[tilespmem:v3+s9+$0x0] =	vst.idx.msk $0xffff, v2  }
0x1d9: {  	[tilespmem:v1+s9+$0x0] =	vst.idx.msk $0xffff, v4  }
0x1da: {  	[tilespmem:v6+s9+$0x0] =	vst.idx.msk $0xffff, v5  }
0x1db: {  	[tilespmem:v8+s9+$0x0] =	vst.idx.msk $0xffff, v7  }
0x1dc: {  	s22 =	rddreg [dreg:$0x1e]  }
0x1dd: {  	s21 =	simm.s32 $0x0;
	s23 =	sld [smem:$0x7E6]  }
0x1de: {  	[hbm4b:s22+s21] =	stream.linear.scatter [tilespmem:s9], [sflag:$0x3], $0x4000, $0x38;
	[tilespmem:$0x10000] =	vst v63  }
0x1df: {  	_ = 	snop  }
0x1e0: {  	[tilespmem:s21], [sflag:$0x1] =	stream.linear.gather [hbm4b:s23+s21], $0x4000, $0x38;
	[tilespmem:$0x10000] =	vst v63  }
0x1e1: {  	s24 =	simm.s32 $0x20;
	s19 =	simm.s32 $0x4010;
	_ =	swait.ge [sflag:s10], $0x4000  }
0x1e2: {  	s25 =	simm.s32 $0x0;
	s18 =	simm.s32 $0x0;
	[sflag:s10] =	ssyncset.done $0x0  }
0x1e3: {  	s15 =	sand.u32 $0x3F00, s21;
	s17 =	sand.u32 $0xC0, s25;
	[sflag:s10] =	ssyncadd.s32 $0xFFFFC000  }
0x1e4: {  	s16 =	sand.u32 $0xE0, s24;
	s18 =	sand.u32 $0x1, s18;
	_ =	swait.ge [sflag:s13], $0x4000  }
0x1e5: {  	s17 =	sor.u32 s17, s15;
	s16 =	sor.u32 s16, s15;
	[sflag:s13] =	ssyncset.done $0x0  }
0x1e6: {  	s20 =	sor.u32 s18, s17;
	s17 =	simm.s32 $0x60;
	[sflag:s13] =	ssyncadd.s32 $0xFFFFC000  }
0x1e7: {  	s15 =	simm.s32 $0x2;
	s25 =	sand.u32 $0xE0, s17;
	v3 =	vor.u32 s20, v0;
	s21 =	sor.u32 s18, s16;
	v2 =	vld [tilespmem:s19+$0xFFFFFFF0]  }
0x1e8: {  	s22 =	simm.s32 $0x0;
	s23 =	simm.s32 $0x40;
	s18 =	simm.s32 $0x20;
	v1 =	vor.u32 s21, v0;
	v4 =	vld [tilespmem:s19+$0x0]  }
0x1e9: {  	s16 =	simm.s32 $0x4030;
	s24 =	sand.u32 $0x3F00, s18;
	s23 =	sand.u32 $0xC0, s23  }
0x1ea: {  	s21 =	sor.u32 s23, s24;
	s20 =	sor.u32 s25, s24;
	s19 =	sand.u32 $0x1, s22  }
.LBB2_32:
0x1eb: {  	s15 =	sadd.s32 $0x2, s15  }
0x1ec: {  	s21 =	sor.u32 s19, s21;
	v5 =	vld [tilespmem:s16+$0x0];
	s19 =	sor.u32 s19, s20;
	[tilespmem:v3+s11+$0x0] =	vst.idx.msk $0xffff, v2;
	p0 =	slt.u32 s15, $0x3FE  }
.Ltmp15:
0x1ed: {  	s20 =	sshrl.u32 s15, $0x3;
	v2 =	vld [tilespmem:s16+$0xFFFFFFF0];
	v3 =	vor.u32 s21, v0;
	[tilespmem:v1+s11+$0x0] =	vst.idx.msk $0xffff, v4;
	v1 =	vor.u32 s19, v0;
	(pc) =	sbr.rel @p0 .LBB2_32-.Ltmp15, $4  }
0x1ee: {  	s17 =	sadd.s32 $0x40, s17  }
0x1ef: {  	s18 =	sadd.s32 $0x20, s18;
	s19 =	sadd.s32 $0xFFFFFFE0, s17;
	s16 =	sadd.s32 $0x20, s16  }
0x1f0: {  	s22 =	sand.u32 $0x3F00, s18;
	s23 =	sand.u32 $0xE0, s17;
	s21 =	sand.u32 $0xC0, s19  }
0x1f1: {  	s19 =	sand.u32 $0x1, s20;
	s20 =	sor.u32 s23, s22;
	s21 =	sor.u32 s21, s22;
	v4 =	vmov v5  }
0x1f2: {  	s15 =	sor.u32 s19, s21  }
0x1f3: {  	s17 =	sor.u32 s19, s20;
	v5 =	vld [tilespmem:s16+$0xFFFFFFF0];
	v6 =	vor.u32 s15, v0  }
0x1f4: {  	v7 =	vld [tilespmem:s16+$0x0];
	v8 =	vor.u32 s17, v0;
	_ =	sdelay $0x1  }
0x1f5: {  	[tilespmem:v3+s11+$0x0] =	vst.idx.msk $0xffff, v2  }
0x1f6: {  	[tilespmem:v1+s11+$0x0] =	vst.idx.msk $0xffff, v4  }
0x1f7: {  	[tilespmem:v6+s11+$0x0] =	vst.idx.msk $0xffff, v5  }
0x1f8: {  	[tilespmem:v8+s11+$0x0] =	vst.idx.msk $0xffff, v7  }
0x1f9: {  	s22 =	sld [smem:$0x7E5];
	_ =	sdelay $0x1  }
0x1fa: {  	s21 =	simm.s32 $0x0;
	s23 =	sld [smem:$0x7E8]  }
0x1fb: {  	[hbm4b:s22+s21] =	stream.linear.scatter [tilespmem:s11], [sflag:$0x4], $0x4000, $0x38;
	[tilespmem:$0x10000] =	vst v63  }
0x1fc: {  	_ = 	snop  }
0x1fd: {  	[tilespmem:s7], [sflag:$0x2] =	stream.linear.gather [hbm4b:s23+s21], $0x4000, $0x38;
	[tilespmem:$0x10000] =	vst v63  }
0x1fe: {  	s24 =	simm.s32 $0x20;
	s19 =	simm.s32 $0x10;
	_ =	swait.ge [sflag:s8], $0x4000  }
0x1ff: {  	s25 =	simm.s32 $0x0;
	s18 =	simm.s32 $0x0;
	[sflag:s8] =	ssyncset.done $0x0  }
0x200: {  	s15 =	sand.u32 $0x3F00, s21;
	s17 =	sand.u32 $0xC0, s25;
	[sflag:s8] =	ssyncadd.s32 $0xFFFFC000  }
0x201: {  	s16 =	sand.u32 $0xE0, s24;
	s18 =	sand.u32 $0x1, s18;
	_ =	swait.ge [sflag:s12], $0x4000  }
0x202: {  	s17 =	sor.u32 s17, s15;
	s16 =	sor.u32 s16, s15;
	[sflag:s12] =	ssyncset.done $0x0  }
0x203: {  	s20 =	sor.u32 s18, s17;
	s17 =	simm.s32 $0x60;
	[sflag:s12] =	ssyncadd.s32 $0xFFFFC000  }
0x204: {  	s15 =	simm.s32 $0x2;
	s25 =	sand.u32 $0xE0, s17;
	v3 =	vor.u32 s20, v0;
	s21 =	sor.u32 s18, s16;
	v2 =	vld [tilespmem:s19+$0xFFFFFFF0]  }
0x205: {  	s22 =	simm.s32 $0x0;
	s23 =	simm.s32 $0x40;
	s18 =	simm.s32 $0x20;
	v1 =	vor.u32 s21, v0;
	v4 =	vld [tilespmem:s19+$0x0]  }
0x206: {  	s16 =	simm.s32 $0x30;
	s24 =	sand.u32 $0x3F00, s18;
	s23 =	sand.u32 $0xC0, s23  }
0x207: {  	s21 =	sor.u32 s23, s24;
	s20 =	sor.u32 s25, s24;
	s19 =	sand.u32 $0x1, s22  }
.LBB2_34:
0x208: {  	s15 =	sadd.s32 $0x2, s15  }
0x209: {  	s21 =	sor.u32 s19, s21;
	v5 =	vld [tilespmem:s16+$0x0];
	s19 =	sor.u32 s19, s20;
	[tilespmem:v3+s9+$0x0] =	vst.idx.msk $0xffff, v2;
	p0 =	slt.u32 s15, $0x3FE  }
.Ltmp16:
0x20a: {  	s20 =	sshrl.u32 s15, $0x3;
	v2 =	vld [tilespmem:s16+$0xFFFFFFF0];
	v3 =	vor.u32 s21, v0;
	[tilespmem:v1+s9+$0x0] =	vst.idx.msk $0xffff, v4;
	v1 =	vor.u32 s19, v0;
	(pc) =	sbr.rel @p0 .LBB2_34-.Ltmp16, $4  }
0x20b: {  	s17 =	sadd.s32 $0x40, s17  }
0x20c: {  	s18 =	sadd.s32 $0x20, s18;
	s19 =	sadd.s32 $0xFFFFFFE0, s17;
	s16 =	sadd.s32 $0x20, s16  }
0x20d: {  	s22 =	sand.u32 $0x3F00, s18;
	s23 =	sand.u32 $0xE0, s17;
	s21 =	sand.u32 $0xC0, s19  }
0x20e: {  	s19 =	sand.u32 $0x1, s20;
	s20 =	sor.u32 s23, s22;
	s21 =	sor.u32 s21, s22;
	v4 =	vmov v5  }
0x20f: {  	s15 =	sor.u32 s19, s21  }
0x210: {  	s17 =	sor.u32 s19, s20;
	v5 =	vld [tilespmem:s16+$0xFFFFFFF0];
	v6 =	vor.u32 s15, v0  }
0x211: {  	v7 =	vld [tilespmem:s16+$0x0];
	v8 =	vor.u32 s17, v0;
	_ =	sdelay $0x1  }
0x212: {  	[tilespmem:v3+s9+$0x0] =	vst.idx.msk $0xffff, v2  }
0x213: {  	[tilespmem:v1+s9+$0x0] =	vst.idx.msk $0xffff, v4  }
0x214: {  	[tilespmem:v6+s9+$0x0] =	vst.idx.msk $0xffff, v5  }
0x215: {  	[tilespmem:v8+s9+$0x0] =	vst.idx.msk $0xffff, v7  }
0x216: {  	s22 =	sld [smem:$0x7E7];
	_ =	sdelay $0x1  }
0x217: {  	s21 =	simm.s32 $0x0;
	s23 =	sld [smem:$0x7EA]  }
0x218: {  	[hbm4b:s22+s21] =	stream.linear.scatter [tilespmem:s9], [sflag:$0x3], $0x4000, $0x38;
	[tilespmem:$0x10000] =	vst v63  }
0x219: {  	_ = 	snop  }
0x21a: {  	[tilespmem:s21], [sflag:$0x1] =	stream.linear.gather [hbm4b:s23+s21], $0x4000, $0x38;
	[tilespmem:$0x10000] =	vst v63  }
0x21b: {  	s24 =	simm.s32 $0x20;
	s19 =	simm.s32 $0x4010;
	_ =	swait.ge [sflag:s10], $0x4000  }
0x21c: {  	s25 =	simm.s32 $0x0;
	s18 =	simm.s32 $0x0;
	[sflag:s10] =	ssyncset.done $0x0  }
0x21d: {  	s15 =	sand.u32 $0x3F00, s21;
	s17 =	sand.u32 $0xC0, s25;
	[sflag:s10] =	ssyncadd.s32 $0xFFFFC000  }
0x21e: {  	s16 =	sand.u32 $0xE0, s24;
	s18 =	sand.u32 $0x1, s18;
	_ =	swait.ge [sflag:s13], $0x4000  }
0x21f: {  	s17 =	sor.u32 s17, s15;
	s16 =	sor.u32 s16, s15;
	[sflag:s13] =	ssyncset.done $0x0  }
0x220: {  	s20 =	sor.u32 s18, s17;
	s17 =	simm.s32 $0x60;
	[sflag:s13] =	ssyncadd.s32 $0xFFFFC000  }
0x221: {  	s15 =	simm.s32 $0x2;
	s25 =	sand.u32 $0xE0, s17;
	v3 =	vor.u32 s20, v0;
	s21 =	sor.u32 s18, s16;
	v2 =	vld [tilespmem:s19+$0xFFFFFFF0]  }
0x222: {  	s22 =	simm.s32 $0x0;
	s23 =	simm.s32 $0x40;
	s18 =	simm.s32 $0x20;
	v1 =	vor.u32 s21, v0;
	v4 =	vld [tilespmem:s19+$0x0]  }
0x223: {  	s16 =	simm.s32 $0x4030;
	s24 =	sand.u32 $0x3F00, s18;
	s23 =	sand.u32 $0xC0, s23  }
0x224: {  	s21 =	sor.u32 s23, s24;
	s20 =	sor.u32 s25, s24;
	s19 =	sand.u32 $0x1, s22  }
.LBB2_36:
0x225: {  	s15 =	sadd.s32 $0x2, s15  }
0x226: {  	s21 =	sor.u32 s19, s21;
	v5 =	vld [tilespmem:s16+$0x0];
	s19 =	sor.u32 s19, s20;
	[tilespmem:v3+s11+$0x0] =	vst.idx.msk $0xffff, v2;
	p0 =	slt.u32 s15, $0x3FE  }
.Ltmp17:
0x227: {  	s20 =	sshrl.u32 s15, $0x3;
	v2 =	vld [tilespmem:s16+$0xFFFFFFF0];
	v3 =	vor.u32 s21, v0;
	[tilespmem:v1+s11+$0x0] =	vst.idx.msk $0xffff, v4;
	v1 =	vor.u32 s19, v0;
	(pc) =	sbr.rel @p0 .LBB2_36-.Ltmp17, $4  }
0x228: {  	s17 =	sadd.s32 $0x40, s17  }
0x229: {  	s18 =	sadd.s32 $0x20, s18;
	s19 =	sadd.s32 $0xFFFFFFE0, s17;
	s16 =	sadd.s32 $0x20, s16  }
0x22a: {  	s22 =	sand.u32 $0x3F00, s18;
	s23 =	sand.u32 $0xE0, s17;
	s21 =	sand.u32 $0xC0, s19  }
0x22b: {  	s19 =	sand.u32 $0x1, s20;
	s20 =	sor.u32 s23, s22;
	s21 =	sor.u32 s21, s22;
	v4 =	vmov v5  }
0x22c: {  	s15 =	sor.u32 s19, s21  }
0x22d: {  	s17 =	sor.u32 s19, s20;
	v5 =	vld [tilespmem:s16+$0xFFFFFFF0];
	v6 =	vor.u32 s15, v0  }
0x22e: {  	v7 =	vld [tilespmem:s16+$0x0];
	v8 =	vor.u32 s17, v0;
	_ =	sdelay $0x1  }
0x22f: {  	[tilespmem:v3+s11+$0x0] =	vst.idx.msk $0xffff, v2  }
0x230: {  	[tilespmem:v1+s11+$0x0] =	vst.idx.msk $0xffff, v4  }
0x231: {  	[tilespmem:v6+s11+$0x0] =	vst.idx.msk $0xffff, v5  }
0x232: {  	[tilespmem:v8+s11+$0x0] =	vst.idx.msk $0xffff, v7  }
0x233: {  	s22 =	sld [smem:$0x7E9];
	_ =	sdelay $0x1  }
0x234: {  	s21 =	simm.s32 $0x0;
	s23 =	sld [smem:$0x7EC]  }
0x235: {  	[hbm4b:s22+s21] =	stream.linear.scatter [tilespmem:s11], [sflag:$0x4], $0x4000, $0x38;
	[tilespmem:$0x10000] =	vst v63  }
0x236: {  	_ = 	snop  }
0x237: {  	[tilespmem:s7], [sflag:$0x2] =	stream.linear.gather [hbm4b:s23+s21], $0x4000, $0x38;
	[tilespmem:$0x10000] =	vst v63  }
0x238: {  	s24 =	simm.s32 $0x20;
	s19 =	simm.s32 $0x10;
	_ =	swait.ge [sflag:s8], $0x4000  }
0x239: {  	s25 =	simm.s32 $0x0;
	s18 =	simm.s32 $0x0;
	[sflag:s8] =	ssyncset.done $0x0  }
0x23a: {  	s15 =	sand.u32 $0x3F00, s21;
	s17 =	sand.u32 $0xC0, s25;
	[sflag:s8] =	ssyncadd.s32 $0xFFFFC000  }
0x23b: {  	s16 =	sand.u32 $0xE0, s24;
	s18 =	sand.u32 $0x1, s18;
	_ =	swait.ge [sflag:s12], $0x4000  }
0x23c: {  	s17 =	sor.u32 s17, s15;
	s16 =	sor.u32 s16, s15;
	[sflag:s12] =	ssyncset.done $0x0  }
0x23d: {  	s20 =	sor.u32 s18, s17;
	s17 =	simm.s32 $0x60;
	[sflag:s12] =	ssyncadd.s32 $0xFFFFC000  }
0x23e: {  	s15 =	simm.s32 $0x2;
	s25 =	sand.u32 $0xE0, s17;
	v3 =	vor.u32 s20, v0;
	s21 =	sor.u32 s18, s16;
	v2 =	vld [tilespmem:s19+$0xFFFFFFF0]  }
0x23f: {  	s22 =	simm.s32 $0x0;
	s23 =	simm.s32 $0x40;
	s18 =	simm.s32 $0x20;
	v1 =	vor.u32 s21, v0;
	v4 =	vld [tilespmem:s19+$0x0]  }
0x240: {  	s16 =	simm.s32 $0x30;
	s24 =	sand.u32 $0x3F00, s18;
	s23 =	sand.u32 $0xC0, s23  }
0x241: {  	s21 =	sor.u32 s23, s24;
	s20 =	sor.u32 s25, s24;
	s19 =	sand.u32 $0x1, s22  }
.LBB2_38:
0x242: {  	s15 =	sadd.s32 $0x2, s15  }
0x243: {  	s21 =	sor.u32 s19, s21;
	v5 =	vld [tilespmem:s16+$0x0];
	s19 =	sor.u32 s19, s20;
	[tilespmem:v3+s9+$0x0] =	vst.idx.msk $0xffff, v2;
	p0 =	slt.u32 s15, $0x3FE  }
.Ltmp18:
0x244: {  	s20 =	sshrl.u32 s15, $0x3;
	v2 =	vld [tilespmem:s16+$0xFFFFFFF0];
	v3 =	vor.u32 s21, v0;
	[tilespmem:v1+s9+$0x0] =	vst.idx.msk $0xffff, v4;
	v1 =	vor.u32 s19, v0;
	(pc) =	sbr.rel @p0 .LBB2_38-.Ltmp18, $4  }
0x245: {  	s17 =	sadd.s32 $0x40, s17  }
0x246: {  	s18 =	sadd.s32 $0x20, s18;
	s19 =	sadd.s32 $0xFFFFFFE0, s17;
	s16 =	sadd.s32 $0x20, s16  }
0x247: {  	s22 =	sand.u32 $0x3F00, s18;
	s23 =	sand.u32 $0xE0, s17;
	s21 =	sand.u32 $0xC0, s19  }
0x248: {  	s19 =	sand.u32 $0x1, s20;
	s20 =	sor.u32 s23, s22;
	s21 =	sor.u32 s21, s22;
	v4 =	vmov v5  }
0x249: {  	s15 =	sor.u32 s19, s21  }
0x24a: {  	s17 =	sor.u32 s19, s20;
	v5 =	vld [tilespmem:s16+$0xFFFFFFF0];
	v6 =	vor.u32 s15, v0  }
0x24b: {  	v7 =	vld [tilespmem:s16+$0x0];
	v8 =	vor.u32 s17, v0;
	_ =	sdelay $0x1  }
0x24c: {  	[tilespmem:v3+s9+$0x0] =	vst.idx.msk $0xffff, v2  }
0x24d: {  	[tilespmem:v1+s9+$0x0] =	vst.idx.msk $0xffff, v4  }
0x24e: {  	[tilespmem:v6+s9+$0x0] =	vst.idx.msk $0xffff, v5  }
0x24f: {  	[tilespmem:v8+s9+$0x0] =	vst.idx.msk $0xffff, v7  }
0x250: {  	s22 =	sld [smem:$0x7EB];
	_ =	sdelay $0x1  }
0x251: {  	s21 =	simm.s32 $0x0;
	s23 =	sld [smem:$0x7EE]  }
0x252: {  	[hbm4b:s22+s21] =	stream.linear.scatter [tilespmem:s9], [sflag:$0x3], $0x4000, $0x38;
	[tilespmem:$0x10000] =	vst v63  }
0x253: {  	_ = 	snop  }
0x254: {  	[tilespmem:s21], [sflag:$0x1] =	stream.linear.gather [hbm4b:s23+s21], $0x4000, $0x38;
	[tilespmem:$0x10000] =	vst v63  }
0x255: {  	s24 =	simm.s32 $0x20;
	s19 =	simm.s32 $0x4010;
	_ =	swait.ge [sflag:s10], $0x4000  }
0x256: {  	s25 =	simm.s32 $0x0;
	s18 =	simm.s32 $0x0;
	[sflag:s10] =	ssyncset.done $0x0  }
0x257: {  	s15 =	sand.u32 $0x3F00, s21;
	s17 =	sand.u32 $0xC0, s25;
	[sflag:s10] =	ssyncadd.s32 $0xFFFFC000  }
0x258: {  	s16 =	sand.u32 $0xE0, s24;
	s18 =	sand.u32 $0x1, s18;
	_ =	swait.ge [sflag:s13], $0x4000  }
0x259: {  	s17 =	sor.u32 s17, s15;
	s16 =	sor.u32 s16, s15;
	[sflag:s13] =	ssyncset.done $0x0  }
0x25a: {  	s20 =	sor.u32 s18, s17;
	s17 =	simm.s32 $0x60;
	[sflag:s13] =	ssyncadd.s32 $0xFFFFC000  }
0x25b: {  	s15 =	simm.s32 $0x2;
	s25 =	sand.u32 $0xE0, s17;
	v3 =	vor.u32 s20, v0;
	s21 =	sor.u32 s18, s16;
	v2 =	vld [tilespmem:s19+$0xFFFFFFF0]  }
0x25c: {  	s22 =	simm.s32 $0x0;
	s23 =	simm.s32 $0x40;
	s18 =	simm.s32 $0x20;
	v1 =	vor.u32 s21, v0;
	v4 =	vld [tilespmem:s19+$0x0]  }
0x25d: {  	s16 =	simm.s32 $0x4030;
	s24 =	sand.u32 $0x3F00, s18;
	s23 =	sand.u32 $0xC0, s23  }
0x25e: {  	s21 =	sor.u32 s23, s24;
	s20 =	sor.u32 s25, s24;
	s19 =	sand.u32 $0x1, s22  }
.LBB2_40:
0x25f: {  	s15 =	sadd.s32 $0x2, s15  }
0x260: {  	s21 =	sor.u32 s19, s21;
	v5 =	vld [tilespmem:s16+$0x0];
	s19 =	sor.u32 s19, s20;
	[tilespmem:v3+s11+$0x0] =	vst.idx.msk $0xffff, v2;
	p0 =	slt.u32 s15, $0x3FE  }
.Ltmp19:
0x261: {  	s20 =	sshrl.u32 s15, $0x3;
	v2 =	vld [tilespmem:s16+$0xFFFFFFF0];
	v3 =	vor.u32 s21, v0;
	[tilespmem:v1+s11+$0x0] =	vst.idx.msk $0xffff, v4;
	v1 =	vor.u32 s19, v0;
	(pc) =	sbr.rel @p0 .LBB2_40-.Ltmp19, $4  }
0x262: {  	s17 =	sadd.s32 $0x40, s17  }
0x263: {  	s18 =	sadd.s32 $0x20, s18;
	s19 =	sadd.s32 $0xFFFFFFE0, s17;
	s16 =	sadd.s32 $0x20, s16  }
0x264: {  	s22 =	sand.u32 $0x3F00, s18;
	s23 =	sand.u32 $0xE0, s17;
	s21 =	sand.u32 $0xC0, s19  }
0x265: {  	s19 =	sand.u32 $0x1, s20;
	s20 =	sor.u32 s23, s22;
	s21 =	sor.u32 s21, s22;
	v4 =	vmov v5  }
0x266: {  	s15 =	sor.u32 s19, s21  }
0x267: {  	s17 =	sor.u32 s19, s20;
	v5 =	vld [tilespmem:s16+$0xFFFFFFF0];
	v6 =	vor.u32 s15, v0  }
0x268: {  	v7 =	vld [tilespmem:s16+$0x0];
	v8 =	vor.u32 s17, v0;
	_ =	sdelay $0x1  }
0x269: {  	[tilespmem:v3+s11+$0x0] =	vst.idx.msk $0xffff, v2  }
0x26a: {  	[tilespmem:v1+s11+$0x0] =	vst.idx.msk $0xffff, v4  }
0x26b: {  	[tilespmem:v6+s11+$0x0] =	vst.idx.msk $0xffff, v5  }
0x26c: {  	[tilespmem:v8+s11+$0x0] =	vst.idx.msk $0xffff, v7  }
0x26d: {  	s22 =	sld [smem:$0x7ED];
	_ =	sdelay $0x1  }
0x26e: {  	s21 =	simm.s32 $0x0;
	s23 =	sld [smem:$0x7F0]  }
0x26f: {  	[hbm4b:s22+s21] =	stream.linear.scatter [tilespmem:s11], [sflag:$0x4], $0x4000, $0x38;
	[tilespmem:$0x10000] =	vst v63  }
0x270: {  	_ = 	snop  }
0x271: {  	[tilespmem:s7], [sflag:$0x2] =	stream.linear.gather [hbm4b:s23+s21], $0x4000, $0x38;
	[tilespmem:$0x10000] =	vst v63  }
0x272: {  	s24 =	simm.s32 $0x20;
	s19 =	simm.s32 $0x10;
	_ =	swait.ge [sflag:s8], $0x4000  }
0x273: {  	s25 =	simm.s32 $0x0;
	s18 =	simm.s32 $0x0;
	[sflag:s8] =	ssyncset.done $0x0  }
0x274: {  	s15 =	sand.u32 $0x3F00, s21;
	s17 =	sand.u32 $0xC0, s25;
	[sflag:s8] =	ssyncadd.s32 $0xFFFFC000  }
0x275: {  	s16 =	sand.u32 $0xE0, s24;
	s18 =	sand.u32 $0x1, s18;
	_ =	swait.ge [sflag:s12], $0x4000  }
0x276: {  	s17 =	sor.u32 s17, s15;
	s16 =	sor.u32 s16, s15;
	[sflag:s12] =	ssyncset.done $0x0  }
0x277: {  	s20 =	sor.u32 s18, s17;
	s17 =	simm.s32 $0x60;
	[sflag:s12] =	ssyncadd.s32 $0xFFFFC000  }
0x278: {  	s15 =	simm.s32 $0x2;
	s25 =	sand.u32 $0xE0, s17;
	v3 =	vor.u32 s20, v0;
	s21 =	sor.u32 s18, s16;
	v2 =	vld [tilespmem:s19+$0xFFFFFFF0]  }
0x279: {  	s22 =	simm.s32 $0x0;
	s23 =	simm.s32 $0x40;
	s18 =	simm.s32 $0x20;
	v1 =	vor.u32 s21, v0;
	v4 =	vld [tilespmem:s19+$0x0]  }
0x27a: {  	s16 =	simm.s32 $0x30;
	s24 =	sand.u32 $0x3F00, s18;
	s23 =	sand.u32 $0xC0, s23  }
0x27b: {  	s21 =	sor.u32 s23, s24;
	s20 =	sor.u32 s25, s24;
	s19 =	sand.u32 $0x1, s22  }
.LBB2_42:
0x27c: {  	s15 =	sadd.s32 $0x2, s15  }
0x27d: {  	s21 =	sor.u32 s19, s21;
	v5 =	vld [tilespmem:s16+$0x0];
	s19 =	sor.u32 s19, s20;
	[tilespmem:v3+s9+$0x0] =	vst.idx.msk $0xffff, v2;
	p0 =	slt.u32 s15, $0x3FE  }
.Ltmp20:
0x27e: {  	s20 =	sshrl.u32 s15, $0x3;
	v2 =	vld [tilespmem:s16+$0xFFFFFFF0];
	v3 =	vor.u32 s21, v0;
	[tilespmem:v1+s9+$0x0] =	vst.idx.msk $0xffff, v4;
	v1 =	vor.u32 s19, v0;
	(pc) =	sbr.rel @p0 .LBB2_42-.Ltmp20, $4  }
0x27f: {  	s17 =	sadd.s32 $0x40, s17  }
0x280: {  	s18 =	sadd.s32 $0x20, s18;
	s19 =	sadd.s32 $0xFFFFFFE0, s17;
	s16 =	sadd.s32 $0x20, s16  }
0x281: {  	s22 =	sand.u32 $0x3F00, s18;
	s23 =	sand.u32 $0xE0, s17;
	s21 =	sand.u32 $0xC0, s19  }
0x282: {  	s19 =	sand.u32 $0x1, s20;
	s20 =	sor.u32 s23, s22;
	s21 =	sor.u32 s21, s22;
	v4 =	vmov v5  }
0x283: {  	s15 =	sor.u32 s19, s21  }
0x284: {  	s17 =	sor.u32 s19, s20;
	v5 =	vld [tilespmem:s16+$0xFFFFFFF0];
	v6 =	vor.u32 s15, v0  }
0x285: {  	v7 =	vld [tilespmem:s16+$0x0];
	v8 =	vor.u32 s17, v0;
	_ =	sdelay $0x1  }
0x286: {  	[tilespmem:v3+s9+$0x0] =	vst.idx.msk $0xffff, v2  }
0x287: {  	[tilespmem:v1+s9+$0x0] =	vst.idx.msk $0xffff, v4  }
0x288: {  	[tilespmem:v6+s9+$0x0] =	vst.idx.msk $0xffff, v5  }
0x289: {  	[tilespmem:v8+s9+$0x0] =	vst.idx.msk $0xffff, v7  }
0x28a: {  	s22 =	sld [smem:$0x7EF];
	_ =	sdelay $0x1  }
0x28b: {  	s21 =	simm.s32 $0x0;
	s23 =	sld [smem:$0x7F2]  }
0x28c: {  	[hbm4b:s22+s21] =	stream.linear.scatter [tilespmem:s9], [sflag:$0x3], $0x4000, $0x38;
	[tilespmem:$0x10000] =	vst v63  }
0x28d: {  	_ = 	snop  }
0x28e: {  	[tilespmem:s21], [sflag:$0x1] =	stream.linear.gather [hbm4b:s23+s21], $0x4000, $0x38;
	[tilespmem:$0x10000] =	vst v63  }
0x28f: {  	s24 =	simm.s32 $0x20;
	s19 =	simm.s32 $0x4010;
	_ =	swait.ge [sflag:s10], $0x4000  }
0x290: {  	s25 =	simm.s32 $0x0;
	s18 =	simm.s32 $0x0;
	[sflag:s10] =	ssyncset.done $0x0  }
0x291: {  	s15 =	sand.u32 $0x3F00, s21;
	s17 =	sand.u32 $0xC0, s25;
	[sflag:s10] =	ssyncadd.s32 $0xFFFFC000  }
0x292: {  	s16 =	sand.u32 $0xE0, s24;
	s18 =	sand.u32 $0x1, s18;
	_ =	swait.ge [sflag:s13], $0x4000  }
0x293: {  	s17 =	sor.u32 s17, s15;
	s16 =	sor.u32 s16, s15;
	[sflag:s13] =	ssyncset.done $0x0  }
0x294: {  	s20 =	sor.u32 s18, s17;
	s17 =	simm.s32 $0x60;
	[sflag:s13] =	ssyncadd.s32 $0xFFFFC000  }
0x295: {  	s15 =	simm.s32 $0x2;
	s25 =	sand.u32 $0xE0, s17;
	v3 =	vor.u32 s20, v0;
	s21 =	sor.u32 s18, s16;
	v2 =	vld [tilespmem:s19+$0xFFFFFFF0]  }
0x296: {  	s22 =	simm.s32 $0x0;
	s23 =	simm.s32 $0x40;
	s18 =	simm.s32 $0x20;
	v1 =	vor.u32 s21, v0;
	v4 =	vld [tilespmem:s19+$0x0]  }
0x297: {  	s16 =	simm.s32 $0x4030;
	s24 =	sand.u32 $0x3F00, s18;
	s23 =	sand.u32 $0xC0, s23  }
0x298: {  	s21 =	sor.u32 s23, s24;
	s20 =	sor.u32 s25, s24;
	s19 =	sand.u32 $0x1, s22  }
.LBB2_44:
0x299: {  	s15 =	sadd.s32 $0x2, s15  }
0x29a: {  	s21 =	sor.u32 s19, s21;
	v5 =	vld [tilespmem:s16+$0x0];
	s19 =	sor.u32 s19, s20;
	[tilespmem:v3+s11+$0x0] =	vst.idx.msk $0xffff, v2;
	p0 =	slt.u32 s15, $0x3FE  }
.Ltmp21:
0x29b: {  	s20 =	sshrl.u32 s15, $0x3;
	v2 =	vld [tilespmem:s16+$0xFFFFFFF0];
	v3 =	vor.u32 s21, v0;
	[tilespmem:v1+s11+$0x0] =	vst.idx.msk $0xffff, v4;
	v1 =	vor.u32 s19, v0;
	(pc) =	sbr.rel @p0 .LBB2_44-.Ltmp21, $4  }
0x29c: {  	s17 =	sadd.s32 $0x40, s17  }
0x29d: {  	s18 =	sadd.s32 $0x20, s18;
	s19 =	sadd.s32 $0xFFFFFFE0, s17;
	s16 =	sadd.s32 $0x20, s16  }
0x29e: {  	s22 =	sand.u32 $0x3F00, s18;
	s23 =	sand.u32 $0xE0, s17;
	s21 =	sand.u32 $0xC0, s19  }
0x29f: {  	s19 =	sand.u32 $0x1, s20;
	s20 =	sor.u32 s23, s22;
	s21 =	sor.u32 s21, s22;
	v4 =	vmov v5  }
0x2a0: {  	s15 =	sor.u32 s19, s21  }
0x2a1: {  	s17 =	sor.u32 s19, s20;
	v5 =	vld [tilespmem:s16+$0xFFFFFFF0];
	v6 =	vor.u32 s15, v0  }
0x2a2: {  	v7 =	vld [tilespmem:s16+$0x0];
	v8 =	vor.u32 s17, v0;
	_ =	sdelay $0x1  }
0x2a3: {  	[tilespmem:v3+s11+$0x0] =	vst.idx.msk $0xffff, v2  }
0x2a4: {  	[tilespmem:v1+s11+$0x0] =	vst.idx.msk $0xffff, v4  }
0x2a5: {  	[tilespmem:v6+s11+$0x0] =	vst.idx.msk $0xffff, v5  }
0x2a6: {  	[tilespmem:v8+s11+$0x0] =	vst.idx.msk $0xffff, v7  }
0x2a7: {  	s22 =	sld [smem:$0x7F1];
	_ =	sdelay $0x1  }
0x2a8: {  	s21 =	simm.s32 $0x0;
	s23 =	sld [smem:$0x7F4]  }
0x2a9: {  	[hbm4b:s22+s21] =	stream.linear.scatter [tilespmem:s11], [sflag:$0x4], $0x4000, $0x38;
	[tilespmem:$0x10000] =	vst v63  }
0x2aa: {  	_ = 	snop  }
0x2ab: {  	[tilespmem:s7], [sflag:$0x2] =	stream.linear.gather [hbm4b:s23+s21], $0x4000, $0x38;
	[tilespmem:$0x10000] =	vst v63  }
0x2ac: {  	s24 =	simm.s32 $0x20;
	s19 =	simm.s32 $0x10;
	_ =	swait.ge [sflag:s8], $0x4000  }
0x2ad: {  	s25 =	simm.s32 $0x0;
	s18 =	simm.s32 $0x0;
	[sflag:s8] =	ssyncset.done $0x0  }
0x2ae: {  	s15 =	sand.u32 $0x3F00, s21;
	s17 =	sand.u32 $0xC0, s25;
	[sflag:s8] =	ssyncadd.s32 $0xFFFFC000  }
0x2af: {  	s16 =	sand.u32 $0xE0, s24;
	s18 =	sand.u32 $0x1, s18;
	_ =	swait.ge [sflag:s12], $0x4000  }
0x2b0: {  	s17 =	sor.u32 s17, s15;
	s16 =	sor.u32 s16, s15;
	[sflag:s12] =	ssyncset.done $0x0  }
0x2b1: {  	s20 =	sor.u32 s18, s17;
	s17 =	simm.s32 $0x60;
	[sflag:s12] =	ssyncadd.s32 $0xFFFFC000  }
0x2b2: {  	s15 =	simm.s32 $0x2;
	s25 =	sand.u32 $0xE0, s17;
	v3 =	vor.u32 s20, v0;
	s21 =	sor.u32 s18, s16;
	v2 =	vld [tilespmem:s19+$0xFFFFFFF0]  }
0x2b3: {  	s22 =	simm.s32 $0x0;
	s23 =	simm.s32 $0x40;
	s18 =	simm.s32 $0x20;
	v1 =	vor.u32 s21, v0;
	v4 =	vld [tilespmem:s19+$0x0]  }
0x2b4: {  	s16 =	simm.s32 $0x30;
	s24 =	sand.u32 $0x3F00, s18;
	s23 =	sand.u32 $0xC0, s23  }
0x2b5: {  	s21 =	sor.u32 s23, s24;
	s20 =	sor.u32 s25, s24;
	s19 =	sand.u32 $0x1, s22  }
.LBB2_46:
0x2b6: {  	s15 =	sadd.s32 $0x2, s15  }
0x2b7: {  	s21 =	sor.u32 s19, s21;
	v5 =	vld [tilespmem:s16+$0x0];
	s19 =	sor.u32 s19, s20;
	[tilespmem:v3+s9+$0x0] =	vst.idx.msk $0xffff, v2;
	p0 =	slt.u32 s15, $0x3FE  }
.Ltmp22:
0x2b8: {  	s20 =	sshrl.u32 s15, $0x3;
	v2 =	vld [tilespmem:s16+$0xFFFFFFF0];
	v3 =	vor.u32 s21, v0;
	[tilespmem:v1+s9+$0x0] =	vst.idx.msk $0xffff, v4;
	v1 =	vor.u32 s19, v0;
	(pc) =	sbr.rel @p0 .LBB2_46-.Ltmp22, $4  }
0x2b9: {  	s17 =	sadd.s32 $0x40, s17  }
0x2ba: {  	s18 =	sadd.s32 $0x20, s18;
	s19 =	sadd.s32 $0xFFFFFFE0, s17;
	s16 =	sadd.s32 $0x20, s16  }
0x2bb: {  	s22 =	sand.u32 $0x3F00, s18;
	s23 =	sand.u32 $0xE0, s17;
	s21 =	sand.u32 $0xC0, s19  }
0x2bc: {  	s19 =	sand.u32 $0x1, s20;
	s20 =	sor.u32 s23, s22;
	s21 =	sor.u32 s21, s22;
	v4 =	vmov v5  }
0x2bd: {  	s15 =	sor.u32 s19, s21  }
0x2be: {  	s17 =	sor.u32 s19, s20;
	v5 =	vld [tilespmem:s16+$0xFFFFFFF0];
	v6 =	vor.u32 s15, v0  }
0x2bf: {  	v7 =	vld [tilespmem:s16+$0x0];
	v8 =	vor.u32 s17, v0;
	_ =	sdelay $0x1  }
0x2c0: {  	[tilespmem:v3+s9+$0x0] =	vst.idx.msk $0xffff, v2  }
0x2c1: {  	[tilespmem:v1+s9+$0x0] =	vst.idx.msk $0xffff, v4  }
0x2c2: {  	[tilespmem:v6+s9+$0x0] =	vst.idx.msk $0xffff, v5  }
0x2c3: {  	[tilespmem:v8+s9+$0x0] =	vst.idx.msk $0xffff, v7  }
0x2c4: {  	s22 =	sld [smem:$0x7F3];
	_ =	sdelay $0x1  }
0x2c5: {  	s21 =	simm.s32 $0x0;
	s23 =	sld [smem:$0x7F6]  }
0x2c6: {  	[hbm4b:s22+s21] =	stream.linear.scatter [tilespmem:s9], [sflag:$0x3], $0x4000, $0x38;
	[tilespmem:$0x10000] =	vst v63  }
0x2c7: {  	_ = 	snop  }
0x2c8: {  	[tilespmem:s21], [sflag:$0x1] =	stream.linear.gather [hbm4b:s23+s21], $0x4000, $0x38;
	[tilespmem:$0x10000] =	vst v63  }
0x2c9: {  	s24 =	simm.s32 $0x20;
	s19 =	simm.s32 $0x4010;
	_ =	swait.ge [sflag:s10], $0x4000  }
0x2ca: {  	s25 =	simm.s32 $0x0;
	s18 =	simm.s32 $0x0;
	[sflag:s10] =	ssyncset.done $0x0  }
0x2cb: {  	s15 =	sand.u32 $0x3F00, s21;
	s17 =	sand.u32 $0xC0, s25;
	[sflag:s10] =	ssyncadd.s32 $0xFFFFC000  }
0x2cc: {  	s16 =	sand.u32 $0xE0, s24;
	s18 =	sand.u32 $0x1, s18;
	_ =	swait.ge [sflag:s13], $0x4000  }
0x2cd: {  	s17 =	sor.u32 s17, s15;
	s16 =	sor.u32 s16, s15;
	[sflag:s13] =	ssyncset.done $0x0  }
0x2ce: {  	s20 =	sor.u32 s18, s17;
	s17 =	simm.s32 $0x60;
	[sflag:s13] =	ssyncadd.s32 $0xFFFFC000  }
0x2cf: {  	s15 =	simm.s32 $0x2;
	s25 =	sand.u32 $0xE0, s17;
	v3 =	vor.u32 s20, v0;
	s21 =	sor.u32 s18, s16;
	v2 =	vld [tilespmem:s19+$0xFFFFFFF0]  }
0x2d0: {  	s22 =	simm.s32 $0x0;
	s23 =	simm.s32 $0x40;
	s18 =	simm.s32 $0x20;
	v1 =	vor.u32 s21, v0;
	v4 =	vld [tilespmem:s19+$0x0]  }
0x2d1: {  	s16 =	simm.s32 $0x4030;
	s24 =	sand.u32 $0x3F00, s18;
	s23 =	sand.u32 $0xC0, s23  }
0x2d2: {  	s21 =	sor.u32 s23, s24;
	s20 =	sor.u32 s25, s24;
	s19 =	sand.u32 $0x1, s22  }
.LBB2_48:
0x2d3: {  	s15 =	sadd.s32 $0x2, s15  }
0x2d4: {  	s21 =	sor.u32 s19, s21;
	v5 =	vld [tilespmem:s16+$0x0];
	s19 =	sor.u32 s19, s20;
	[tilespmem:v3+s11+$0x0] =	vst.idx.msk $0xffff, v2;
	p0 =	slt.u32 s15, $0x3FE  }
.Ltmp23:
0x2d5: {  	s20 =	sshrl.u32 s15, $0x3;
	v2 =	vld [tilespmem:s16+$0xFFFFFFF0];
	v3 =	vor.u32 s21, v0;
	[tilespmem:v1+s11+$0x0] =	vst.idx.msk $0xffff, v4;
	v1 =	vor.u32 s19, v0;
	(pc) =	sbr.rel @p0 .LBB2_48-.Ltmp23, $4  }
0x2d6: {  	s17 =	sadd.s32 $0x40, s17  }
0x2d7: {  	s18 =	sadd.s32 $0x20, s18;
	s19 =	sadd.s32 $0xFFFFFFE0, s17;
	s16 =	sadd.s32 $0x20, s16  }
0x2d8: {  	s22 =	sand.u32 $0x3F00, s18;
	s23 =	sand.u32 $0xE0, s17;
	s21 =	sand.u32 $0xC0, s19  }
0x2d9: {  	s19 =	sand.u32 $0x1, s20;
	s20 =	sor.u32 s23, s22;
	s21 =	sor.u32 s21, s22;
	v4 =	vmov v5  }
0x2da: {  	s15 =	sor.u32 s19, s21  }
0x2db: {  	s17 =	sor.u32 s19, s20;
	v5 =	vld [tilespmem:s16+$0xFFFFFFF0];
	v6 =	vor.u32 s15, v0  }
0x2dc: {  	v7 =	vld [tilespmem:s16+$0x0];
	v8 =	vor.u32 s17, v0;
	_ =	sdelay $0x1  }
0x2dd: {  	[tilespmem:v3+s11+$0x0] =	vst.idx.msk $0xffff, v2  }
0x2de: {  	[tilespmem:v1+s11+$0x0] =	vst.idx.msk $0xffff, v4  }
0x2df: {  	[tilespmem:v6+s11+$0x0] =	vst.idx.msk $0xffff, v5  }
0x2e0: {  	[tilespmem:v8+s11+$0x0] =	vst.idx.msk $0xffff, v7  }
0x2e1: {  	s22 =	sld [smem:$0x7F5];
	_ =	sdelay $0x1  }
0x2e2: {  	s21 =	simm.s32 $0x0;
	s23 =	sld [smem:$0x7F8]  }
0x2e3: {  	[hbm4b:s22+s21] =	stream.linear.scatter [tilespmem:s11], [sflag:$0x4], $0x4000, $0x38;
	[tilespmem:$0x10000] =	vst v63  }
0x2e4: {  	_ = 	snop  }
0x2e5: {  	[tilespmem:s7], [sflag:$0x2] =	stream.linear.gather [hbm4b:s23+s21], $0x4000, $0x38;
	[tilespmem:$0x10000] =	vst v63  }
0x2e6: {  	s24 =	simm.s32 $0x20;
	s19 =	simm.s32 $0x10;
	_ =	swait.ge [sflag:s8], $0x4000  }
0x2e7: {  	s25 =	simm.s32 $0x0;
	s18 =	simm.s32 $0x0;
	[sflag:s8] =	ssyncset.done $0x0  }
0x2e8: {  	s15 =	sand.u32 $0x3F00, s21;
	s17 =	sand.u32 $0xC0, s25;
	[sflag:s8] =	ssyncadd.s32 $0xFFFFC000  }
0x2e9: {  	s16 =	sand.u32 $0xE0, s24;
	s18 =	sand.u32 $0x1, s18;
	_ =	swait.ge [sflag:s12], $0x4000  }
0x2ea: {  	s17 =	sor.u32 s17, s15;
	s16 =	sor.u32 s16, s15;
	[sflag:s12] =	ssyncset.done $0x0  }
0x2eb: {  	s20 =	sor.u32 s18, s17;
	s17 =	simm.s32 $0x60;
	[sflag:s12] =	ssyncadd.s32 $0xFFFFC000  }
0x2ec: {  	s15 =	simm.s32 $0x2;
	s25 =	sand.u32 $0xE0, s17;
	v3 =	vor.u32 s20, v0;
	s21 =	sor.u32 s18, s16;
	v2 =	vld [tilespmem:s19+$0xFFFFFFF0]  }
0x2ed: {  	s22 =	simm.s32 $0x0;
	s23 =	simm.s32 $0x40;
	s18 =	simm.s32 $0x20;
	v1 =	vor.u32 s21, v0;
	v4 =	vld [tilespmem:s19+$0x0]  }
0x2ee: {  	s16 =	simm.s32 $0x30;
	s24 =	sand.u32 $0x3F00, s18;
	s23 =	sand.u32 $0xC0, s23  }
0x2ef: {  	s21 =	sor.u32 s23, s24;
	s20 =	sor.u32 s25, s24;
	s19 =	sand.u32 $0x1, s22  }
.LBB2_50:
0x2f0: {  	s15 =	sadd.s32 $0x2, s15  }
0x2f1: {  	s21 =	sor.u32 s19, s21;
	v5 =	vld [tilespmem:s16+$0x0];
	s19 =	sor.u32 s19, s20;
	[tilespmem:v3+s9+$0x0] =	vst.idx.msk $0xffff, v2;
	p0 =	slt.u32 s15, $0x3FE  }
.Ltmp24:
0x2f2: {  	s20 =	sshrl.u32 s15, $0x3;
	v2 =	vld [tilespmem:s16+$0xFFFFFFF0];
	v3 =	vor.u32 s21, v0;
	[tilespmem:v1+s9+$0x0] =	vst.idx.msk $0xffff, v4;
	v1 =	vor.u32 s19, v0;
	(pc) =	sbr.rel @p0 .LBB2_50-.Ltmp24, $4  }
0x2f3: {  	s17 =	sadd.s32 $0x40, s17  }
0x2f4: {  	s18 =	sadd.s32 $0x20, s18;
	s19 =	sadd.s32 $0xFFFFFFE0, s17;
	s16 =	sadd.s32 $0x20, s16  }
0x2f5: {  	s22 =	sand.u32 $0x3F00, s18;
	s23 =	sand.u32 $0xE0, s17;
	s21 =	sand.u32 $0xC0, s19  }
0x2f6: {  	s19 =	sand.u32 $0x1, s20;
	s20 =	sor.u32 s23, s22;
	s21 =	sor.u32 s21, s22;
	v4 =	vmov v5  }
0x2f7: {  	s15 =	sor.u32 s19, s21  }
0x2f8: {  	s17 =	sor.u32 s19, s20;
	v5 =	vld [tilespmem:s16+$0xFFFFFFF0];
	v6 =	vor.u32 s15, v0  }
0x2f9: {  	v7 =	vld [tilespmem:s16+$0x0];
	v8 =	vor.u32 s17, v0;
	_ =	sdelay $0x1  }
0x2fa: {  	[tilespmem:v3+s9+$0x0] =	vst.idx.msk $0xffff, v2  }
0x2fb: {  	[tilespmem:v1+s9+$0x0] =	vst.idx.msk $0xffff, v4  }
0x2fc: {  	[tilespmem:v6+s9+$0x0] =	vst.idx.msk $0xffff, v5  }
0x2fd: {  	[tilespmem:v8+s9+$0x0] =	vst.idx.msk $0xffff, v7  }
0x2fe: {  	s22 =	sld [smem:$0x7F7];
	_ =	sdelay $0x1  }
0x2ff: {  	s21 =	simm.s32 $0x0;
	s23 =	sld [smem:$0x7FA]  }
0x300: {  	[hbm4b:s22+s21] =	stream.linear.scatter [tilespmem:s9], [sflag:$0x3], $0x4000, $0x38;
	[tilespmem:$0x10000] =	vst v63  }
0x301: {  	_ = 	snop  }
0x302: {  	[tilespmem:s21], [sflag:$0x1] =	stream.linear.gather [hbm4b:s23+s21], $0x4000, $0x38;
	[tilespmem:$0x10000] =	vst v63  }
0x303: {  	s24 =	simm.s32 $0x20;
	s19 =	simm.s32 $0x4010;
	_ =	swait.ge [sflag:s10], $0x4000  }
0x304: {  	s25 =	simm.s32 $0x0;
	s18 =	simm.s32 $0x0;
	[sflag:s10] =	ssyncset.done $0x0  }
0x305: {  	s15 =	sand.u32 $0x3F00, s21;
	s17 =	sand.u32 $0xC0, s25;
	[sflag:s10] =	ssyncadd.s32 $0xFFFFC000  }
0x306: {  	s16 =	sand.u32 $0xE0, s24;
	s18 =	sand.u32 $0x1, s18;
	_ =	swait.ge [sflag:s13], $0x4000  }
0x307: {  	s17 =	sor.u32 s17, s15;
	s16 =	sor.u32 s16, s15;
	[sflag:s13] =	ssyncset.done $0x0  }
0x308: {  	s20 =	sor.u32 s18, s17;
	s17 =	simm.s32 $0x60;
	[sflag:s13] =	ssyncadd.s32 $0xFFFFC000  }
0x309: {  	s15 =	simm.s32 $0x2;
	s25 =	sand.u32 $0xE0, s17;
	v3 =	vor.u32 s20, v0;
	s21 =	sor.u32 s18, s16;
	v2 =	vld [tilespmem:s19+$0xFFFFFFF0]  }
0x30a: {  	s22 =	simm.s32 $0x0;
	s23 =	simm.s32 $0x40;
	s18 =	simm.s32 $0x20;
	v1 =	vor.u32 s21, v0;
	v4 =	vld [tilespmem:s19+$0x0]  }
0x30b: {  	s16 =	simm.s32 $0x4030;
	s24 =	sand.u32 $0x3F00, s18;
	s23 =	sand.u32 $0xC0, s23  }
0x30c: {  	s21 =	sor.u32 s23, s24;
	s20 =	sor.u32 s25, s24;
	s19 =	sand.u32 $0x1, s22  }
.LBB2_52:
0x30d: {  	s15 =	sadd.s32 $0x2, s15  }
0x30e: {  	s21 =	sor.u32 s19, s21;
	v5 =	vld [tilespmem:s16+$0x0];
	s19 =	sor.u32 s19, s20;
	[tilespmem:v3+s11+$0x0] =	vst.idx.msk $0xffff, v2;
	p0 =	slt.u32 s15, $0x3FE  }
.Ltmp25:
0x30f: {  	s20 =	sshrl.u32 s15, $0x3;
	v2 =	vld [tilespmem:s16+$0xFFFFFFF0];
	v3 =	vor.u32 s21, v0;
	[tilespmem:v1+s11+$0x0] =	vst.idx.msk $0xffff, v4;
	v1 =	vor.u32 s19, v0;
	(pc) =	sbr.rel @p0 .LBB2_52-.Ltmp25, $4  }
0x310: {  	s17 =	sadd.s32 $0x40, s17  }
0x311: {  	s18 =	sadd.s32 $0x20, s18;
	s19 =	sadd.s32 $0xFFFFFFE0, s17;
	s16 =	sadd.s32 $0x20, s16  }
0x312: {  	s22 =	sand.u32 $0x3F00, s18;
	s23 =	sand.u32 $0xE0, s17;
	s21 =	sand.u32 $0xC0, s19  }
0x313: {  	s19 =	sand.u32 $0x1, s20;
	s20 =	sor.u32 s23, s22;
	s21 =	sor.u32 s21, s22;
	v4 =	vmov v5  }
0x314: {  	s15 =	sor.u32 s19, s21  }
0x315: {  	s17 =	sor.u32 s19, s20;
	v5 =	vld [tilespmem:s16+$0xFFFFFFF0];
	v6 =	vor.u32 s15, v0  }
0x316: {  	v7 =	vld [tilespmem:s16+$0x0];
	v8 =	vor.u32 s17, v0;
	_ =	sdelay $0x1  }
0x317: {  	[tilespmem:v3+s11+$0x0] =	vst.idx.msk $0xffff, v2  }
0x318: {  	[tilespmem:v1+s11+$0x0] =	vst.idx.msk $0xffff, v4  }
0x319: {  	[tilespmem:v6+s11+$0x0] =	vst.idx.msk $0xffff, v5  }
0x31a: {  	[tilespmem:v8+s11+$0x0] =	vst.idx.msk $0xffff, v7  }
0x31b: {  	s22 =	sld [smem:$0x7F9];
	_ =	sdelay $0x1  }
0x31c: {  	s21 =	simm.s32 $0x0;
	s23 =	sld [smem:$0x7FC]  }
0x31d: {  	[hbm4b:s22+s21] =	stream.linear.scatter [tilespmem:s11], [sflag:$0x4], $0x4000, $0x38;
	[tilespmem:$0x10000] =	vst v63  }
0x31e: {  	_ = 	snop  }
0x31f: {  	[tilespmem:s7], [sflag:$0x2] =	stream.linear.gather [hbm4b:s23+s21], $0x4000, $0x38;
	[tilespmem:$0x10000] =	vst v63  }
0x320: {  	s24 =	simm.s32 $0x20;
	s19 =	simm.s32 $0x10;
	_ =	swait.ge [sflag:s8], $0x4000  }
0x321: {  	s25 =	simm.s32 $0x0;
	s18 =	simm.s32 $0x0;
	[sflag:s8] =	ssyncset.done $0x0  }
0x322: {  	s15 =	sand.u32 $0x3F00, s21;
	s17 =	sand.u32 $0xC0, s25;
	[sflag:s8] =	ssyncadd.s32 $0xFFFFC000  }
0x323: {  	s16 =	sand.u32 $0xE0, s24;
	s18 =	sand.u32 $0x1, s18;
	_ =	swait.ge [sflag:s12], $0x4000  }
0x324: {  	s17 =	sor.u32 s17, s15;
	s16 =	sor.u32 s16, s15;
	[sflag:s12] =	ssyncset.done $0x0  }
0x325: {  	s20 =	sor.u32 s18, s17;
	s17 =	simm.s32 $0x60;
	[sflag:s12] =	ssyncadd.s32 $0xFFFFC000  }
0x326: {  	s15 =	simm.s32 $0x2;
	s25 =	sand.u32 $0xE0, s17;
	v3 =	vor.u32 s20, v0;
	s21 =	sor.u32 s18, s16;
	v2 =	vld [tilespmem:s19+$0xFFFFFFF0]  }
0x327: {  	s22 =	simm.s32 $0x0;
	s23 =	simm.s32 $0x40;
	s18 =	simm.s32 $0x20;
	v1 =	vor.u32 s21, v0;
	v4 =	vld [tilespmem:s19+$0x0]  }
0x328: {  	s16 =	simm.s32 $0x30;
	s24 =	sand.u32 $0x3F00, s18;
	s23 =	sand.u32 $0xC0, s23  }
0x329: {  	s21 =	sor.u32 s23, s24;
	s20 =	sor.u32 s25, s24;
	s19 =	sand.u32 $0x1, s22  }
.LBB2_54:
0x32a: {  	s15 =	sadd.s32 $0x2, s15  }
0x32b: {  	s21 =	sor.u32 s19, s21;
	v5 =	vld [tilespmem:s16+$0x0];
	s19 =	sor.u32 s19, s20;
	[tilespmem:v3+s9+$0x0] =	vst.idx.msk $0xffff, v2;
	p0 =	slt.u32 s15, $0x3FE  }
.Ltmp26:
0x32c: {  	s20 =	sshrl.u32 s15, $0x3;
	v2 =	vld [tilespmem:s16+$0xFFFFFFF0];
	v3 =	vor.u32 s21, v0;
	[tilespmem:v1+s9+$0x0] =	vst.idx.msk $0xffff, v4;
	v1 =	vor.u32 s19, v0;
	(pc) =	sbr.rel @p0 .LBB2_54-.Ltmp26, $4  }
0x32d: {  	s17 =	sadd.s32 $0x40, s17  }
0x32e: {  	s18 =	sadd.s32 $0x20, s18;
	s19 =	sadd.s32 $0xFFFFFFE0, s17;
	s16 =	sadd.s32 $0x20, s16  }
0x32f: {  	s22 =	sand.u32 $0x3F00, s18;
	s23 =	sand.u32 $0xE0, s17;
	s21 =	sand.u32 $0xC0, s19  }
0x330: {  	s19 =	sand.u32 $0x1, s20;
	s20 =	sor.u32 s23, s22;
	s21 =	sor.u32 s21, s22;
	v4 =	vmov v5  }
0x331: {  	s15 =	sor.u32 s19, s21  }
0x332: {  	s17 =	sor.u32 s19, s20;
	v5 =	vld [tilespmem:s16+$0xFFFFFFF0];
	v6 =	vor.u32 s15, v0  }
0x333: {  	v7 =	vld [tilespmem:s16+$0x0];
	v8 =	vor.u32 s17, v0;
	_ =	sdelay $0x1  }
0x334: {  	[tilespmem:v3+s9+$0x0] =	vst.idx.msk $0xffff, v2  }
0x335: {  	[tilespmem:v1+s9+$0x0] =	vst.idx.msk $0xffff, v4  }
0x336: {  	[tilespmem:v6+s9+$0x0] =	vst.idx.msk $0xffff, v5  }
0x337: {  	[tilespmem:v8+s9+$0x0] =	vst.idx.msk $0xffff, v7  }
0x338: {  	s23 =	sld [smem:$0x7FB];
	_ =	sdelay $0x1  }
0x339: {  	s22 =	simm.s32 $0x0  }
0x33a: {  	[hbm4b:s23+s22] =	stream.linear.scatter [tilespmem:s9], [sflag:$0x3], $0x4000, $0x38;
	[tilespmem:$0x10000] =	vst v63  }
0x33b: {  	_ = 	snop  }
0x33c: {  	[tilespmem:s22], [sflag:$0x1] =	stream.linear.gather [hbm4b:s26+s22], $0x4000, $0x38;
	[tilespmem:$0x10000] =	vst v63  }
0x33d: {  	s24 =	simm.s32 $0x20;
	s19 =	simm.s32 $0x4010;
	_ =	swait.ge [sflag:s10], $0x4000  }
0x33e: {  	s25 =	simm.s32 $0x0;
	s18 =	simm.s32 $0x0;
	[sflag:s10] =	ssyncset.done $0x0  }
0x33f: {  	s15 =	sand.u32 $0x3F00, s22;
	s17 =	sand.u32 $0xC0, s25;
	[sflag:s10] =	ssyncadd.s32 $0xFFFFC000  }
0x340: {  	s16 =	sand.u32 $0xE0, s24;
	s18 =	sand.u32 $0x1, s18;
	_ =	swait.ge [sflag:s13], $0x4000  }
0x341: {  	s17 =	sor.u32 s17, s15;
	s16 =	sor.u32 s16, s15;
	[sflag:s13] =	ssyncset.done $0x0  }
0x342: {  	s15 =	simm.s32 $0x2;
	s20 =	sor.u32 s18, s17;
	[sflag:s13] =	ssyncadd.s32 $0xFFFFC000  }
0x343: {  	s21 =	sor.u32 s18, s16;
	s17 =	simm.s32 $0x60;
	s18 =	simm.s32 $0x20;
	v3 =	vor.u32 s20, v0;
	v2 =	vld [tilespmem:s19+$0xFFFFFFF0]  }
0x344: {  	s16 =	simm.s32 $0x4030;
	s24 =	sand.u32 $0x3F00, s18;
	v1 =	vor.u32 s21, v0;
	s23 =	simm.s32 $0x40;
	v4 =	vld [tilespmem:s19+$0x0]  }
0x345: {  	s25 =	sand.u32 $0xE0, s17;
	s23 =	sand.u32 $0xC0, s23;
	s22 =	simm.s32 $0x0  }
0x346: {  	s20 =	sor.u32 s25, s24;
	s21 =	sor.u32 s23, s24;
	s19 =	sand.u32 $0x1, s22  }
.LBB2_56:
0x347: {  	s15 =	sadd.s32 $0x2, s15  }
0x348: {  	s21 =	sor.u32 s19, s21;
	v5 =	vld [tilespmem:s16+$0x0];
	s19 =	sor.u32 s19, s20;
	[tilespmem:v3+s11+$0x0] =	vst.idx.msk $0xffff, v2;
	p0 =	slt.u32 s15, $0x3FE  }
.Ltmp27:
0x349: {  	s20 =	sshrl.u32 s15, $0x3;
	v2 =	vld [tilespmem:s16+$0xFFFFFFF0];
	v3 =	vor.u32 s21, v0;
	[tilespmem:v1+s11+$0x0] =	vst.idx.msk $0xffff, v4;
	v1 =	vor.u32 s19, v0;
	(pc) =	sbr.rel @p0 .LBB2_56-.Ltmp27, $4  }
0x34a: {  	s17 =	sadd.s32 $0x40, s17  }
0x34b: {  	s18 =	sadd.s32 $0x20, s18;
	s19 =	sadd.s32 $0xFFFFFFE0, s17;
	s16 =	sadd.s32 $0x20, s16  }
0x34c: {  	s22 =	sand.u32 $0x3F00, s18;
	s23 =	sand.u32 $0xE0, s17;
	s21 =	sand.u32 $0xC0, s19  }
0x34d: {  	s19 =	sand.u32 $0x1, s20;
	s20 =	sor.u32 s23, s22;
	s21 =	sor.u32 s21, s22;
	v4 =	vmov v5  }
0x34e: {  	s15 =	sor.u32 s19, s21  }
0x34f: {  	s17 =	sor.u32 s19, s20;
	v5 =	vld [tilespmem:s16+$0xFFFFFFF0];
	v6 =	vor.u32 s15, v0  }
0x350: {  	v7 =	vld [tilespmem:s16+$0x0];
	v8 =	vor.u32 s17, v0;
	_ =	sdelay $0x1  }
0x351: {  	[tilespmem:v3+s11+$0x0] =	vst.idx.msk $0xffff, v2  }
0x352: {  	[tilespmem:v1+s11+$0x0] =	vst.idx.msk $0xffff, v4  }
0x353: {  	[tilespmem:v6+s11+$0x0] =	vst.idx.msk $0xffff, v5  }
0x354: {  	[tilespmem:v8+s11+$0x0] =	vst.idx.msk $0xffff, v7  }
0x355: {  	s23 =	sld [smem:$0x7FD];
	_ =	sdelay $0x1  }
0x356: {  	s22 =	simm.s32 $0x0  }
0x357: {  	[hbm4b:s23+s22] =	stream.linear.scatter [tilespmem:s11], [sflag:$0x4], $0x4000, $0x38;
	[tilespmem:$0x10000] =	vst v63  }
0x358: {  	_ = 	snop  }
0x359: {  	[tilespmem:s7], [sflag:$0x2] =	stream.linear.gather [hbm4b:s29+s22], $0x4000, $0x38;
	[tilespmem:$0x10000] =	vst v63  }
0x35a: {  	s24 =	simm.s32 $0x20;
	s19 =	simm.s32 $0x10;
	_ =	swait.ge [sflag:s8], $0x4000  }
0x35b: {  	s25 =	simm.s32 $0x0;
	s18 =	simm.s32 $0x0;
	[sflag:s8] =	ssyncset.done $0x0  }
0x35c: {  	s15 =	sand.u32 $0x3F00, s22;
	s17 =	sand.u32 $0xC0, s25;
	[sflag:s8] =	ssyncadd.s32 $0xFFFFC000  }
0x35d: {  	s16 =	sand.u32 $0xE0, s24;
	s18 =	sand.u32 $0x1, s18;
	_ =	swait.ge [sflag:s12], $0x4000  }
0x35e: {  	s17 =	sor.u32 s17, s15;
	s16 =	sor.u32 s16, s15;
	[sflag:s12] =	ssyncset.done $0x0  }
0x35f: {  	s15 =	simm.s32 $0x2;
	s20 =	sor.u32 s18, s17;
	[sflag:s12] =	ssyncadd.s32 $0xFFFFC000  }
0x360: {  	s21 =	sor.u32 s18, s16;
	s17 =	simm.s32 $0x60;
	s18 =	simm.s32 $0x20;
	v3 =	vor.u32 s20, v0;
	v2 =	vld [tilespmem:s19+$0xFFFFFFF0]  }
0x361: {  	s16 =	simm.s32 $0x30;
	s24 =	sand.u32 $0x3F00, s18;
	v1 =	vor.u32 s21, v0;
	s23 =	simm.s32 $0x40;
	v4 =	vld [tilespmem:s19+$0x0]  }
0x362: {  	s25 =	sand.u32 $0xE0, s17;
	s23 =	sand.u32 $0xC0, s23;
	s22 =	simm.s32 $0x0  }
0x363: {  	s20 =	sor.u32 s25, s24;
	s21 =	sor.u32 s23, s24;
	s19 =	sand.u32 $0x1, s22  }
.LBB2_58:
0x364: {  	s15 =	sadd.s32 $0x2, s15  }
0x365: {  	s21 =	sor.u32 s19, s21;
	v5 =	vld [tilespmem:s16+$0x0];
	s19 =	sor.u32 s19, s20;
	[tilespmem:v3+s9+$0x0] =	vst.idx.msk $0xffff, v2;
	p0 =	slt.u32 s15, $0x3FE  }
.Ltmp28:
0x366: {  	s20 =	sshrl.u32 s15, $0x3;
	v2 =	vld [tilespmem:s16+$0xFFFFFFF0];
	v3 =	vor.u32 s21, v0;
	[tilespmem:v1+s9+$0x0] =	vst.idx.msk $0xffff, v4;
	v1 =	vor.u32 s19, v0;
	(pc) =	sbr.rel @p0 .LBB2_58-.Ltmp28, $4  }
0x367: {  	s17 =	sadd.s32 $0x40, s17  }
0x368: {  	s18 =	sadd.s32 $0x20, s18;
	s19 =	sadd.s32 $0xFFFFFFE0, s17;
	s16 =	sadd.s32 $0x20, s16  }
0x369: {  	s22 =	sand.u32 $0x3F00, s18;
	s23 =	sand.u32 $0xE0, s17;
	s21 =	sand.u32 $0xC0, s19  }
0x36a: {  	s19 =	sand.u32 $0x1, s20;
	s20 =	sor.u32 s23, s22;
	s21 =	sor.u32 s21, s22;
	v4 =	vmov v5  }
0x36b: {  	s15 =	sor.u32 s19, s21  }
0x36c: {  	s17 =	sor.u32 s19, s20;
	v5 =	vld [tilespmem:s16+$0xFFFFFFF0];
	v6 =	vor.u32 s15, v0  }
0x36d: {  	v7 =	vld [tilespmem:s16+$0x0];
	v8 =	vor.u32 s17, v0;
	_ =	sdelay $0x1  }
0x36e: {  	[tilespmem:v3+s9+$0x0] =	vst.idx.msk $0xffff, v2  }
0x36f: {  	[tilespmem:v1+s9+$0x0] =	vst.idx.msk $0xffff, v4  }
0x370: {  	[tilespmem:v6+s9+$0x0] =	vst.idx.msk $0xffff, v5  }
0x371: {  	s23 =	simm.s32 $0x0;
	[tilespmem:v8+s9+$0x0] =	vst.idx.msk $0xffff, v7  }
0x372: {  	[hbm4b:s28+s23] =	stream.linear.scatter [tilespmem:s9], [sflag:$0x3], $0x4000, $0x38;
	[tilespmem:$0x10000] =	vst v63  }
0x373: {  	_ = 	snop  }
0x374: {  	[tilespmem:s23], [sflag:$0x1] =	stream.linear.gather [hbm4b:s2+s23], $0x4000, $0x38;
	[tilespmem:$0x10000] =	vst v63  }
0x375: {  	s24 =	simm.s32 $0x20;
	s19 =	simm.s32 $0x4010;
	_ =	swait.ge [sflag:s10], $0x4000  }
0x376: {  	s25 =	simm.s32 $0x0;
	s18 =	simm.s32 $0x0;
	[sflag:s10] =	ssyncset.done $0x0  }
0x377: {  	s22 =	simm.s32 $0x0;
	s15 =	sand.u32 $0x3F00, s23;
	[sflag:s10] =	ssyncadd.s32 $0xFFFFC000  }
0x378: {  	s17 =	sand.u32 $0xC0, s25;
	s16 =	sand.u32 $0xE0, s24;
	_ =	swait.ge [sflag:s13], $0x4000  }
0x379: {  	s18 =	sand.u32 $0x1, s18;
	s17 =	sor.u32 s17, s15;
	[sflag:s13] =	ssyncset.done $0x0  }
0x37a: {  	s16 =	sor.u32 s16, s15;
	s20 =	sor.u32 s18, s17;
	[sflag:s13] =	ssyncadd.s32 $0xFFFFC000  }
0x37b: {  	s15 =	simm.s32 $0x2;
	s21 =	sor.u32 s18, s16;
	s17 =	simm.s32 $0x60;
	v3 =	vor.u32 s20, v0;
	v2 =	vld [tilespmem:s19+$0xFFFFFFF0]  }
0x37c: {  	s16 =	simm.s32 $0x4030;
	s18 =	simm.s32 $0x20;
	v1 =	vor.u32 s21, v0;
	s23 =	simm.s32 $0x40;
	v4 =	vld [tilespmem:s19+$0x0]  }
0x37d: {  	s24 =	sand.u32 $0x3F00, s18;
	s25 =	sand.u32 $0xE0, s17;
	s23 =	sand.u32 $0xC0, s23  }
0x37e: {  	s20 =	sor.u32 s25, s24;
	s21 =	sor.u32 s23, s24;
	s19 =	sand.u32 $0x1, s22  }
.LBB2_60:
0x37f: {  	s15 =	sadd.s32 $0x2, s15  }
0x380: {  	s21 =	sor.u32 s19, s21;
	v5 =	vld [tilespmem:s16+$0x0];
	s19 =	sor.u32 s19, s20;
	[tilespmem:v3+s11+$0x0] =	vst.idx.msk $0xffff, v2;
	p0 =	slt.u32 s15, $0x3FE  }
.Ltmp29:
0x381: {  	s20 =	sshrl.u32 s15, $0x3;
	v2 =	vld [tilespmem:s16+$0xFFFFFFF0];
	v3 =	vor.u32 s21, v0;
	[tilespmem:v1+s11+$0x0] =	vst.idx.msk $0xffff, v4;
	v1 =	vor.u32 s19, v0;
	(pc) =	sbr.rel @p0 .LBB2_60-.Ltmp29, $4  }
0x382: {  	s17 =	sadd.s32 $0x40, s17  }
0x383: {  	s18 =	sadd.s32 $0x20, s18;
	s19 =	sadd.s32 $0xFFFFFFE0, s17;
	s16 =	sadd.s32 $0x20, s16  }
0x384: {  	s22 =	sand.u32 $0x3F00, s18;
	s23 =	sand.u32 $0xE0, s17;
	s21 =	sand.u32 $0xC0, s19  }
0x385: {  	s19 =	sand.u32 $0x1, s20;
	s20 =	sor.u32 s23, s22;
	s21 =	sor.u32 s21, s22;
	v4 =	vmov v5  }
0x386: {  	s15 =	sor.u32 s19, s21  }
0x387: {  	s17 =	sor.u32 s19, s20;
	v5 =	vld [tilespmem:s16+$0xFFFFFFF0];
	v6 =	vor.u32 s15, v0  }
0x388: {  	v7 =	vld [tilespmem:s16+$0x0];
	v8 =	vor.u32 s17, v0;
	_ =	sdelay $0x1  }
0x389: {  	[tilespmem:v3+s11+$0x0] =	vst.idx.msk $0xffff, v2  }
0x38a: {  	[tilespmem:v1+s11+$0x0] =	vst.idx.msk $0xffff, v4  }
0x38b: {  	[tilespmem:v6+s11+$0x0] =	vst.idx.msk $0xffff, v5  }
0x38c: {  	s23 =	simm.s32 $0x0;
	[tilespmem:v8+s11+$0x0] =	vst.idx.msk $0xffff, v7  }
0x38d: {  	[hbm4b:s30+s23] =	stream.linear.scatter [tilespmem:s11], [sflag:$0x4], $0x4000, $0x38;
	[tilespmem:$0x10000] =	vst v63  }
0x38e: {  	_ = 	snop  }
0x38f: {  	[tilespmem:s7], [sflag:$0x2] =	stream.linear.gather [hbm4b:s3+s23], $0x4000, $0x38;
	[tilespmem:$0x10000] =	vst v63  }
0x390: {  	s24 =	simm.s32 $0x20;
	s19 =	simm.s32 $0x10;
	_ =	swait.ge [sflag:s8], $0x4000  }
0x391: {  	s25 =	simm.s32 $0x0;
	s18 =	simm.s32 $0x0;
	[sflag:s8] =	ssyncset.done $0x0  }
0x392: {  	s22 =	simm.s32 $0x0;
	s15 =	sand.u32 $0x3F00, s23;
	[sflag:s8] =	ssyncadd.s32 $0xFFFFC000  }
0x393: {  	s17 =	sand.u32 $0xC0, s25;
	s16 =	sand.u32 $0xE0, s24;
	_ =	swait.ge [sflag:s12], $0x4000  }
0x394: {  	s18 =	sand.u32 $0x1, s18;
	s17 =	sor.u32 s17, s15;
	[sflag:s12] =	ssyncset.done $0x0  }
0x395: {  	s16 =	sor.u32 s16, s15;
	s20 =	sor.u32 s18, s17;
	[sflag:s12] =	ssyncadd.s32 $0xFFFFC000  }
0x396: {  	s15 =	simm.s32 $0x2;
	s21 =	sor.u32 s18, s16;
	s17 =	simm.s32 $0x60;
	v3 =	vor.u32 s20, v0;
	v2 =	vld [tilespmem:s19+$0xFFFFFFF0]  }
0x397: {  	s16 =	simm.s32 $0x30;
	s18 =	simm.s32 $0x20;
	v1 =	vor.u32 s21, v0;
	s23 =	simm.s32 $0x40;
	v4 =	vld [tilespmem:s19+$0x0]  }
0x398: {  	s24 =	sand.u32 $0x3F00, s18;
	s25 =	sand.u32 $0xE0, s17;
	s23 =	sand.u32 $0xC0, s23  }
0x399: {  	s20 =	sor.u32 s25, s24;
	s21 =	sor.u32 s23, s24;
	s19 =	sand.u32 $0x1, s22  }
.LBB2_62:
0x39a: {  	s15 =	sadd.s32 $0x2, s15  }
0x39b: {  	s21 =	sor.u32 s19, s21;
	v5 =	vld [tilespmem:s16+$0x0];
	s19 =	sor.u32 s19, s20;
	[tilespmem:v3+s9+$0x0] =	vst.idx.msk $0xffff, v2;
	p0 =	slt.u32 s15, $0x3FE  }
.Ltmp30:
0x39c: {  	s20 =	sshrl.u32 s15, $0x3;
	v2 =	vld [tilespmem:s16+$0xFFFFFFF0];
	v3 =	vor.u32 s21, v0;
	[tilespmem:v1+s9+$0x0] =	vst.idx.msk $0xffff, v4;
	v1 =	vor.u32 s19, v0;
	(pc) =	sbr.rel @p0 .LBB2_62-.Ltmp30, $4  }
0x39d: {  	s17 =	sadd.s32 $0x40, s17  }
0x39e: {  	s18 =	sadd.s32 $0x20, s18;
	s19 =	sadd.s32 $0xFFFFFFE0, s17;
	s16 =	sadd.s32 $0x20, s16  }
0x39f: {  	s22 =	sand.u32 $0x3F00, s18;
	s23 =	sand.u32 $0xE0, s17;
	s21 =	sand.u32 $0xC0, s19  }
0x3a0: {  	s19 =	sand.u32 $0x1, s20;
	s20 =	sor.u32 s23, s22;
	s21 =	sor.u32 s21, s22;
	v4 =	vmov v5  }
0x3a1: {  	s15 =	sor.u32 s19, s21  }
0x3a2: {  	s17 =	sor.u32 s19, s20;
	v5 =	vld [tilespmem:s16+$0xFFFFFFF0];
	v6 =	vor.u32 s15, v0  }
0x3a3: {  	v7 =	vld [tilespmem:s16+$0x0];
	v8 =	vor.u32 s17, v0;
	_ =	sdelay $0x1  }
0x3a4: {  	[tilespmem:v3+s9+$0x0] =	vst.idx.msk $0xffff, v2  }
0x3a5: {  	[tilespmem:v1+s9+$0x0] =	vst.idx.msk $0xffff, v4  }
0x3a6: {  	[tilespmem:v6+s9+$0x0] =	vst.idx.msk $0xffff, v5  }
0x3a7: {  	s23 =	simm.s32 $0x0;
	[tilespmem:v8+s9+$0x0] =	vst.idx.msk $0xffff, v7  }
0x3a8: {  	[hbm4b:s4+s23] =	stream.linear.scatter [tilespmem:s9], [sflag:$0x3], $0x4000, $0x38;
	[tilespmem:$0x10000] =	vst v63  }
0x3a9: {  	s24 =	simm.s32 $0x20;
	s19 =	simm.s32 $0x4010;
	_ =	swait.ge [sflag:s10], $0x4000  }
0x3aa: {  	s25 =	simm.s32 $0x0;
	s18 =	simm.s32 $0x0;
	[sflag:s10] =	ssyncset.done $0x0  }
0x3ab: {  	s22 =	simm.s32 $0x0;
	s15 =	sand.u32 $0x3F00, s23;
	[sflag:s10] =	ssyncadd.s32 $0xFFFFC000  }
0x3ac: {  	s17 =	sand.u32 $0xC0, s25;
	s16 =	sand.u32 $0xE0, s24;
	_ =	swait.ge [sflag:s13], $0x4000  }
0x3ad: {  	s18 =	sand.u32 $0x1, s18;
	s17 =	sor.u32 s17, s15;
	[sflag:s13] =	ssyncset.done $0x0  }
0x3ae: {  	s16 =	sor.u32 s16, s15;
	s20 =	sor.u32 s18, s17;
	[sflag:s13] =	ssyncadd.s32 $0xFFFFC000  }
0x3af: {  	s15 =	simm.s32 $0x2;
	s21 =	sor.u32 s18, s16;
	s17 =	simm.s32 $0x60;
	v3 =	vor.u32 s20, v0;
	v2 =	vld [tilespmem:s19+$0xFFFFFFF0]  }
0x3b0: {  	s16 =	simm.s32 $0x4030;
	s18 =	simm.s32 $0x20;
	v1 =	vor.u32 s21, v0;
	s23 =	simm.s32 $0x40;
	v4 =	vld [tilespmem:s19+$0x0]  }
0x3b1: {  	s24 =	sand.u32 $0x3F00, s18;
	s25 =	sand.u32 $0xE0, s17;
	s23 =	sand.u32 $0xC0, s23  }
0x3b2: {  	s20 =	sor.u32 s25, s24;
	s21 =	sor.u32 s23, s24;
	s19 =	sand.u32 $0x1, s22  }
.LBB2_64:
0x3b3: {  	s15 =	sadd.s32 $0x2, s15  }
0x3b4: {  	s21 =	sor.u32 s19, s21;
	v5 =	vld [tilespmem:s16+$0x0];
	s19 =	sor.u32 s19, s20;
	[tilespmem:v3+s11+$0x0] =	vst.idx.msk $0xffff, v2;
	p0 =	slt.u32 s15, $0x3FE  }
.Ltmp31:
0x3b5: {  	s20 =	sshrl.u32 s15, $0x3;
	v2 =	vld [tilespmem:s16+$0xFFFFFFF0];
	v3 =	vor.u32 s21, v0;
	[tilespmem:v1+s11+$0x0] =	vst.idx.msk $0xffff, v4;
	v1 =	vor.u32 s19, v0;
	(pc) =	sbr.rel @p0 .LBB2_64-.Ltmp31, $4  }
0x3b6: {  	s17 =	sadd.s32 $0x40, s17  }
0x3b7: {  	s18 =	sadd.s32 $0x20, s18;
	s19 =	sadd.s32 $0xFFFFFFE0, s17;
	s16 =	sadd.s32 $0x20, s16  }
0x3b8: {  	s22 =	sand.u32 $0x3F00, s18;
	s23 =	sand.u32 $0xE0, s17;
	s21 =	sand.u32 $0xC0, s19  }
0x3b9: {  	s19 =	sand.u32 $0x1, s20;
	s20 =	sor.u32 s23, s22;
	s21 =	sor.u32 s21, s22;
	v4 =	vmov v5  }
0x3ba: {  	s15 =	sor.u32 s19, s21  }
0x3bb: {  	s17 =	sor.u32 s19, s20;
	v5 =	vld [tilespmem:s16+$0xFFFFFFF0];
	v6 =	vor.u32 s15, v0  }
0x3bc: {  	v7 =	vld [tilespmem:s16+$0x0];
	v8 =	vor.u32 s17, v0;
	_ =	sdelay $0x1  }
0x3bd: {  	[tilespmem:v3+s11+$0x0] =	vst.idx.msk $0xffff, v2  }
0x3be: {  	[tilespmem:v1+s11+$0x0] =	vst.idx.msk $0xffff, v4  }
0x3bf: {  	[tilespmem:v6+s11+$0x0] =	vst.idx.msk $0xffff, v5  }
0x3c0: {  	s14 =	sadd.s32 $0x1, s14;
	[tilespmem:v8+s11+$0x0] =	vst.idx.msk $0xffff, v7  }
0x3c1: {  	[hbm4b:s5+s1] =	stream.linear.scatter [tilespmem:s11], [sflag:$0x4], $0x4000, $0x38;
	[tilespmem:$0x10000] =	vst v63  }
0x3c2: {  	p0 =	sne.s32 s14, s6;
	_ =	swait.ge [sflag:s12], $0x4000  }
.Ltmp32:
0x3c3: {  	[sflag:s12] =	ssyncset.done $0x0;
	(pc) =	sbr.rel @p0 .LBB2_1-.Ltmp32, $4  }
0x3c4: {  	[sflag:s12] =	ssyncadd.s32 $0xFFFFC000  }
0x3c5: {  	_ =	swait.ge [sflag:s13], $0x4000  }
0x3c6: {  	[sflag:s13] =	ssyncset.done $0x0  }
0x3c7: {  	[sflag:s13] =	ssyncadd.s32 $0xFFFFC000  }
0x3c8: {  	_ =	sfence.sel $0x180000  }
0x3c9: {  	[bflag:$0x0] =	sbarrier.arrive $0xFFFF  }
0x3ca: {  	_ =	strace $0x90000047  }
0x3cb: {  	s0 =	stileid.u32;
	[bflag:$0x2] =	sbarrier.arrive $0xFFFF  }
0x3cc: {  	p0 =	sne.s32 s0, $0x0;
	s0 =	rddreg [dreg:$0x2]  }
0x3cd: {  	s0 =	sadd.s32 @!p0 $0x100000, s0  }
0x3ce: {  	[sflag:s0] =	ssyncadd.tile.s32 @!p0 $0x1;
	_ =	shalt  }
.Lfunc_end2:
_tile_overlayer_lowered:
.L_overlay_start_2:
0x3cf: {  	(tag) =	ssettag $0x2  }
0x3d0: {  	s0 =	rddreg [dreg:$0x0];
	s2 =	stileid.u32  }
0x3d1: {  	s1 =	rddreg [dreg:$0x1];
	p0 =	sne.s32 s2, $0x0  }
0x3d2: {  	s3 =	rddreg [dreg:$0x2];
	[bflag:$0x3] =	sbarrier.arrive $0xFFFF;
	s2 =	simm.s32 @!p0 $0x1C05  }
0x3d3: {  	[timem:s3], [sflag:s2] =	dma.local @!p0 [hbm:s0], s1  }
0x3d4: {  	s0 =	simm.s32 @!p0 $0x5  }
0x3d5: {  	_ =	swait.ge @!p0 [sflag:s0], s1  }
0x3d6: {  	s1 =	ssub.s32 @!p0 $0x0, s1;
	[sflag:s0] =	ssyncset.done @!p0 $0x0  }
0x3d7: {  	[sflag:s0] =	ssyncadd.s32 @!p0 s1  }
0x3d8: {  	[bflag:$0x3] =	sbarrier.arrive $0xFFFF  }
0x3d9: {  	_ =	shalt  }

</sc_bundles>
